<compile_context>
chip_gen: v7x
topology: tpu7x:2x2x1
jax: 0.10.2.dev20260603
libtpu: 0.0.44.dev20260713+nightly
codegen_flags: <defaults>
</compile_context>

<pallas_src>
import functools
import math

import jax
import jax.numpy as jnp
from jax import lax
from jax.experimental import pallas as pl
from jax.experimental.pallas import tpu as pltpu
from jax.experimental.pallas import tpu_sc as plsc

D_MODEL = 64
SCALE = math.sqrt(D_MODEL)

NC, NS, L = 2, 16, 16
NW = NC * NS

N_I = 4096
N_J = 200
LANE_BLK = 128
CPJ = 2
NCHUNK = N_J // CPJ
NBUF = 3
TPAD = 133


def _sc_embed(xq, lut):
    mesh = plsc.VectorSubcoreMesh(core_axis_name="c", subcore_axis_name="s")

    @functools.partial(
        pl.kernel,
        mesh=mesh,
        out_type=jax.ShapeDtypeStruct(
            (N_J, D_MODEL // 8, N_I // LANE_BLK, 8, LANE_BLK), jnp.float32
        ),
        scratch_types=[
            pltpu.VMEM((N_J // 8, 8 * LANE_BLK), jnp.int32),
            pltpu.VMEM((NBUF, CPJ * LANE_BLK, D_MODEL), jnp.float32),
            pltpu.VMEM((2, 8, 1, 8, TPAD), jnp.float32),
        ]
        + [pltpu.SemaphoreType.DMA] * NBUF
        + [pltpu.SemaphoreType.DMA] * 2,
        compiler_params=pltpu.CompilerParams(
            use_tc_tiling_on_sc=False, needs_layout_passes=False
        ),
    )
    def k(xq_hbm, lut_hbm, out_hbm, idx_v, g_v, t_v, *sems):
        gsem = sems[:NBUF]
        ssem = sems[NBUF:]
        c = lax.axis_index("c")
        s = lax.axis_index("s")
        wid = s * NC + c

        pltpu.sync_copy(xq_hbm.at[:, wid], idx_v)

        def gather(ck, b):
            per_row = 8 // CPJ
            jt = ck // per_row
            off = lax.rem(ck, per_row) * (CPJ * LANE_BLK)
            return pltpu.make_async_copy(
                lut_hbm.at[idx_v.at[jt, pl.ds(off, CPJ * LANE_BLK)]],
                g_v.at[b],
                gsem[b],
            )

        def scatter(j, ts):
            return pltpu.make_async_copy(
                t_v.at[ts, :, :, :, pl.ds(0, LANE_BLK)],
                out_hbm.at[j, :, pl.ds(wid, 1), :, :],
                ssem[ts],
            )

        for b in range(NBUF):
            gather(b, b).start()

        lane = lax.iota(jnp.int32, L)
        zero = jnp.full((L,), 0, jnp.int32)
        dhi = [lax.shift_right_logical(lane + q * L, 3) for q in range(D_MODEL // L)]
        dlo = [(lane + q * L) & 7 for q in range(D_MODEL // L)]

        def half(j, b, half_ix, ts):
            @pl.when(j >= 2)
            def _drain(j=j, ts=ts):
                scatter(j - 2, ts).wait()

            tref = t_v.at[ts]

            @plsc.parallel_loop(0, LANE_BLK, unroll=2)
            def _transpose(r):
                rcol = zero + r
                for q in range(D_MODEL // L):
                    v = g_v[b, half_ix * LANE_BLK + r, pl.ds(q * L, L)] * SCALE
                    plsc.store_scatter(tref, [dhi[q], zero, dlo[q], rcol], v)

            scatter(j, ts).start()

        def chunk(ck, b):
            gather(ck, b).wait()
            for h in range(CPJ):
                half(ck * CPJ + h, b, h, h)

            @pl.when(ck + NBUF < NCHUNK)
            def _refill(ck=ck, b=b):
                gather(ck + NBUF, b).start()

        def outer(u, carry):
            c0 = u * NBUF
            for p in range(NBUF):
                chunk(c0 + p, p)
            return carry

        lax.fori_loop(0, NCHUNK // NBUF, outer, 0)
        for p in range(NCHUNK % NBUF):
            chunk((NCHUNK // NBUF) * NBUF + p, p)

        for j in (N_J - 2, N_J - 1):
            scatter(j, j % 2).wait()

    return k(xq, lut)


def kernel(x, lut):
    xq = (
        x.T.reshape(N_J // 8, 8, N_I // LANE_BLK, LANE_BLK)
        .transpose(0, 2, 1, 3)
        .reshape(N_J // 8, N_I // LANE_BLK, 8 * LANE_BLK)
    )
    out5 = _sc_embed(xq, lut)
    return out5.transpose(2, 4, 0, 1, 3).reshape(N_I, N_J, D_MODEL)

# --- scband reference (transcript-rebuilt; emitter-appended) ---
"""Pipeline reference for scband-embeddings-6674379178495 (READ-ONLY COPY).

The authoritative reference and input builder live on the scoring server;
editing this copy changes nothing except your own understanding.
"""

import jax, jax.numpy as jnp
import numpy as np
import math

D_MODEL = 64
VOCAB = 1000000

def setup_inputs(seed: int = 0) -> dict:
    key = jax.random.key(seed)
    k1, k2 = jax.random.split(key)
    x = jax.random.randint(k1, (4096, 200), 0, VOCAB, dtype=jnp.int64 if jax.config.read('jax_enable_x64') else jnp.int32)
    lut = jax.random.normal(k2, (VOCAB, D_MODEL), dtype=jnp.float32)
    return {"x": x, "lut": lut}

def reference(x, lut):
    # Faithful translation of: self.lut(x) * math.sqrt(self.d_model)
    emb = jnp.take(lut, x, axis=0)
    return emb * math.sqrt(D_MODEL)

if __name__ == "__main__":
    import jax
    _d = setup_inputs()
    print(jax.jit(kernel)(*tuple(_d.values())))

</pallas_src>

<mosaic_0001>
#map = affine_map<(d0, d1) -> (0, 0, 0)>
#map1 = affine_map<(d0, d1) -> (0, 0)>
#map2 = affine_map<(d0, d1) -> (0, 0, 0, 0, 0)>
module attributes {stable_mosaic.version = 14 : i64} {
  func.func @k(%arg0: i32, %arg1: i32, %arg2: memref<25x32x1024xi32, #tpu.memory_space<hbm>>, %arg3: memref<1000000x64xf32, #tpu.memory_space<hbm>>, %arg4: memref<200x8x32x8x128xf32, #tpu.memory_space<hbm>>, %arg5: memref<25x1024xi32, #tpu.memory_space<vmem>>, %arg6: memref<3x256x64xf32, #tpu.memory_space<vmem>>, %arg7: memref<2x8x1x8x133xf32, #tpu.memory_space<vmem>>, %arg8: memref<!tpu.dma_semaphore, #tpu.memory_space<semaphore_mem>>, %arg9: memref<!tpu.dma_semaphore, #tpu.memory_space<semaphore_mem>>, %arg10: memref<!tpu.dma_semaphore, #tpu.memory_space<semaphore_mem>>, %arg11: memref<!tpu.dma_semaphore, #tpu.memory_space<semaphore_mem>>, %arg12: memref<!tpu.dma_semaphore, #tpu.memory_space<semaphore_mem>>) attributes {dimension_semantics = [#tpu.dimension_semantics<core_parallel>, #tpu.dimension_semantics<subcore_parallel>], iteration_bounds = array<i64: 2, 16>, scalar_prefetch = 0 : i64, scratch_operands = 8 : i64, tpu.core_type = #tpu.core_type<sc_vector_subcore>, window_params = [{transform_indices = #map}, {transform_indices = #map1}, {transform_indices = #map2}]} {
    %mul3A = arith.constant 2 : i32
    %mul3A_0 = arith.muli %arg1, %mul3A : i32
    %add3A = arith.addi %mul3A_0, %arg0 : i32
    "tpu.region"() ({
      %run_scoped3A = tpu.sem_alloc : memref<!tpu.dma_semaphore, #tpu.memory_space<semaphore_mem>>
      %dma_start3A_265 = arith.constant 0 : i32
      %dma_start3A_266 = arith.constant 0 : i32
      %dma_start3A_267 = tpu.memref_slice %arg2[%dma_start3A_265, %add3A, %dma_start3A_266] : memref<25x32x1024xi32, #tpu.memory_space<hbm>> -> memref<25x1x1024xi32, #tpu.memory_space<hbm>>
      %dma_start3A_268 = tpu.memref_squeeze %dma_start3A_267 : memref<25x1x1024xi32, #tpu.memory_space<hbm>> -> memref<25x1024xi32, #tpu.memory_space<hbm>>
      %dma_start3A_269 = arith.constant 0 : i32
      %dma_start3A_270 = arith.constant 0 : i32
      %dma_start3A_271 = tpu.memref_slice %arg2[%dma_start3A_269, %add3A, %dma_start3A_270] : memref<25x32x1024xi32, #tpu.memory_space<hbm>> -> memref<25x1x1024xi32, #tpu.memory_space<hbm>>
      %dma_start3A_272 = tpu.memref_squeeze %dma_start3A_271 : memref<25x1x1024xi32, #tpu.memory_space<hbm>> -> memref<25x1024xi32, #tpu.memory_space<hbm>>
      tpu.enqueue_dma source(%dma_start3A_272 : memref<25x1024xi32, #tpu.memory_space<hbm>>) target(%arg5 : memref<25x1024xi32, #tpu.memory_space<vmem>>) target_semaphore(%run_scoped3A : memref<!tpu.dma_semaphore, #tpu.memory_space<semaphore_mem>>)
      %dma_wait3A_273 = arith.constant 0 : i32
      %dma_wait3A_274 = arith.constant 0 : i32
      %dma_wait3A_275 = tpu.memref_slice %arg2[%dma_wait3A_273, %add3A, %dma_wait3A_274] : memref<25x32x1024xi32, #tpu.memory_space<hbm>> -> memref<25x1x1024xi32, #tpu.memory_space<hbm>>
      %dma_wait3A_276 = tpu.memref_squeeze %dma_wait3A_275 : memref<25x1x1024xi32, #tpu.memory_space<hbm>> -> memref<25x1024xi32, #tpu.memory_space<hbm>>
      %dma_wait3A_277 = arith.constant 0 : i32
      %dma_wait3A_278 = arith.constant 0 : i32
      %dma_wait3A_279 = tpu.memref_slice %arg2[%dma_wait3A_277, %add3A, %dma_wait3A_278] : memref<25x32x1024xi32, #tpu.memory_space<hbm>> -> memref<25x1x1024xi32, #tpu.memory_space<hbm>>
      %dma_wait3A_280 = tpu.memref_squeeze %dma_wait3A_279 : memref<25x1x1024xi32, #tpu.memory_space<hbm>> -> memref<25x1024xi32, #tpu.memory_space<hbm>>
      tpu.wait_dma2 semaphore(%run_scoped3A : memref<!tpu.dma_semaphore, #tpu.memory_space<semaphore_mem>>) src(%dma_wait3A_280 : memref<25x1024xi32, #tpu.memory_space<hbm>>) dst(%arg5 : memref<25x1024xi32, #tpu.memory_space<vmem>>)
      tpu.yield
    }) : () -> ()
    %rem3A = arith.constant 0 : i32
    %rem3A_1 = arith.constant 4 : i32
    %rem3A_2 = arith.remsi %rem3A, %rem3A_1 : i32
    %mul3A_3 = arith.constant 256 : i32
    %mul3A_4 = arith.muli %rem3A_2, %mul3A_3 : i32
    %dma_start3A = arith.constant 0 : i32
    %dma_start3A_5 = arith.constant 0 : i32
    %dma_start3A_6 = arith.constant 0 : i32
    %dma_start3A_7 = arith.constant 0 : i32
    %dma_start3A_8 = tpu.memref_slice %arg6[%dma_start3A_5, %dma_start3A_6, %dma_start3A_7] : memref<3x256x64xf32, #tpu.memory_space<vmem>> -> memref<1x256x64xf32, #tpu.memory_space<vmem>>
    %dma_start3A_9 = tpu.memref_squeeze %dma_start3A_8 : memref<1x256x64xf32, #tpu.memory_space<vmem>> -> memref<256x64xf32, #tpu.memory_space<vmem>>
    %dma_start3A_10 = tpu.memref_slice %arg5[%dma_start3A, %mul3A_4] : memref<25x1024xi32, #tpu.memory_space<vmem>> -> memref<1x256xi32, #tpu.memory_space<vmem>>
    %dma_start3A_11 = tpu.memref_squeeze %dma_start3A_10 : memref<1x256xi32, #tpu.memory_space<vmem>> -> memref<256xi32, #tpu.memory_space<vmem>>
    %dma_start3A_12 = arith.constant 0 : i32
    %dma_start3A_13 = arith.constant 0 : i32
    %dma_start3A_14 = tpu.memref_slice %arg3[%dma_start3A_12, %dma_start3A_13] : memref<1000000x64xf32, #tpu.memory_space<hbm>> -> memref<1000000x64xf32, #tpu.memory_space<hbm>>
    tpu.enqueue_indirect_dma source(%dma_start3A_14 : memref<1000000x64xf32, #tpu.memory_space<hbm>>) target(%dma_start3A_9 : memref<256x64xf32, #tpu.memory_space<vmem>>) offsets(%dma_start3A_11 : memref<256xi32, #tpu.memory_space<vmem>>) semaphore(%arg8 : memref<!tpu.dma_semaphore, #tpu.memory_space<semaphore_mem>>)
    %rem3A_15 = arith.constant 1 : i32
    %rem3A_16 = arith.constant 4 : i32
    %rem3A_17 = arith.remsi %rem3A_15, %rem3A_16 : i32
    %mul3A_18 = arith.constant 256 : i32
    %mul3A_19 = arith.muli %rem3A_17, %mul3A_18 : i32
    %dma_start3A_20 = arith.constant 0 : i32
    %dma_start3A_21 = arith.constant 1 : i32
    %dma_start3A_22 = arith.constant 0 : i32
    %dma_start3A_23 = arith.constant 0 : i32
    %dma_start3A_24 = tpu.memref_slice %arg6[%dma_start3A_21, %dma_start3A_22, %dma_start3A_23] : memref<3x256x64xf32, #tpu.memory_space<vmem>> -> memref<1x256x64xf32, #tpu.memory_space<vmem>>
    %dma_start3A_25 = tpu.memref_squeeze %dma_start3A_24 : memref<1x256x64xf32, #tpu.memory_space<vmem>> -> memref<256x64xf32, #tpu.memory_space<vmem>>
    %dma_start3A_26 = tpu.memref_slice %arg5[%dma_start3A_20, %mul3A_19] : memref<25x1024xi32, #tpu.memory_space<vmem>> -> memref<1x256xi32, #tpu.memory_space<vmem>>
    %dma_start3A_27 = tpu.memref_squeeze %dma_start3A_26 : memref<1x256xi32, #tpu.memory_space<vmem>> -> memref<256xi32, #tpu.memory_space<vmem>>
    %dma_start3A_28 = arith.constant 0 : i32
    %dma_start3A_29 = arith.constant 0 : i32
    %dma_start3A_30 = tpu.memref_slice %arg3[%dma_start3A_28, %dma_start3A_29] : memref<1000000x64xf32, #tpu.memory_space<hbm>> -> memref<1000000x64xf32, #tpu.memory_space<hbm>>
    tpu.enqueue_indirect_dma source(%dma_start3A_30 : memref<1000000x64xf32, #tpu.memory_space<hbm>>) target(%dma_start3A_25 : memref<256x64xf32, #tpu.memory_space<vmem>>) offsets(%dma_start3A_27 : memref<256xi32, #tpu.memory_space<vmem>>) semaphore(%arg9 : memref<!tpu.dma_semaphore, #tpu.memory_space<semaphore_mem>>)
    %rem3A_31 = arith.constant 2 : i32
    %rem3A_32 = arith.constant 4 : i32
    %rem3A_33 = arith.remsi %rem3A_31, %rem3A_32 : i32
    %mul3A_34 = arith.constant 256 : i32
    %mul3A_35 = arith.muli %rem3A_33, %mul3A_34 : i32
    %dma_start3A_36 = arith.constant 0 : i32
    %dma_start3A_37 = arith.constant 2 : i32
    %dma_start3A_38 = arith.constant 0 : i32
    %dma_start3A_39 = arith.constant 0 : i32
    %dma_start3A_40 = tpu.memref_slice %arg6[%dma_start3A_37, %dma_start3A_38, %dma_start3A_39] : memref<3x256x64xf32, #tpu.memory_space<vmem>> -> memref<1x256x64xf32, #tpu.memory_space<vmem>>
    %dma_start3A_41 = tpu.memref_squeeze %dma_start3A_40 : memref<1x256x64xf32, #tpu.memory_space<vmem>> -> memref<256x64xf32, #tpu.memory_space<vmem>>
    %dma_start3A_42 = tpu.memref_slice %arg5[%dma_start3A_36, %mul3A_35] : memref<25x1024xi32, #tpu.memory_space<vmem>> -> memref<1x256xi32, #tpu.memory_space<vmem>>
    %dma_start3A_43 = tpu.memref_squeeze %dma_start3A_42 : memref<1x256xi32, #tpu.memory_space<vmem>> -> memref<256xi32, #tpu.memory_space<vmem>>
    %dma_start3A_44 = arith.constant 0 : i32
    %dma_start3A_45 = arith.constant 0 : i32
    %dma_start3A_46 = tpu.memref_slice %arg3[%dma_start3A_44, %dma_start3A_45] : memref<1000000x64xf32, #tpu.memory_space<hbm>> -> memref<1000000x64xf32, #tpu.memory_space<hbm>>
    tpu.enqueue_indirect_dma source(%dma_start3A_46 : memref<1000000x64xf32, #tpu.memory_space<hbm>>) target(%dma_start3A_41 : memref<256x64xf32, #tpu.memory_space<vmem>>) offsets(%dma_start3A_43 : memref<256xi32, #tpu.memory_space<vmem>>) semaphore(%arg10 : memref<!tpu.dma_semaphore, #tpu.memory_space<semaphore_mem>>)
    %iota3A = tpu.iota {dimensions = array<i32: 0>} : vector<16xi32>
    %broadcast_in_dim3A = arith.constant 0 : i32
    %broadcast_in_dim3A_47 = vector.broadcast %broadcast_in_dim3A : i32 to vector<16xi32>
    %add3A_48 = arith.constant 0 : i32
    %add3A_49 = vector.broadcast %add3A_48 : i32 to vector<16xi32>
    %add3A_50 = arith.addi %iota3A, %add3A_49 : vector<16xi32>
    %shift_right_logical3A = arith.constant 3 : i32
    %shift_right_logical3A_51 = vector.broadcast %shift_right_logical3A : i32 to vector<16xi32>
    %shift_right_logical3A_52 = arith.shrui %add3A_50, %shift_right_logical3A_51 : vector<16xi32>
    %add3A_53 = arith.constant 16 : i32
    %add3A_54 = vector.broadcast %add3A_53 : i32 to vector<16xi32>
    %add3A_55 = arith.addi %iota3A, %add3A_54 : vector<16xi32>
    %shift_right_logical3A_56 = arith.constant 3 : i32
    %shift_right_logical3A_57 = vector.broadcast %shift_right_logical3A_56 : i32 to vector<16xi32>
    %shift_right_logical3A_58 = arith.shrui %add3A_55, %shift_right_logical3A_57 : vector<16xi32>
    %add3A_59 = arith.constant 32 : i32
    %add3A_60 = vector.broadcast %add3A_59 : i32 to vector<16xi32>
    %add3A_61 = arith.addi %iota3A, %add3A_60 : vector<16xi32>
    %shift_right_logical3A_62 = arith.constant 3 : i32
    %shift_right_logical3A_63 = vector.broadcast %shift_right_logical3A_62 : i32 to vector<16xi32>
    %shift_right_logical3A_64 = arith.shrui %add3A_61, %shift_right_logical3A_63 : vector<16xi32>
    %add3A_65 = arith.constant 48 : i32
    %add3A_66 = vector.broadcast %add3A_65 : i32 to vector<16xi32>
    %add3A_67 = arith.addi %iota3A, %add3A_66 : vector<16xi32>
    %shift_right_logical3A_68 = arith.constant 3 : i32
    %shift_right_logical3A_69 = vector.broadcast %shift_right_logical3A_68 : i32 to vector<16xi32>
    %shift_right_logical3A_70 = arith.shrui %add3A_67, %shift_right_logical3A_69 : vector<16xi32>
    %add3A_71 = arith.constant 0 : i32
    %add3A_72 = vector.broadcast %add3A_71 : i32 to vector<16xi32>
    %add3A_73 = arith.addi %iota3A, %add3A_72 : vector<16xi32>
    %and3A = arith.constant 7 : i32
    %and3A_74 = vector.broadcast %and3A : i32 to vector<16xi32>
    %and3A_75 = arith.andi %add3A_73, %and3A_74 : vector<16xi32>
    %add3A_76 = arith.constant 16 : i32
    %add3A_77 = vector.broadcast %add3A_76 : i32 to vector<16xi32>
    %add3A_78 = arith.addi %iota3A, %add3A_77 : vector<16xi32>
    %and3A_79 = arith.constant 7 : i32
    %and3A_80 = vector.broadcast %and3A_79 : i32 to vector<16xi32>
    %and3A_81 = arith.andi %add3A_78, %and3A_80 : vector<16xi32>
    %add3A_82 = arith.constant 32 : i32
    %add3A_83 = vector.broadcast %add3A_82 : i32 to vector<16xi32>
    %add3A_84 = arith.addi %iota3A, %add3A_83 : vector<16xi32>
    %and3A_85 = arith.constant 7 : i32
    %and3A_86 = vector.broadcast %and3A_85 : i32 to vector<16xi32>
    %and3A_87 = arith.andi %add3A_84, %and3A_86 : vector<16xi32>
    %add3A_88 = arith.constant 48 : i32
    %add3A_89 = vector.broadcast %add3A_88 : i32 to vector<16xi32>
    %add3A_90 = arith.addi %iota3A, %add3A_89 : vector<16xi32>
    %and3A_91 = arith.constant 7 : i32
    %and3A_92 = vector.broadcast %and3A_91 : i32 to vector<16xi32>
    %and3A_93 = arith.andi %add3A_90, %and3A_92 : vector<16xi32>
    %scan3A = arith.constant 0 : i32
    %scan3A_94 = arith.constant 0 : i32
    %scan3A_95 = arith.constant 33 : i32
    %scan3A_96 = arith.addi %scan3A_94, %scan3A_95 : i32
    %scan3A_97 = arith.constant 1 : i32
    scf.for %scan3A_265 = %scan3A_94 to %scan3A_96 step %scan3A_97  : i32 {
      %mul3A_266 = arith.constant 3 : i32
      %mul3A_267 = arith.muli %scan3A_265, %mul3A_266 : i32
      %add3A_268 = arith.constant 0 : i32
      %add3A_269 = arith.addi %mul3A_267, %add3A_268 : i32
      %jit3A = arith.constant 4 : i32
      %div3A = arith.divsi %add3A_269, %jit3A : i32
      %sign3A = arith.constant 0 : i32
      %sign3A_270 = arith.cmpi sgt, %add3A_269, %sign3A : i32
      %sign3A_271 = arith.extui %sign3A_270 : i1 to i32
      %sign3A_272 = arith.constant 0 : i32
      %sign3A_273 = arith.cmpi slt, %add3A_269, %sign3A_272 : i32
      %sign3A_274 = arith.extui %sign3A_273 : i1 to i32
      %sign3A_275 = arith.subi %sign3A_271, %sign3A_274 : i32
      %sign3A_276 = arith.constant 0 : i32
      %sign3A_277 = arith.cmpi sgt, %jit3A, %sign3A_276 : i32
      %sign3A_278 = arith.extui %sign3A_277 : i1 to i32
      %sign3A_279 = arith.constant 0 : i32
      %sign3A_280 = arith.cmpi slt, %jit3A, %sign3A_279 : i32
      %sign3A_281 = arith.extui %sign3A_280 : i1 to i32
      %sign3A_282 = arith.subi %sign3A_278, %sign3A_281 : i32
      %ne3A = arith.cmpi ne, %sign3A_275, %sign3A_282 : i32
      %rem3A_283 = arith.remsi %add3A_269, %jit3A : i32
      %ne3A_284 = arith.constant 0 : i32
      %ne3A_285 = arith.cmpi ne, %rem3A_283, %ne3A_284 : i32
      %and3A_286 = arith.andi %ne3A, %ne3A_285 : i1
      %sub3A = arith.constant 1 : i32
      %sub3A_287 = arith.subi %div3A, %sub3A : i32
      %select_n3A = arith.select %and3A_286, %sub3A_287, %div3A : i32
      %rem3A_288 = arith.constant 4 : i32
      %rem3A_289 = arith.remsi %add3A_269, %rem3A_288 : i32
      %mul3A_290 = arith.constant 256 : i32
      %mul3A_291 = arith.muli %rem3A_289, %mul3A_290 : i32
      %dma_wait3A_292 = arith.constant 0 : i32
      %dma_wait3A_293 = arith.constant 0 : i32
      %dma_wait3A_294 = arith.constant 0 : i32
      %dma_wait3A_295 = tpu.memref_slice %arg6[%dma_wait3A_292, %dma_wait3A_293, %dma_wait3A_294] : memref<3x256x64xf32, #tpu.memory_space<vmem>> -> memref<1x256x64xf32, #tpu.memory_space<vmem>>
      %dma_wait3A_296 = tpu.memref_squeeze %dma_wait3A_295 : memref<1x256x64xf32, #tpu.memory_space<vmem>> -> memref<256x64xf32, #tpu.memory_space<vmem>>
      %dma_wait3A_297 = tpu.memref_slice %arg5[%select_n3A, %mul3A_291] : memref<25x1024xi32, #tpu.memory_space<vmem>> -> memref<1x256xi32, #tpu.memory_space<vmem>>
      %dma_wait3A_298 = tpu.memref_squeeze %dma_wait3A_297 : memref<1x256xi32, #tpu.memory_space<vmem>> -> memref<256xi32, #tpu.memory_space<vmem>>
      %dma_wait3A_299 = arith.constant 0 : i32
      %dma_wait3A_300 = arith.constant 0 : i32
      %dma_wait3A_301 = tpu.memref_slice %arg3[%dma_wait3A_299, %dma_wait3A_300] : memref<1000000x64xf32, #tpu.memory_space<hbm>> -> memref<1000000x64xf32, #tpu.memory_space<hbm>>
      tpu.wait_indirect_dma semaphore(%arg8 : memref<!tpu.dma_semaphore, #tpu.memory_space<semaphore_mem>>) src(%dma_wait3A_301 : memref<1000000x64xf32, #tpu.memory_space<hbm>>) dst(%dma_wait3A_296 : memref<256x64xf32, #tpu.memory_space<vmem>>)
      %mul3A_302 = arith.constant 2 : i32
      %mul3A_303 = arith.muli %add3A_269, %mul3A_302 : i32
      %add3A_304 = arith.constant 0 : i32
      %add3A_305 = arith.addi %mul3A_303, %add3A_304 : i32
      %ge3A = arith.constant 2 : i32
      %ge3A_306 = arith.cmpi sge, %add3A_305, %ge3A : i32
      %convert_element_type3A = arith.extui %ge3A_306 : i1 to i32
      %cond3A = arith.constant 0 : i32
      %cond3A_307 = arith.cmpi ne, %convert_element_type3A, %cond3A : i32
      scf.if %cond3A_307 {
        %sub3A_615 = arith.constant 2 : i32
        %sub3A_616 = arith.subi %add3A_305, %sub3A_615 : i32
        %dma_wait3A_617 = arith.constant 0 : i32
        %dma_wait3A_618 = arith.constant 0 : i32
        %dma_wait3A_619 = arith.constant 0 : i32
        %dma_wait3A_620 = arith.constant 0 : i32
        %dma_wait3A_621 = arith.constant 0 : i32
        %dma_wait3A_622 = tpu.memref_slice %arg7[%dma_wait3A_617, %dma_wait3A_618, %dma_wait3A_619, %dma_wait3A_620, %dma_wait3A_621] : memref<2x8x1x8x133xf32, #tpu.memory_space<vmem>> -> memref<1x8x1x8x128xf32, #tpu.memory_space<vmem>>
        %dma_wait3A_623 = tpu.memref_squeeze %dma_wait3A_622 : memref<1x8x1x8x128xf32, #tpu.memory_space<vmem>> -> memref<8x1x8x128xf32, #tpu.memory_space<vmem>>
        %dma_wait3A_624 = arith.constant 0 : i32
        %dma_wait3A_625 = arith.constant 0 : i32
        %dma_wait3A_626 = arith.constant 0 : i32
        %dma_wait3A_627 = tpu.memref_slice %arg4[%sub3A_616, %dma_wait3A_624, %add3A, %dma_wait3A_625, %dma_wait3A_626] : memref<200x8x32x8x128xf32, #tpu.memory_space<hbm>> -> memref<1x8x1x8x128xf32, #tpu.memory_space<hbm>>
        %dma_wait3A_628 = tpu.memref_squeeze %dma_wait3A_627 : memref<1x8x1x8x128xf32, #tpu.memory_space<hbm>> -> memref<8x1x8x128xf32, #tpu.memory_space<hbm>>
        %dma_wait3A_629 = arith.constant 0 : i32
        %dma_wait3A_630 = arith.constant 0 : i32
        %dma_wait3A_631 = arith.constant 0 : i32
        %dma_wait3A_632 = tpu.memref_slice %arg4[%sub3A_616, %dma_wait3A_629, %add3A, %dma_wait3A_630, %dma_wait3A_631] : memref<200x8x32x8x128xf32, #tpu.memory_space<hbm>> -> memref<1x8x1x8x128xf32, #tpu.memory_space<hbm>>
        %dma_wait3A_633 = tpu.memref_squeeze %dma_wait3A_632 : memref<1x8x1x8x128xf32, #tpu.memory_space<hbm>> -> memref<8x1x8x128xf32, #tpu.memory_space<hbm>>
        %dma_wait3A_634 = arith.constant 0 : i32
        %dma_wait3A_635 = arith.constant 0 : i32
        %dma_wait3A_636 = arith.constant 0 : i32
        %dma_wait3A_637 = arith.constant 0 : i32
        %dma_wait3A_638 = tpu.memref_slice %arg7[%dma_wait3A_617, %dma_wait3A_634, %dma_wait3A_635, %dma_wait3A_636, %dma_wait3A_637] : memref<2x8x1x8x133xf32, #tpu.memory_space<vmem>> -> memref<1x8x1x8x128xf32, #tpu.memory_space<vmem>>
        %dma_wait3A_639 = tpu.memref_squeeze %dma_wait3A_638 : memref<1x8x1x8x128xf32, #tpu.memory_space<vmem>> -> memref<8x1x8x128xf32, #tpu.memory_space<vmem>>
        tpu.wait_dma2 semaphore(%arg11 : memref<!tpu.dma_semaphore, #tpu.memory_space<semaphore_mem>>) src(%dma_wait3A_639 : memref<8x1x8x128xf32, #tpu.memory_space<vmem>>) dst(%dma_wait3A_633 : memref<8x1x8x128xf32, #tpu.memory_space<hbm>>)
      } else {
      }
      %parallel_loop3A_308 = arith.constant 0 : i32
      %parallel_loop3A_309 = arith.constant 128 : i32
      %parallel_loop3A_310 = arith.constant 1 : i32
      %parallel_loop3A_311 = arith.constant 0 : i32
      scf.for %parallel_loop3A_615 = %parallel_loop3A_308 to %parallel_loop3A_309 step %parallel_loop3A_310  : i32 {
        %parallel_loop3A_616 = vector.broadcast %parallel_loop3A_615 : i32 to vector<16xi32>
        %parallel_loop3A_617 = arith.addi %broadcast_in_dim3A_47, %parallel_loop3A_616 : vector<16xi32>
        %parallel_loop3A_618 = arith.constant 0 : i32
        %parallel_loop3A_619 = arith.addi %parallel_loop3A_618, %parallel_loop3A_615 : i32
        %parallel_loop3A_620 = arith.constant 0 : i32
        %parallel_loop3A_621 = arith.index_cast %parallel_loop3A_620 : i32 to index
        %parallel_loop3A_622 = arith.index_cast %parallel_loop3A_619 : i32 to index
        %parallel_loop3A_623 = arith.constant 0 : index
        %parallel_loop3A_624 = tpu.vector_load %arg6[%parallel_loop3A_621, %parallel_loop3A_622, %parallel_loop3A_623] {strides = array<i32>} : memref<3x256x64xf32, #tpu.memory_space<vmem>>, vector<16xf32>,
        %parallel_loop3A_625 = arith.constant 8.000000e+00 : f32
        %parallel_loop3A_626 = vector.broadcast %parallel_loop3A_625 : f32 to vector<16xf32>
        %parallel_loop3A_627 = arith.mulf %parallel_loop3A_624, %parallel_loop3A_626 : vector<16xf32>
        %parallel_loop3A_628 = arith.constant 0 : i32
        %parallel_loop3A_629 = arith.constant 0 : i32
        %parallel_loop3A_630 = arith.constant 0 : i32
        %parallel_loop3A_631 = arith.constant 0 : i32
        %parallel_loop3A_632 = tpu.memref_slice %arg7[%parallel_loop3A_311, %parallel_loop3A_628, %parallel_loop3A_629, %parallel_loop3A_630, %parallel_loop3A_631] : memref<2x8x1x8x133xf32, #tpu.memory_space<vmem>> -> memref<1x8x1x8x133xf32, #tpu.memory_space<vmem>>
        %parallel_loop3A_633 = tpu.memref_squeeze %parallel_loop3A_632 : memref<1x8x1x8x133xf32, #tpu.memory_space<vmem>> -> memref<8x1x8x133xf32, #tpu.memory_space<vmem>>
        tpu.vector_store_idx %parallel_loop3A_633[%shift_right_logical3A_52, %broadcast_in_dim3A_47, %and3A_75, %parallel_loop3A_617], %parallel_loop3A_627 : memref<8x1x8x133xf32, #tpu.memory_space<vmem>>[vector<16xi32>, vector<16xi32>, vector<16xi32>, vector<16xi32>], vector<16xf32>,
        %parallel_loop3A_634 = arith.constant 0 : i32
        %parallel_loop3A_635 = arith.addi %parallel_loop3A_634, %parallel_loop3A_615 : i32
        %parallel_loop3A_636 = arith.constant 0 : i32
        %parallel_loop3A_637 = arith.index_cast %parallel_loop3A_636 : i32 to index
        %parallel_loop3A_638 = arith.index_cast %parallel_loop3A_635 : i32 to index
        %parallel_loop3A_639 = arith.constant 16 : index
        %parallel_loop3A_640 = tpu.vector_load %arg6[%parallel_loop3A_637, %parallel_loop3A_638, %parallel_loop3A_639] {strides = array<i32>} : memref<3x256x64xf32, #tpu.memory_space<vmem>>, vector<16xf32>,
        %parallel_loop3A_641 = arith.constant 8.000000e+00 : f32
        %parallel_loop3A_642 = vector.broadcast %parallel_loop3A_641 : f32 to vector<16xf32>
        %parallel_loop3A_643 = arith.mulf %parallel_loop3A_640, %parallel_loop3A_642 : vector<16xf32>
        %parallel_loop3A_644 = arith.constant 0 : i32
        %parallel_loop3A_645 = arith.constant 0 : i32
        %parallel_loop3A_646 = arith.constant 0 : i32
        %parallel_loop3A_647 = arith.constant 0 : i32
        %parallel_loop3A_648 = tpu.memref_slice %arg7[%parallel_loop3A_311, %parallel_loop3A_644, %parallel_loop3A_645, %parallel_loop3A_646, %parallel_loop3A_647] : memref<2x8x1x8x133xf32, #tpu.memory_space<vmem>> -> memref<1x8x1x8x133xf32, #tpu.memory_space<vmem>>
        %parallel_loop3A_649 = tpu.memref_squeeze %parallel_loop3A_648 : memref<1x8x1x8x133xf32, #tpu.memory_space<vmem>> -> memref<8x1x8x133xf32, #tpu.memory_space<vmem>>
        tpu.vector_store_idx %parallel_loop3A_649[%shift_right_logical3A_58, %broadcast_in_dim3A_47, %and3A_81, %parallel_loop3A_617], %parallel_loop3A_643 : memref<8x1x8x133xf32, #tpu.memory_space<vmem>>[vector<16xi32>, vector<16xi32>, vector<16xi32>, vector<16xi32>], vector<16xf32>,
        %parallel_loop3A_650 = arith.constant 0 : i32
        %parallel_loop3A_651 = arith.addi %parallel_loop3A_650, %parallel_loop3A_615 : i32
        %parallel_loop3A_652 = arith.constant 0 : i32
        %parallel_loop3A_653 = arith.index_cast %parallel_loop3A_652 : i32 to index
        %parallel_loop3A_654 = arith.index_cast %parallel_loop3A_651 : i32 to index
        %parallel_loop3A_655 = arith.constant 32 : index
        %parallel_loop3A_656 = tpu.vector_load %arg6[%parallel_loop3A_653, %parallel_loop3A_654, %parallel_loop3A_655] {strides = array<i32>} : memref<3x256x64xf32, #tpu.memory_space<vmem>>, vector<16xf32>,
        %parallel_loop3A_657 = arith.constant 8.000000e+00 : f32
        %parallel_loop3A_658 = vector.broadcast %parallel_loop3A_657 : f32 to vector<16xf32>
        %parallel_loop3A_659 = arith.mulf %parallel_loop3A_656, %parallel_loop3A_658 : vector<16xf32>
        %parallel_loop3A_660 = arith.constant 0 : i32
        %parallel_loop3A_661 = arith.constant 0 : i32
        %parallel_loop3A_662 = arith.constant 0 : i32
        %parallel_loop3A_663 = arith.constant 0 : i32
        %parallel_loop3A_664 = tpu.memref_slice %arg7[%parallel_loop3A_311, %parallel_loop3A_660, %parallel_loop3A_661, %parallel_loop3A_662, %parallel_loop3A_663] : memref<2x8x1x8x133xf32, #tpu.memory_space<vmem>> -> memref<1x8x1x8x133xf32, #tpu.memory_space<vmem>>
        %parallel_loop3A_665 = tpu.memref_squeeze %parallel_loop3A_664 : memref<1x8x1x8x133xf32, #tpu.memory_space<vmem>> -> memref<8x1x8x133xf32, #tpu.memory_space<vmem>>
        tpu.vector_store_idx %parallel_loop3A_665[%shift_right_logical3A_64, %broadcast_in_dim3A_47, %and3A_87, %parallel_loop3A_617], %parallel_loop3A_659 : memref<8x1x8x133xf32, #tpu.memory_space<vmem>>[vector<16xi32>, vector<16xi32>, vector<16xi32>, vector<16xi32>], vector<16xf32>,
        %parallel_loop3A_666 = arith.constant 0 : i32
        %parallel_loop3A_667 = arith.addi %parallel_loop3A_666, %parallel_loop3A_615 : i32
        %parallel_loop3A_668 = arith.constant 0 : i32
        %parallel_loop3A_669 = arith.index_cast %parallel_loop3A_668 : i32 to index
        %parallel_loop3A_670 = arith.index_cast %parallel_loop3A_667 : i32 to index
        %parallel_loop3A_671 = arith.constant 48 : index
        %parallel_loop3A_672 = tpu.vector_load %arg6[%parallel_loop3A_669, %parallel_loop3A_670, %parallel_loop3A_671] {strides = array<i32>} : memref<3x256x64xf32, #tpu.memory_space<vmem>>, vector<16xf32>,
        %parallel_loop3A_673 = arith.constant 8.000000e+00 : f32
        %parallel_loop3A_674 = vector.broadcast %parallel_loop3A_673 : f32 to vector<16xf32>
        %parallel_loop3A_675 = arith.mulf %parallel_loop3A_672, %parallel_loop3A_674 : vector<16xf32>
        %parallel_loop3A_676 = arith.constant 0 : i32
        %parallel_loop3A_677 = arith.constant 0 : i32
        %parallel_loop3A_678 = arith.constant 0 : i32
        %parallel_loop3A_679 = arith.constant 0 : i32
        %parallel_loop3A_680 = tpu.memref_slice %arg7[%parallel_loop3A_311, %parallel_loop3A_676, %parallel_loop3A_677, %parallel_loop3A_678, %parallel_loop3A_679] : memref<2x8x1x8x133xf32, #tpu.memory_space<vmem>> -> memref<1x8x1x8x133xf32, #tpu.memory_space<vmem>>
        %parallel_loop3A_681 = tpu.memref_squeeze %parallel_loop3A_680 : memref<1x8x1x8x133xf32, #tpu.memory_space<vmem>> -> memref<8x1x8x133xf32, #tpu.memory_space<vmem>>
        tpu.vector_store_idx %parallel_loop3A_681[%shift_right_logical3A_70, %broadcast_in_dim3A_47, %and3A_93, %parallel_loop3A_617], %parallel_loop3A_675 : memref<8x1x8x133xf32, #tpu.memory_space<vmem>>[vector<16xi32>, vector<16xi32>, vector<16xi32>, vector<16xi32>], vector<16xf32>,
      } {sc.loop_unroll_factor = 2 : i64, sc.parallel_access}
      %dma_start3A_312 = arith.constant 0 : i32
      %dma_start3A_313 = arith.constant 0 : i32
      %dma_start3A_314 = arith.constant 0 : i32
      %dma_start3A_315 = arith.constant 0 : i32
      %dma_start3A_316 = arith.constant 0 : i32
      %dma_start3A_317 = tpu.memref_slice %arg7[%dma_start3A_312, %dma_start3A_313, %dma_start3A_314, %dma_start3A_315, %dma_start3A_316] : memref<2x8x1x8x133xf32, #tpu.memory_space<vmem>> -> memref<1x8x1x8x128xf32, #tpu.memory_space<vmem>>
      %dma_start3A_318 = tpu.memref_squeeze %dma_start3A_317 : memref<1x8x1x8x128xf32, #tpu.memory_space<vmem>> -> memref<8x1x8x128xf32, #tpu.memory_space<vmem>>
      %dma_start3A_319 = arith.constant 0 : i32
      %dma_start3A_320 = arith.constant 0 : i32
      %dma_start3A_321 = arith.constant 0 : i32
      %dma_start3A_322 = tpu.memref_slice %arg4[%add3A_305, %dma_start3A_319, %add3A, %dma_start3A_320, %dma_start3A_321] : memref<200x8x32x8x128xf32, #tpu.memory_space<hbm>> -> memref<1x8x1x8x128xf32, #tpu.memory_space<hbm>>
      %dma_start3A_323 = tpu.memref_squeeze %dma_start3A_322 : memref<1x8x1x8x128xf32, #tpu.memory_space<hbm>> -> memref<8x1x8x128xf32, #tpu.memory_space<hbm>>
      %dma_start3A_324 = arith.constant 0 : i32
      %dma_start3A_325 = arith.constant 0 : i32
      %dma_start3A_326 = arith.constant 0 : i32
      %dma_start3A_327 = tpu.memref_slice %arg4[%add3A_305, %dma_start3A_324, %add3A, %dma_start3A_325, %dma_start3A_326] : memref<200x8x32x8x128xf32, #tpu.memory_space<hbm>> -> memref<1x8x1x8x128xf32, #tpu.memory_space<hbm>>
      %dma_start3A_328 = tpu.memref_squeeze %dma_start3A_327 : memref<1x8x1x8x128xf32, #tpu.memory_space<hbm>> -> memref<8x1x8x128xf32, #tpu.memory_space<hbm>>
      %dma_start3A_329 = arith.constant 0 : i32
      %dma_start3A_330 = arith.constant 0 : i32
      %dma_start3A_331 = arith.constant 0 : i32
      %dma_start3A_332 = arith.constant 0 : i32
      %dma_start3A_333 = tpu.memref_slice %arg7[%dma_start3A_312, %dma_start3A_329, %dma_start3A_330, %dma_start3A_331, %dma_start3A_332] : memref<2x8x1x8x133xf32, #tpu.memory_space<vmem>> -> memref<1x8x1x8x128xf32, #tpu.memory_space<vmem>>
      %dma_start3A_334 = tpu.memref_squeeze %dma_start3A_333 : memref<1x8x1x8x128xf32, #tpu.memory_space<vmem>> -> memref<8x1x8x128xf32, #tpu.memory_space<vmem>>
      tpu.enqueue_dma source(%dma_start3A_334 : memref<8x1x8x128xf32, #tpu.memory_space<vmem>>) target(%dma_start3A_328 : memref<8x1x8x128xf32, #tpu.memory_space<hbm>>) target_semaphore(%arg11 : memref<!tpu.dma_semaphore, #tpu.memory_space<semaphore_mem>>)
      %mul3A_335 = arith.constant 2 : i32
      %mul3A_336 = arith.muli %add3A_269, %mul3A_335 : i32
      %add3A_337 = arith.constant 1 : i32
      %add3A_338 = arith.addi %mul3A_336, %add3A_337 : i32
      %ge3A_339 = arith.constant 2 : i32
      %ge3A_340 = arith.cmpi sge, %add3A_338, %ge3A_339 : i32
      %convert_element_type3A_341 = arith.extui %ge3A_340 : i1 to i32
      %cond3A_342 = arith.constant 0 : i32
      %cond3A_343 = arith.cmpi ne, %convert_element_type3A_341, %cond3A_342 : i32
      scf.if %cond3A_343 {
        %sub3A_615 = arith.constant 2 : i32
        %sub3A_616 = arith.subi %add3A_338, %sub3A_615 : i32
        %dma_wait3A_617 = arith.constant 1 : i32
        %dma_wait3A_618 = arith.constant 0 : i32
        %dma_wait3A_619 = arith.constant 0 : i32
        %dma_wait3A_620 = arith.constant 0 : i32
        %dma_wait3A_621 = arith.constant 0 : i32
        %dma_wait3A_622 = tpu.memref_slice %arg7[%dma_wait3A_617, %dma_wait3A_618, %dma_wait3A_619, %dma_wait3A_620, %dma_wait3A_621] : memref<2x8x1x8x133xf32, #tpu.memory_space<vmem>> -> memref<1x8x1x8x128xf32, #tpu.memory_space<vmem>>
        %dma_wait3A_623 = tpu.memref_squeeze %dma_wait3A_622 : memref<1x8x1x8x128xf32, #tpu.memory_space<vmem>> -> memref<8x1x8x128xf32, #tpu.memory_space<vmem>>
        %dma_wait3A_624 = arith.constant 0 : i32
        %dma_wait3A_625 = arith.constant 0 : i32
        %dma_wait3A_626 = arith.constant 0 : i32
        %dma_wait3A_627 = tpu.memref_slice %arg4[%sub3A_616, %dma_wait3A_624, %add3A, %dma_wait3A_625, %dma_wait3A_626] : memref<200x8x32x8x128xf32, #tpu.memory_space<hbm>> -> memref<1x8x1x8x128xf32, #tpu.memory_space<hbm>>
        %dma_wait3A_628 = tpu.memref_squeeze %dma_wait3A_627 : memref<1x8x1x8x128xf32, #tpu.memory_space<hbm>> -> memref<8x1x8x128xf32, #tpu.memory_space<hbm>>
        %dma_wait3A_629 = arith.constant 0 : i32
        %dma_wait3A_630 = arith.constant 0 : i32
        %dma_wait3A_631 = arith.constant 0 : i32
        %dma_wait3A_632 = tpu.memref_slice %arg4[%sub3A_616, %dma_wait3A_629, %add3A, %dma_wait3A_630, %dma_wait3A_631] : memref<200x8x32x8x128xf32, #tpu.memory_space<hbm>> -> memref<1x8x1x8x128xf32, #tpu.memory_space<hbm>>
        %dma_wait3A_633 = tpu.memref_squeeze %dma_wait3A_632 : memref<1x8x1x8x128xf32, #tpu.memory_space<hbm>> -> memref<8x1x8x128xf32, #tpu.memory_space<hbm>>
        %dma_wait3A_634 = arith.constant 0 : i32
        %dma_wait3A_635 = arith.constant 0 : i32
        %dma_wait3A_636 = arith.constant 0 : i32
        %dma_wait3A_637 = arith.constant 0 : i32
        %dma_wait3A_638 = tpu.memref_slice %arg7[%dma_wait3A_617, %dma_wait3A_634, %dma_wait3A_635, %dma_wait3A_636, %dma_wait3A_637] : memref<2x8x1x8x133xf32, #tpu.memory_space<vmem>> -> memref<1x8x1x8x128xf32, #tpu.memory_space<vmem>>
        %dma_wait3A_639 = tpu.memref_squeeze %dma_wait3A_638 : memref<1x8x1x8x128xf32, #tpu.memory_space<vmem>> -> memref<8x1x8x128xf32, #tpu.memory_space<vmem>>
        tpu.wait_dma2 semaphore(%arg12 : memref<!tpu.dma_semaphore, #tpu.memory_space<semaphore_mem>>) src(%dma_wait3A_639 : memref<8x1x8x128xf32, #tpu.memory_space<vmem>>) dst(%dma_wait3A_633 : memref<8x1x8x128xf32, #tpu.memory_space<hbm>>)
      } else {
      }
      %parallel_loop3A_344 = arith.constant 0 : i32
      %parallel_loop3A_345 = arith.constant 128 : i32
      %parallel_loop3A_346 = arith.constant 1 : i32
      %parallel_loop3A_347 = arith.constant 1 : i32
      scf.for %parallel_loop3A_615 = %parallel_loop3A_344 to %parallel_loop3A_345 step %parallel_loop3A_346  : i32 {
        %parallel_loop3A_616 = vector.broadcast %parallel_loop3A_615 : i32 to vector<16xi32>
        %parallel_loop3A_617 = arith.addi %broadcast_in_dim3A_47, %parallel_loop3A_616 : vector<16xi32>
        %parallel_loop3A_618 = arith.constant 128 : i32
        %parallel_loop3A_619 = arith.addi %parallel_loop3A_618, %parallel_loop3A_615 : i32
        %parallel_loop3A_620 = arith.constant 0 : i32
        %parallel_loop3A_621 = arith.index_cast %parallel_loop3A_620 : i32 to index
        %parallel_loop3A_622 = arith.index_cast %parallel_loop3A_619 : i32 to index
        %parallel_loop3A_623 = arith.constant 0 : index
        %parallel_loop3A_624 = tpu.vector_load %arg6[%parallel_loop3A_621, %parallel_loop3A_622, %parallel_loop3A_623] {strides = array<i32>} : memref<3x256x64xf32, #tpu.memory_space<vmem>>, vector<16xf32>,
        %parallel_loop3A_625 = arith.constant 8.000000e+00 : f32
        %parallel_loop3A_626 = vector.broadcast %parallel_loop3A_625 : f32 to vector<16xf32>
        %parallel_loop3A_627 = arith.mulf %parallel_loop3A_624, %parallel_loop3A_626 : vector<16xf32>
        %parallel_loop3A_628 = arith.constant 0 : i32
        %parallel_loop3A_629 = arith.constant 0 : i32
        %parallel_loop3A_630 = arith.constant 0 : i32
        %parallel_loop3A_631 = arith.constant 0 : i32
        %parallel_loop3A_632 = tpu.memref_slice %arg7[%parallel_loop3A_347, %parallel_loop3A_628, %parallel_loop3A_629, %parallel_loop3A_630, %parallel_loop3A_631] : memref<2x8x1x8x133xf32, #tpu.memory_space<vmem>> -> memref<1x8x1x8x133xf32, #tpu.memory_space<vmem>>
        %parallel_loop3A_633 = tpu.memref_squeeze %parallel_loop3A_632 : memref<1x8x1x8x133xf32, #tpu.memory_space<vmem>> -> memref<8x1x8x133xf32, #tpu.memory_space<vmem>>
        tpu.vector_store_idx %parallel_loop3A_633[%shift_right_logical3A_52, %broadcast_in_dim3A_47, %and3A_75, %parallel_loop3A_617], %parallel_loop3A_627 : memref<8x1x8x133xf32, #tpu.memory_space<vmem>>[vector<16xi32>, vector<16xi32>, vector<16xi32>, vector<16xi32>], vector<16xf32>,
        %parallel_loop3A_634 = arith.constant 128 : i32
        %parallel_loop3A_635 = arith.addi %parallel_loop3A_634, %parallel_loop3A_615 : i32
        %parallel_loop3A_636 = arith.constant 0 : i32
        %parallel_loop3A_637 = arith.index_cast %parallel_loop3A_636 : i32 to index
        %parallel_loop3A_638 = arith.index_cast %parallel_loop3A_635 : i32 to index
        %parallel_loop3A_639 = arith.constant 16 : index
        %parallel_loop3A_640 = tpu.vector_load %arg6[%parallel_loop3A_637, %parallel_loop3A_638, %parallel_loop3A_639] {strides = array<i32>} : memref<3x256x64xf32, #tpu.memory_space<vmem>>, vector<16xf32>,
        %parallel_loop3A_641 = arith.constant 8.000000e+00 : f32
        %parallel_loop3A_642 = vector.broadcast %parallel_loop3A_641 : f32 to vector<16xf32>
        %parallel_loop3A_643 = arith.mulf %parallel_loop3A_640, %parallel_loop3A_642 : vector<16xf32>
        %parallel_loop3A_644 = arith.constant 0 : i32
        %parallel_loop3A_645 = arith.constant 0 : i32
        %parallel_loop3A_646 = arith.constant 0 : i32
        %parallel_loop3A_647 = arith.constant 0 : i32
        %parallel_loop3A_648 = tpu.memref_slice %arg7[%parallel_loop3A_347, %parallel_loop3A_644, %parallel_loop3A_645, %parallel_loop3A_646, %parallel_loop3A_647] : memref<2x8x1x8x133xf32, #tpu.memory_space<vmem>> -> memref<1x8x1x8x133xf32, #tpu.memory_space<vmem>>
        %parallel_loop3A_649 = tpu.memref_squeeze %parallel_loop3A_648 : memref<1x8x1x8x133xf32, #tpu.memory_space<vmem>> -> memref<8x1x8x133xf32, #tpu.memory_space<vmem>>
        tpu.vector_store_idx %parallel_loop3A_649[%shift_right_logical3A_58, %broadcast_in_dim3A_47, %and3A_81, %parallel_loop3A_617], %parallel_loop3A_643 : memref<8x1x8x133xf32, #tpu.memory_space<vmem>>[vector<16xi32>, vector<16xi32>, vector<16xi32>, vector<16xi32>], vector<16xf32>,
        %parallel_loop3A_650 = arith.constant 128 : i32
        %parallel_loop3A_651 = arith.addi %parallel_loop3A_650, %parallel_loop3A_615 : i32
        %parallel_loop3A_652 = arith.constant 0 : i32
        %parallel_loop3A_653 = arith.index_cast %parallel_loop3A_652 : i32 to index
        %parallel_loop3A_654 = arith.index_cast %parallel_loop3A_651 : i32 to index
        %parallel_loop3A_655 = arith.constant 32 : index
        %parallel_loop3A_656 = tpu.vector_load %arg6[%parallel_loop3A_653, %parallel_loop3A_654, %parallel_loop3A_655] {strides = array<i32>} : memref<3x256x64xf32, #tpu.memory_space<vmem>>, vector<16xf32>,
        %parallel_loop3A_657 = arith.constant 8.000000e+00 : f32
        %parallel_loop3A_658 = vector.broadcast %parallel_loop3A_657 : f32 to vector<16xf32>
        %parallel_loop3A_659 = arith.mulf %parallel_loop3A_656, %parallel_loop3A_658 : vector<16xf32>
        %parallel_loop3A_660 = arith.constant 0 : i32
        %parallel_loop3A_661 = arith.constant 0 : i32
        %parallel_loop3A_662 = arith.constant 0 : i32
        %parallel_loop3A_663 = arith.constant 0 : i32
        %parallel_loop3A_664 = tpu.memref_slice %arg7[%parallel_loop3A_347, %parallel_loop3A_660, %parallel_loop3A_661, %parallel_loop3A_662, %parallel_loop3A_663] : memref<2x8x1x8x133xf32, #tpu.memory_space<vmem>> -> memref<1x8x1x8x133xf32, #tpu.memory_space<vmem>>
        %parallel_loop3A_665 = tpu.memref_squeeze %parallel_loop3A_664 : memref<1x8x1x8x133xf32, #tpu.memory_space<vmem>> -> memref<8x1x8x133xf32, #tpu.memory_space<vmem>>
        tpu.vector_store_idx %parallel_loop3A_665[%shift_right_logical3A_64, %broadcast_in_dim3A_47, %and3A_87, %parallel_loop3A_617], %parallel_loop3A_659 : memref<8x1x8x133xf32, #tpu.memory_space<vmem>>[vector<16xi32>, vector<16xi32>, vector<16xi32>, vector<16xi32>], vector<16xf32>,
        %parallel_loop3A_666 = arith.constant 128 : i32
        %parallel_loop3A_667 = arith.addi %parallel_loop3A_666, %parallel_loop3A_615 : i32
        %parallel_loop3A_668 = arith.constant 0 : i32
        %parallel_loop3A_669 = arith.index_cast %parallel_loop3A_668 : i32 to index
        %parallel_loop3A_670 = arith.index_cast %parallel_loop3A_667 : i32 to index
        %parallel_loop3A_671 = arith.constant 48 : index
        %parallel_loop3A_672 = tpu.vector_load %arg6[%parallel_loop3A_669, %parallel_loop3A_670, %parallel_loop3A_671] {strides = array<i32>} : memref<3x256x64xf32, #tpu.memory_space<vmem>>, vector<16xf32>,
        %parallel_loop3A_673 = arith.constant 8.000000e+00 : f32
        %parallel_loop3A_674 = vector.broadcast %parallel_loop3A_673 : f32 to vector<16xf32>
        %parallel_loop3A_675 = arith.mulf %parallel_loop3A_672, %parallel_loop3A_674 : vector<16xf32>
        %parallel_loop3A_676 = arith.constant 0 : i32
        %parallel_loop3A_677 = arith.constant 0 : i32
        %parallel_loop3A_678 = arith.constant 0 : i32
        %parallel_loop3A_679 = arith.constant 0 : i32
        %parallel_loop3A_680 = tpu.memref_slice %arg7[%parallel_loop3A_347, %parallel_loop3A_676, %parallel_loop3A_677, %parallel_loop3A_678, %parallel_loop3A_679] : memref<2x8x1x8x133xf32, #tpu.memory_space<vmem>> -> memref<1x8x1x8x133xf32, #tpu.memory_space<vmem>>
        %parallel_loop3A_681 = tpu.memref_squeeze %parallel_loop3A_680 : memref<1x8x1x8x133xf32, #tpu.memory_space<vmem>> -> memref<8x1x8x133xf32, #tpu.memory_space<vmem>>
        tpu.vector_store_idx %parallel_loop3A_681[%shift_right_logical3A_70, %broadcast_in_dim3A_47, %and3A_93, %parallel_loop3A_617], %parallel_loop3A_675 : memref<8x1x8x133xf32, #tpu.memory_space<vmem>>[vector<16xi32>, vector<16xi32>, vector<16xi32>, vector<16xi32>], vector<16xf32>,
      } {sc.loop_unroll_factor = 2 : i64, sc.parallel_access}
      %dma_start3A_348 = arith.constant 1 : i32
      %dma_start3A_349 = arith.constant 0 : i32
      %dma_start3A_350 = arith.constant 0 : i32
      %dma_start3A_351 = arith.constant 0 : i32
      %dma_start3A_352 = arith.constant 0 : i32
      %dma_start3A_353 = tpu.memref_slice %arg7[%dma_start3A_348, %dma_start3A_349, %dma_start3A_350, %dma_start3A_351, %dma_start3A_352] : memref<2x8x1x8x133xf32, #tpu.memory_space<vmem>> -> memref<1x8x1x8x128xf32, #tpu.memory_space<vmem>>
      %dma_start3A_354 = tpu.memref_squeeze %dma_start3A_353 : memref<1x8x1x8x128xf32, #tpu.memory_space<vmem>> -> memref<8x1x8x128xf32, #tpu.memory_space<vmem>>
      %dma_start3A_355 = arith.constant 0 : i32
      %dma_start3A_356 = arith.constant 0 : i32
      %dma_start3A_357 = arith.constant 0 : i32
      %dma_start3A_358 = tpu.memref_slice %arg4[%add3A_338, %dma_start3A_355, %add3A, %dma_start3A_356, %dma_start3A_357] : memref<200x8x32x8x128xf32, #tpu.memory_space<hbm>> -> memref<1x8x1x8x128xf32, #tpu.memory_space<hbm>>
      %dma_start3A_359 = tpu.memref_squeeze %dma_start3A_358 : memref<1x8x1x8x128xf32, #tpu.memory_space<hbm>> -> memref<8x1x8x128xf32, #tpu.memory_space<hbm>>
      %dma_start3A_360 = arith.constant 0 : i32
      %dma_start3A_361 = arith.constant 0 : i32
      %dma_start3A_362 = arith.constant 0 : i32
      %dma_start3A_363 = tpu.memref_slice %arg4[%add3A_338, %dma_start3A_360, %add3A, %dma_start3A_361, %dma_start3A_362] : memref<200x8x32x8x128xf32, #tpu.memory_space<hbm>> -> memref<1x8x1x8x128xf32, #tpu.memory_space<hbm>>
      %dma_start3A_364 = tpu.memref_squeeze %dma_start3A_363 : memref<1x8x1x8x128xf32, #tpu.memory_space<hbm>> -> memref<8x1x8x128xf32, #tpu.memory_space<hbm>>
      %dma_start3A_365 = arith.constant 0 : i32
      %dma_start3A_366 = arith.constant 0 : i32
      %dma_start3A_367 = arith.constant 0 : i32
      %dma_start3A_368 = arith.constant 0 : i32
      %dma_start3A_369 = tpu.memref_slice %arg7[%dma_start3A_348, %dma_start3A_365, %dma_start3A_366, %dma_start3A_367, %dma_start3A_368] : memref<2x8x1x8x133xf32, #tpu.memory_space<vmem>> -> memref<1x8x1x8x128xf32, #tpu.memory_space<vmem>>
      %dma_start3A_370 = tpu.memref_squeeze %dma_start3A_369 : memref<1x8x1x8x128xf32, #tpu.memory_space<vmem>> -> memref<8x1x8x128xf32, #tpu.memory_space<vmem>>
      tpu.enqueue_dma source(%dma_start3A_370 : memref<8x1x8x128xf32, #tpu.memory_space<vmem>>) target(%dma_start3A_364 : memref<8x1x8x128xf32, #tpu.memory_space<hbm>>) target_semaphore(%arg12 : memref<!tpu.dma_semaphore, #tpu.memory_space<semaphore_mem>>)
      %add3A_371 = arith.constant 3 : i32
      %add3A_372 = arith.addi %add3A_269, %add3A_371 : i32
      %lt3A = arith.constant 100 : i32
      %lt3A_373 = arith.cmpi slt, %add3A_372, %lt3A : i32
      %convert_element_type3A_374 = arith.extui %lt3A_373 : i1 to i32
      %cond3A_375 = arith.constant 0 : i32
      %cond3A_376 = arith.cmpi ne, %convert_element_type3A_374, %cond3A_375 : i32
      scf.if %cond3A_376 {
        %add3A_615 = arith.constant 3 : i32
        %add3A_616 = arith.addi %add3A_269, %add3A_615 : i32
        %jit3A_617 = arith.constant 4 : i32
        %div3A_618 = arith.divsi %add3A_616, %jit3A_617 : i32
        %sign3A_619 = arith.constant 0 : i32
        %sign3A_620 = arith.cmpi sgt, %add3A_616, %sign3A_619 : i32
        %sign3A_621 = arith.extui %sign3A_620 : i1 to i32
        %sign3A_622 = arith.constant 0 : i32
        %sign3A_623 = arith.cmpi slt, %add3A_616, %sign3A_622 : i32
        %sign3A_624 = arith.extui %sign3A_623 : i1 to i32
        %sign3A_625 = arith.subi %sign3A_621, %sign3A_624 : i32
        %sign3A_626 = arith.constant 0 : i32
        %sign3A_627 = arith.cmpi sgt, %jit3A_617, %sign3A_626 : i32
        %sign3A_628 = arith.extui %sign3A_627 : i1 to i32
        %sign3A_629 = arith.constant 0 : i32
        %sign3A_630 = arith.cmpi slt, %jit3A_617, %sign3A_629 : i32
        %sign3A_631 = arith.extui %sign3A_630 : i1 to i32
        %sign3A_632 = arith.subi %sign3A_628, %sign3A_631 : i32
        %ne3A_633 = arith.cmpi ne, %sign3A_625, %sign3A_632 : i32
        %rem3A_634 = arith.remsi %add3A_616, %jit3A_617 : i32
        %ne3A_635 = arith.constant 0 : i32
        %ne3A_636 = arith.cmpi ne, %rem3A_634, %ne3A_635 : i32
        %and3A_637 = arith.andi %ne3A_633, %ne3A_636 : i1
        %sub3A_638 = arith.constant 1 : i32
        %sub3A_639 = arith.subi %div3A_618, %sub3A_638 : i32
        %select_n3A_640 = arith.select %and3A_637, %sub3A_639, %div3A_618 : i32
        %rem3A_641 = arith.constant 4 : i32
        %rem3A_642 = arith.remsi %add3A_616, %rem3A_641 : i32
        %mul3A_643 = arith.constant 256 : i32
        %mul3A_644 = arith.muli %rem3A_642, %mul3A_643 : i32
        %dma_start3A_645 = arith.constant 0 : i32
        %dma_start3A_646 = arith.constant 0 : i32
        %dma_start3A_647 = arith.constant 0 : i32
        %dma_start3A_648 = tpu.memref_slice %arg6[%dma_start3A_645, %dma_start3A_646, %dma_start3A_647] : memref<3x256x64xf32, #tpu.memory_space<vmem>> -> memref<1x256x64xf32, #tpu.memory_space<vmem>>
        %dma_start3A_649 = tpu.memref_squeeze %dma_start3A_648 : memref<1x256x64xf32, #tpu.memory_space<vmem>> -> memref<256x64xf32, #tpu.memory_space<vmem>>
        %dma_start3A_650 = tpu.memref_slice %arg5[%select_n3A_640, %mul3A_644] : memref<25x1024xi32, #tpu.memory_space<vmem>> -> memref<1x256xi32, #tpu.memory_space<vmem>>
        %dma_start3A_651 = tpu.memref_squeeze %dma_start3A_650 : memref<1x256xi32, #tpu.memory_space<vmem>> -> memref<256xi32, #tpu.memory_space<vmem>>
        %dma_start3A_652 = arith.constant 0 : i32
        %dma_start3A_653 = arith.constant 0 : i32
        %dma_start3A_654 = tpu.memref_slice %arg3[%dma_start3A_652, %dma_start3A_653] : memref<1000000x64xf32, #tpu.memory_space<hbm>> -> memref<1000000x64xf32, #tpu.memory_space<hbm>>
        tpu.enqueue_indirect_dma source(%dma_start3A_654 : memref<1000000x64xf32, #tpu.memory_space<hbm>>) target(%dma_start3A_649 : memref<256x64xf32, #tpu.memory_space<vmem>>) offsets(%dma_start3A_651 : memref<256xi32, #tpu.memory_space<vmem>>) semaphore(%arg8 : memref<!tpu.dma_semaphore, #tpu.memory_space<semaphore_mem>>)
      } else {
      }
      %add3A_377 = arith.constant 1 : i32
      %add3A_378 = arith.addi %mul3A_267, %add3A_377 : i32
      %jit3A_379 = arith.constant 4 : i32
      %div3A_380 = arith.divsi %add3A_378, %jit3A_379 : i32
      %sign3A_381 = arith.constant 0 : i32
      %sign3A_382 = arith.cmpi sgt, %add3A_378, %sign3A_381 : i32
      %sign3A_383 = arith.extui %sign3A_382 : i1 to i32
      %sign3A_384 = arith.constant 0 : i32
      %sign3A_385 = arith.cmpi slt, %add3A_378, %sign3A_384 : i32
      %sign3A_386 = arith.extui %sign3A_385 : i1 to i32
      %sign3A_387 = arith.subi %sign3A_383, %sign3A_386 : i32
      %sign3A_388 = arith.constant 0 : i32
      %sign3A_389 = arith.cmpi sgt, %jit3A_379, %sign3A_388 : i32
      %sign3A_390 = arith.extui %sign3A_389 : i1 to i32
      %sign3A_391 = arith.constant 0 : i32
      %sign3A_392 = arith.cmpi slt, %jit3A_379, %sign3A_391 : i32
      %sign3A_393 = arith.extui %sign3A_392 : i1 to i32
      %sign3A_394 = arith.subi %sign3A_390, %sign3A_393 : i32
      %ne3A_395 = arith.cmpi ne, %sign3A_387, %sign3A_394 : i32
      %rem3A_396 = arith.remsi %add3A_378, %jit3A_379 : i32
      %ne3A_397 = arith.constant 0 : i32
      %ne3A_398 = arith.cmpi ne, %rem3A_396, %ne3A_397 : i32
      %and3A_399 = arith.andi %ne3A_395, %ne3A_398 : i1
      %sub3A_400 = arith.constant 1 : i32
      %sub3A_401 = arith.subi %div3A_380, %sub3A_400 : i32
      %select_n3A_402 = arith.select %and3A_399, %sub3A_401, %div3A_380 : i32
      %rem3A_403 = arith.constant 4 : i32
      %rem3A_404 = arith.remsi %add3A_378, %rem3A_403 : i32
      %mul3A_405 = arith.constant 256 : i32
      %mul3A_406 = arith.muli %rem3A_404, %mul3A_405 : i32
      %dma_wait3A_407 = arith.constant 1 : i32
      %dma_wait3A_408 = arith.constant 0 : i32
      %dma_wait3A_409 = arith.constant 0 : i32
      %dma_wait3A_410 = tpu.memref_slice %arg6[%dma_wait3A_407, %dma_wait3A_408, %dma_wait3A_409] : memref<3x256x64xf32, #tpu.memory_space<vmem>> -> memref<1x256x64xf32, #tpu.memory_space<vmem>>
      %dma_wait3A_411 = tpu.memref_squeeze %dma_wait3A_410 : memref<1x256x64xf32, #tpu.memory_space<vmem>> -> memref<256x64xf32, #tpu.memory_space<vmem>>
      %dma_wait3A_412 = tpu.memref_slice %arg5[%select_n3A_402, %mul3A_406] : memref<25x1024xi32, #tpu.memory_space<vmem>> -> memref<1x256xi32, #tpu.memory_space<vmem>>
      %dma_wait3A_413 = tpu.memref_squeeze %dma_wait3A_412 : memref<1x256xi32, #tpu.memory_space<vmem>> -> memref<256xi32, #tpu.memory_space<vmem>>
      %dma_wait3A_414 = arith.constant 0 : i32
      %dma_wait3A_415 = arith.constant 0 : i32
      %dma_wait3A_416 = tpu.memref_slice %arg3[%dma_wait3A_414, %dma_wait3A_415] : memref<1000000x64xf32, #tpu.memory_space<hbm>> -> memref<1000000x64xf32, #tpu.memory_space<hbm>>
      tpu.wait_indirect_dma semaphore(%arg9 : memref<!tpu.dma_semaphore, #tpu.memory_space<semaphore_mem>>) src(%dma_wait3A_416 : memref<1000000x64xf32, #tpu.memory_space<hbm>>) dst(%dma_wait3A_411 : memref<256x64xf32, #tpu.memory_space<vmem>>)
      %mul3A_417 = arith.constant 2 : i32
      %mul3A_418 = arith.muli %add3A_378, %mul3A_417 : i32
      %add3A_419 = arith.constant 0 : i32
      %add3A_420 = arith.addi %mul3A_418, %add3A_419 : i32
      %ge3A_421 = arith.constant 2 : i32
      %ge3A_422 = arith.cmpi sge, %add3A_420, %ge3A_421 : i32
      %convert_element_type3A_423 = arith.extui %ge3A_422 : i1 to i32
      %cond3A_424 = arith.constant 0 : i32
      %cond3A_425 = arith.cmpi ne, %convert_element_type3A_423, %cond3A_424 : i32
      scf.if %cond3A_425 {
        %sub3A_615 = arith.constant 2 : i32
        %sub3A_616 = arith.subi %add3A_420, %sub3A_615 : i32
        %dma_wait3A_617 = arith.constant 0 : i32
        %dma_wait3A_618 = arith.constant 0 : i32
        %dma_wait3A_619 = arith.constant 0 : i32
        %dma_wait3A_620 = arith.constant 0 : i32
        %dma_wait3A_621 = arith.constant 0 : i32
        %dma_wait3A_622 = tpu.memref_slice %arg7[%dma_wait3A_617, %dma_wait3A_618, %dma_wait3A_619, %dma_wait3A_620, %dma_wait3A_621] : memref<2x8x1x8x133xf32, #tpu.memory_space<vmem>> -> memref<1x8x1x8x128xf32, #tpu.memory_space<vmem>>
        %dma_wait3A_623 = tpu.memref_squeeze %dma_wait3A_622 : memref<1x8x1x8x128xf32, #tpu.memory_space<vmem>> -> memref<8x1x8x128xf32, #tpu.memory_space<vmem>>
        %dma_wait3A_624 = arith.constant 0 : i32
        %dma_wait3A_625 = arith.constant 0 : i32
        %dma_wait3A_626 = arith.constant 0 : i32
        %dma_wait3A_627 = tpu.memref_slice %arg4[%sub3A_616, %dma_wait3A_624, %add3A, %dma_wait3A_625, %dma_wait3A_626] : memref<200x8x32x8x128xf32, #tpu.memory_space<hbm>> -> memref<1x8x1x8x128xf32, #tpu.memory_space<hbm>>
        %dma_wait3A_628 = tpu.memref_squeeze %dma_wait3A_627 : memref<1x8x1x8x128xf32, #tpu.memory_space<hbm>> -> memref<8x1x8x128xf32, #tpu.memory_space<hbm>>
        %dma_wait3A_629 = arith.constant 0 : i32
        %dma_wait3A_630 = arith.constant 0 : i32
        %dma_wait3A_631 = arith.constant 0 : i32
        %dma_wait3A_632 = tpu.memref_slice %arg4[%sub3A_616, %dma_wait3A_629, %add3A, %dma_wait3A_630, %dma_wait3A_631] : memref<200x8x32x8x128xf32, #tpu.memory_space<hbm>> -> memref<1x8x1x8x128xf32, #tpu.memory_space<hbm>>
        %dma_wait3A_633 = tpu.memref_squeeze %dma_wait3A_632 : memref<1x8x1x8x128xf32, #tpu.memory_space<hbm>> -> memref<8x1x8x128xf32, #tpu.memory_space<hbm>>
        %dma_wait3A_634 = arith.constant 0 : i32
        %dma_wait3A_635 = arith.constant 0 : i32
        %dma_wait3A_636 = arith.constant 0 : i32
        %dma_wait3A_637 = arith.constant 0 : i32
        %dma_wait3A_638 = tpu.memref_slice %arg7[%dma_wait3A_617, %dma_wait3A_634, %dma_wait3A_635, %dma_wait3A_636, %dma_wait3A_637] : memref<2x8x1x8x133xf32, #tpu.memory_space<vmem>> -> memref<1x8x1x8x128xf32, #tpu.memory_space<vmem>>
        %dma_wait3A_639 = tpu.memref_squeeze %dma_wait3A_638 : memref<1x8x1x8x128xf32, #tpu.memory_space<vmem>> -> memref<8x1x8x128xf32, #tpu.memory_space<vmem>>
        tpu.wait_dma2 semaphore(%arg11 : memref<!tpu.dma_semaphore, #tpu.memory_space<semaphore_mem>>) src(%dma_wait3A_639 : memref<8x1x8x128xf32, #tpu.memory_space<vmem>>) dst(%dma_wait3A_633 : memref<8x1x8x128xf32, #tpu.memory_space<hbm>>)
      } else {
      }
      %parallel_loop3A_426 = arith.constant 0 : i32
      %parallel_loop3A_427 = arith.constant 128 : i32
      %parallel_loop3A_428 = arith.constant 1 : i32
      %parallel_loop3A_429 = arith.constant 0 : i32
      scf.for %parallel_loop3A_615 = %parallel_loop3A_426 to %parallel_loop3A_427 step %parallel_loop3A_428  : i32 {
        %parallel_loop3A_616 = vector.broadcast %parallel_loop3A_615 : i32 to vector<16xi32>
        %parallel_loop3A_617 = arith.addi %broadcast_in_dim3A_47, %parallel_loop3A_616 : vector<16xi32>
        %parallel_loop3A_618 = arith.constant 0 : i32
        %parallel_loop3A_619 = arith.addi %parallel_loop3A_618, %parallel_loop3A_615 : i32
        %parallel_loop3A_620 = arith.constant 1 : i32
        %parallel_loop3A_621 = arith.index_cast %parallel_loop3A_620 : i32 to index
        %parallel_loop3A_622 = arith.index_cast %parallel_loop3A_619 : i32 to index
        %parallel_loop3A_623 = arith.constant 0 : index
        %parallel_loop3A_624 = tpu.vector_load %arg6[%parallel_loop3A_621, %parallel_loop3A_622, %parallel_loop3A_623] {strides = array<i32>} : memref<3x256x64xf32, #tpu.memory_space<vmem>>, vector<16xf32>,
        %parallel_loop3A_625 = arith.constant 8.000000e+00 : f32
        %parallel_loop3A_626 = vector.broadcast %parallel_loop3A_625 : f32 to vector<16xf32>
        %parallel_loop3A_627 = arith.mulf %parallel_loop3A_624, %parallel_loop3A_626 : vector<16xf32>
        %parallel_loop3A_628 = arith.constant 0 : i32
        %parallel_loop3A_629 = arith.constant 0 : i32
        %parallel_loop3A_630 = arith.constant 0 : i32
        %parallel_loop3A_631 = arith.constant 0 : i32
        %parallel_loop3A_632 = tpu.memref_slice %arg7[%parallel_loop3A_429, %parallel_loop3A_628, %parallel_loop3A_629, %parallel_loop3A_630, %parallel_loop3A_631] : memref<2x8x1x8x133xf32, #tpu.memory_space<vmem>> -> memref<1x8x1x8x133xf32, #tpu.memory_space<vmem>>
        %parallel_loop3A_633 = tpu.memref_squeeze %parallel_loop3A_632 : memref<1x8x1x8x133xf32, #tpu.memory_space<vmem>> -> memref<8x1x8x133xf32, #tpu.memory_space<vmem>>
        tpu.vector_store_idx %parallel_loop3A_633[%shift_right_logical3A_52, %broadcast_in_dim3A_47, %and3A_75, %parallel_loop3A_617], %parallel_loop3A_627 : memref<8x1x8x133xf32, #tpu.memory_space<vmem>>[vector<16xi32>, vector<16xi32>, vector<16xi32>, vector<16xi32>], vector<16xf32>,
        %parallel_loop3A_634 = arith.constant 0 : i32
        %parallel_loop3A_635 = arith.addi %parallel_loop3A_634, %parallel_loop3A_615 : i32
        %parallel_loop3A_636 = arith.constant 1 : i32
        %parallel_loop3A_637 = arith.index_cast %parallel_loop3A_636 : i32 to index
        %parallel_loop3A_638 = arith.index_cast %parallel_loop3A_635 : i32 to index
        %parallel_loop3A_639 = arith.constant 16 : index
        %parallel_loop3A_640 = tpu.vector_load %arg6[%parallel_loop3A_637, %parallel_loop3A_638, %parallel_loop3A_639] {strides = array<i32>} : memref<3x256x64xf32, #tpu.memory_space<vmem>>, vector<16xf32>,
        %parallel_loop3A_641 = arith.constant 8.000000e+00 : f32
        %parallel_loop3A_642 = vector.broadcast %parallel_loop3A_641 : f32 to vector<16xf32>
        %parallel_loop3A_643 = arith.mulf %parallel_loop3A_640, %parallel_loop3A_642 : vector<16xf32>
        %parallel_loop3A_644 = arith.constant 0 : i32
        %parallel_loop3A_645 = arith.constant 0 : i32
        %parallel_loop3A_646 = arith.constant 0 : i32
        %parallel_loop3A_647 = arith.constant 0 : i32
        %parallel_loop3A_648 = tpu.memref_slice %arg7[%parallel_loop3A_429, %parallel_loop3A_644, %parallel_loop3A_645, %parallel_loop3A_646, %parallel_loop3A_647] : memref<2x8x1x8x133xf32, #tpu.memory_space<vmem>> -> memref<1x8x1x8x133xf32, #tpu.memory_space<vmem>>
        %parallel_loop3A_649 = tpu.memref_squeeze %parallel_loop3A_648 : memref<1x8x1x8x133xf32, #tpu.memory_space<vmem>> -> memref<8x1x8x133xf32, #tpu.memory_space<vmem>>
        tpu.vector_store_idx %parallel_loop3A_649[%shift_right_logical3A_58, %broadcast_in_dim3A_47, %and3A_81, %parallel_loop3A_617], %parallel_loop3A_643 : memref<8x1x8x133xf32, #tpu.memory_space<vmem>>[vector<16xi32>, vector<16xi32>, vector<16xi32>, vector<16xi32>], vector<16xf32>,
        %parallel_loop3A_650 = arith.constant 0 : i32
        %parallel_loop3A_651 = arith.addi %parallel_loop3A_650, %parallel_loop3A_615 : i32
        %parallel_loop3A_652 = arith.constant 1 : i32
        %parallel_loop3A_653 = arith.index_cast %parallel_loop3A_652 : i32 to index
        %parallel_loop3A_654 = arith.index_cast %parallel_loop3A_651 : i32 to index
        %parallel_loop3A_655 = arith.constant 32 : index
        %parallel_loop3A_656 = tpu.vector_load %arg6[%parallel_loop3A_653, %parallel_loop3A_654, %parallel_loop3A_655] {strides = array<i32>} : memref<3x256x64xf32, #tpu.memory_space<vmem>>, vector<16xf32>,
        %parallel_loop3A_657 = arith.constant 8.000000e+00 : f32
        %parallel_loop3A_658 = vector.broadcast %parallel_loop3A_657 : f32 to vector<16xf32>
        %parallel_loop3A_659 = arith.mulf %parallel_loop3A_656, %parallel_loop3A_658 : vector<16xf32>
        %parallel_loop3A_660 = arith.constant 0 : i32
        %parallel_loop3A_661 = arith.constant 0 : i32
        %parallel_loop3A_662 = arith.constant 0 : i32
        %parallel_loop3A_663 = arith.constant 0 : i32
        %parallel_loop3A_664 = tpu.memref_slice %arg7[%parallel_loop3A_429, %parallel_loop3A_660, %parallel_loop3A_661, %parallel_loop3A_662, %parallel_loop3A_663] : memref<2x8x1x8x133xf32, #tpu.memory_space<vmem>> -> memref<1x8x1x8x133xf32, #tpu.memory_space<vmem>>
        %parallel_loop3A_665 = tpu.memref_squeeze %parallel_loop3A_664 : memref<1x8x1x8x133xf32, #tpu.memory_space<vmem>> -> memref<8x1x8x133xf32, #tpu.memory_space<vmem>>
        tpu.vector_store_idx %parallel_loop3A_665[%shift_right_logical3A_64, %broadcast_in_dim3A_47, %and3A_87, %parallel_loop3A_617], %parallel_loop3A_659 : memref<8x1x8x133xf32, #tpu.memory_space<vmem>>[vector<16xi32>, vector<16xi32>, vector<16xi32>, vector<16xi32>], vector<16xf32>,
        %parallel_loop3A_666 = arith.constant 0 : i32
        %parallel_loop3A_667 = arith.addi %parallel_loop3A_666, %parallel_loop3A_615 : i32
        %parallel_loop3A_668 = arith.constant 1 : i32
        %parallel_loop3A_669 = arith.index_cast %parallel_loop3A_668 : i32 to index
        %parallel_loop3A_670 = arith.index_cast %parallel_loop3A_667 : i32 to index
        %parallel_loop3A_671 = arith.constant 48 : index
        %parallel_loop3A_672 = tpu.vector_load %arg6[%parallel_loop3A_669, %parallel_loop3A_670, %parallel_loop3A_671] {strides = array<i32>} : memref<3x256x64xf32, #tpu.memory_space<vmem>>, vector<16xf32>,
        %parallel_loop3A_673 = arith.constant 8.000000e+00 : f32
        %parallel_loop3A_674 = vector.broadcast %parallel_loop3A_673 : f32 to vector<16xf32>
        %parallel_loop3A_675 = arith.mulf %parallel_loop3A_672, %parallel_loop3A_674 : vector<16xf32>
        %parallel_loop3A_676 = arith.constant 0 : i32
        %parallel_loop3A_677 = arith.constant 0 : i32
        %parallel_loop3A_678 = arith.constant 0 : i32
        %parallel_loop3A_679 = arith.constant 0 : i32
        %parallel_loop3A_680 = tpu.memref_slice %arg7[%parallel_loop3A_429, %parallel_loop3A_676, %parallel_loop3A_677, %parallel_loop3A_678, %parallel_loop3A_679] : memref<2x8x1x8x133xf32, #tpu.memory_space<vmem>> -> memref<1x8x1x8x133xf32, #tpu.memory_space<vmem>>
        %parallel_loop3A_681 = tpu.memref_squeeze %parallel_loop3A_680 : memref<1x8x1x8x133xf32, #tpu.memory_space<vmem>> -> memref<8x1x8x133xf32, #tpu.memory_space<vmem>>
        tpu.vector_store_idx %parallel_loop3A_681[%shift_right_logical3A_70, %broadcast_in_dim3A_47, %and3A_93, %parallel_loop3A_617], %parallel_loop3A_675 : memref<8x1x8x133xf32, #tpu.memory_space<vmem>>[vector<16xi32>, vector<16xi32>, vector<16xi32>, vector<16xi32>], vector<16xf32>,
      } {sc.loop_unroll_factor = 2 : i64, sc.parallel_access}
      %dma_start3A_430 = arith.constant 0 : i32
      %dma_start3A_431 = arith.constant 0 : i32
      %dma_start3A_432 = arith.constant 0 : i32
      %dma_start3A_433 = arith.constant 0 : i32
      %dma_start3A_434 = arith.constant 0 : i32
      %dma_start3A_435 = tpu.memref_slice %arg7[%dma_start3A_430, %dma_start3A_431, %dma_start3A_432, %dma_start3A_433, %dma_start3A_434] : memref<2x8x1x8x133xf32, #tpu.memory_space<vmem>> -> memref<1x8x1x8x128xf32, #tpu.memory_space<vmem>>
      %dma_start3A_436 = tpu.memref_squeeze %dma_start3A_435 : memref<1x8x1x8x128xf32, #tpu.memory_space<vmem>> -> memref<8x1x8x128xf32, #tpu.memory_space<vmem>>
      %dma_start3A_437 = arith.constant 0 : i32
      %dma_start3A_438 = arith.constant 0 : i32
      %dma_start3A_439 = arith.constant 0 : i32
      %dma_start3A_440 = tpu.memref_slice %arg4[%add3A_420, %dma_start3A_437, %add3A, %dma_start3A_438, %dma_start3A_439] : memref<200x8x32x8x128xf32, #tpu.memory_space<hbm>> -> memref<1x8x1x8x128xf32, #tpu.memory_space<hbm>>
      %dma_start3A_441 = tpu.memref_squeeze %dma_start3A_440 : memref<1x8x1x8x128xf32, #tpu.memory_space<hbm>> -> memref<8x1x8x128xf32, #tpu.memory_space<hbm>>
      %dma_start3A_442 = arith.constant 0 : i32
      %dma_start3A_443 = arith.constant 0 : i32
      %dma_start3A_444 = arith.constant 0 : i32
      %dma_start3A_445 = tpu.memref_slice %arg4[%add3A_420, %dma_start3A_442, %add3A, %dma_start3A_443, %dma_start3A_444] : memref<200x8x32x8x128xf32, #tpu.memory_space<hbm>> -> memref<1x8x1x8x128xf32, #tpu.memory_space<hbm>>
      %dma_start3A_446 = tpu.memref_squeeze %dma_start3A_445 : memref<1x8x1x8x128xf32, #tpu.memory_space<hbm>> -> memref<8x1x8x128xf32, #tpu.memory_space<hbm>>
      %dma_start3A_447 = arith.constant 0 : i32
      %dma_start3A_448 = arith.constant 0 : i32
      %dma_start3A_449 = arith.constant 0 : i32
      %dma_start3A_450 = arith.constant 0 : i32
      %dma_start3A_451 = tpu.memref_slice %arg7[%dma_start3A_430, %dma_start3A_447, %dma_start3A_448, %dma_start3A_449, %dma_start3A_450] : memref<2x8x1x8x133xf32, #tpu.memory_space<vmem>> -> memref<1x8x1x8x128xf32, #tpu.memory_space<vmem>>
      %dma_start3A_452 = tpu.memref_squeeze %dma_start3A_451 : memref<1x8x1x8x128xf32, #tpu.memory_space<vmem>> -> memref<8x1x8x128xf32, #tpu.memory_space<vmem>>
      tpu.enqueue_dma source(%dma_start3A_452 : memref<8x1x8x128xf32, #tpu.memory_space<vmem>>) target(%dma_start3A_446 : memref<8x1x8x128xf32, #tpu.memory_space<hbm>>) target_semaphore(%arg11 : memref<!tpu.dma_semaphore, #tpu.memory_space<semaphore_mem>>)
      %mul3A_453 = arith.constant 2 : i32
      %mul3A_454 = arith.muli %add3A_378, %mul3A_453 : i32
      %add3A_455 = arith.constant 1 : i32
      %add3A_456 = arith.addi %mul3A_454, %add3A_455 : i32
      %ge3A_457 = arith.constant 2 : i32
      %ge3A_458 = arith.cmpi sge, %add3A_456, %ge3A_457 : i32
      %convert_element_type3A_459 = arith.extui %ge3A_458 : i1 to i32
      %cond3A_460 = arith.constant 0 : i32
      %cond3A_461 = arith.cmpi ne, %convert_element_type3A_459, %cond3A_460 : i32
      scf.if %cond3A_461 {
        %sub3A_615 = arith.constant 2 : i32
        %sub3A_616 = arith.subi %add3A_456, %sub3A_615 : i32
        %dma_wait3A_617 = arith.constant 1 : i32
        %dma_wait3A_618 = arith.constant 0 : i32
        %dma_wait3A_619 = arith.constant 0 : i32
        %dma_wait3A_620 = arith.constant 0 : i32
        %dma_wait3A_621 = arith.constant 0 : i32
        %dma_wait3A_622 = tpu.memref_slice %arg7[%dma_wait3A_617, %dma_wait3A_618, %dma_wait3A_619, %dma_wait3A_620, %dma_wait3A_621] : memref<2x8x1x8x133xf32, #tpu.memory_space<vmem>> -> memref<1x8x1x8x128xf32, #tpu.memory_space<vmem>>
        %dma_wait3A_623 = tpu.memref_squeeze %dma_wait3A_622 : memref<1x8x1x8x128xf32, #tpu.memory_space<vmem>> -> memref<8x1x8x128xf32, #tpu.memory_space<vmem>>
        %dma_wait3A_624 = arith.constant 0 : i32
        %dma_wait3A_625 = arith.constant 0 : i32
        %dma_wait3A_626 = arith.constant 0 : i32
        %dma_wait3A_627 = tpu.memref_slice %arg4[%sub3A_616, %dma_wait3A_624, %add3A, %dma_wait3A_625, %dma_wait3A_626] : memref<200x8x32x8x128xf32, #tpu.memory_space<hbm>> -> memref<1x8x1x8x128xf32, #tpu.memory_space<hbm>>
        %dma_wait3A_628 = tpu.memref_squeeze %dma_wait3A_627 : memref<1x8x1x8x128xf32, #tpu.memory_space<hbm>> -> memref<8x1x8x128xf32, #tpu.memory_space<hbm>>
        %dma_wait3A_629 = arith.constant 0 : i32
        %dma_wait3A_630 = arith.constant 0 : i32
        %dma_wait3A_631 = arith.constant 0 : i32
        %dma_wait3A_632 = tpu.memref_slice %arg4[%sub3A_616, %dma_wait3A_629, %add3A, %dma_wait3A_630, %dma_wait3A_631] : memref<200x8x32x8x128xf32, #tpu.memory_space<hbm>> -> memref<1x8x1x8x128xf32, #tpu.memory_space<hbm>>
        %dma_wait3A_633 = tpu.memref_squeeze %dma_wait3A_632 : memref<1x8x1x8x128xf32, #tpu.memory_space<hbm>> -> memref<8x1x8x128xf32, #tpu.memory_space<hbm>>
        %dma_wait3A_634 = arith.constant 0 : i32
        %dma_wait3A_635 = arith.constant 0 : i32
        %dma_wait3A_636 = arith.constant 0 : i32
        %dma_wait3A_637 = arith.constant 0 : i32
        %dma_wait3A_638 = tpu.memref_slice %arg7[%dma_wait3A_617, %dma_wait3A_634, %dma_wait3A_635, %dma_wait3A_636, %dma_wait3A_637] : memref<2x8x1x8x133xf32, #tpu.memory_space<vmem>> -> memref<1x8x1x8x128xf32, #tpu.memory_space<vmem>>
        %dma_wait3A_639 = tpu.memref_squeeze %dma_wait3A_638 : memref<1x8x1x8x128xf32, #tpu.memory_space<vmem>> -> memref<8x1x8x128xf32, #tpu.memory_space<vmem>>
        tpu.wait_dma2 semaphore(%arg12 : memref<!tpu.dma_semaphore, #tpu.memory_space<semaphore_mem>>) src(%dma_wait3A_639 : memref<8x1x8x128xf32, #tpu.memory_space<vmem>>) dst(%dma_wait3A_633 : memref<8x1x8x128xf32, #tpu.memory_space<hbm>>)
      } else {
      }
      %parallel_loop3A_462 = arith.constant 0 : i32
      %parallel_loop3A_463 = arith.constant 128 : i32
      %parallel_loop3A_464 = arith.constant 1 : i32
      %parallel_loop3A_465 = arith.constant 1 : i32
      scf.for %parallel_loop3A_615 = %parallel_loop3A_462 to %parallel_loop3A_463 step %parallel_loop3A_464  : i32 {
        %parallel_loop3A_616 = vector.broadcast %parallel_loop3A_615 : i32 to vector<16xi32>
        %parallel_loop3A_617 = arith.addi %broadcast_in_dim3A_47, %parallel_loop3A_616 : vector<16xi32>
        %parallel_loop3A_618 = arith.constant 128 : i32
        %parallel_loop3A_619 = arith.addi %parallel_loop3A_618, %parallel_loop3A_615 : i32
        %parallel_loop3A_620 = arith.constant 1 : i32
        %parallel_loop3A_621 = arith.index_cast %parallel_loop3A_620 : i32 to index
        %parallel_loop3A_622 = arith.index_cast %parallel_loop3A_619 : i32 to index
        %parallel_loop3A_623 = arith.constant 0 : index
        %parallel_loop3A_624 = tpu.vector_load %arg6[%parallel_loop3A_621, %parallel_loop3A_622, %parallel_loop3A_623] {strides = array<i32>} : memref<3x256x64xf32, #tpu.memory_space<vmem>>, vector<16xf32>,
        %parallel_loop3A_625 = arith.constant 8.000000e+00 : f32
        %parallel_loop3A_626 = vector.broadcast %parallel_loop3A_625 : f32 to vector<16xf32>
        %parallel_loop3A_627 = arith.mulf %parallel_loop3A_624, %parallel_loop3A_626 : vector<16xf32>
        %parallel_loop3A_628 = arith.constant 0 : i32
        %parallel_loop3A_629 = arith.constant 0 : i32
        %parallel_loop3A_630 = arith.constant 0 : i32
        %parallel_loop3A_631 = arith.constant 0 : i32
        %parallel_loop3A_632 = tpu.memref_slice %arg7[%parallel_loop3A_465, %parallel_loop3A_628, %parallel_loop3A_629, %parallel_loop3A_630, %parallel_loop3A_631] : memref<2x8x1x8x133xf32, #tpu.memory_space<vmem>> -> memref<1x8x1x8x133xf32, #tpu.memory_space<vmem>>
        %parallel_loop3A_633 = tpu.memref_squeeze %parallel_loop3A_632 : memref<1x8x1x8x133xf32, #tpu.memory_space<vmem>> -> memref<8x1x8x133xf32, #tpu.memory_space<vmem>>
        tpu.vector_store_idx %parallel_loop3A_633[%shift_right_logical3A_52, %broadcast_in_dim3A_47, %and3A_75, %parallel_loop3A_617], %parallel_loop3A_627 : memref<8x1x8x133xf32, #tpu.memory_space<vmem>>[vector<16xi32>, vector<16xi32>, vector<16xi32>, vector<16xi32>], vector<16xf32>,
        %parallel_loop3A_634 = arith.constant 128 : i32
        %parallel_loop3A_635 = arith.addi %parallel_loop3A_634, %parallel_loop3A_615 : i32
        %parallel_loop3A_636 = arith.constant 1 : i32
        %parallel_loop3A_637 = arith.index_cast %parallel_loop3A_636 : i32 to index
        %parallel_loop3A_638 = arith.index_cast %parallel_loop3A_635 : i32 to index
        %parallel_loop3A_639 = arith.constant 16 : index
        %parallel_loop3A_640 = tpu.vector_load %arg6[%parallel_loop3A_637, %parallel_loop3A_638, %parallel_loop3A_639] {strides = array<i32>} : memref<3x256x64xf32, #tpu.memory_space<vmem>>, vector<16xf32>,
        %parallel_loop3A_641 = arith.constant 8.000000e+00 : f32
        %parallel_loop3A_642 = vector.broadcast %parallel_loop3A_641 : f32 to vector<16xf32>
        %parallel_loop3A_643 = arith.mulf %parallel_loop3A_640, %parallel_loop3A_642 : vector<16xf32>
        %parallel_loop3A_644 = arith.constant 0 : i32
        %parallel_loop3A_645 = arith.constant 0 : i32
        %parallel_loop3A_646 = arith.constant 0 : i32
        %parallel_loop3A_647 = arith.constant 0 : i32
        %parallel_loop3A_648 = tpu.memref_slice %arg7[%parallel_loop3A_465, %parallel_loop3A_644, %parallel_loop3A_645, %parallel_loop3A_646, %parallel_loop3A_647] : memref<2x8x1x8x133xf32, #tpu.memory_space<vmem>> -> memref<1x8x1x8x133xf32, #tpu.memory_space<vmem>>
        %parallel_loop3A_649 = tpu.memref_squeeze %parallel_loop3A_648 : memref<1x8x1x8x133xf32, #tpu.memory_space<vmem>> -> memref<8x1x8x133xf32, #tpu.memory_space<vmem>>
        tpu.vector_store_idx %parallel_loop3A_649[%shift_right_logical3A_58, %broadcast_in_dim3A_47, %and3A_81, %parallel_loop3A_617], %parallel_loop3A_643 : memref<8x1x8x133xf32, #tpu.memory_space<vmem>>[vector<16xi32>, vector<16xi32>, vector<16xi32>, vector<16xi32>], vector<16xf32>,
        %parallel_loop3A_650 = arith.constant 128 : i32
        %parallel_loop3A_651 = arith.addi %parallel_loop3A_650, %parallel_loop3A_615 : i32
        %parallel_loop3A_652 = arith.constant 1 : i32
        %parallel_loop3A_653 = arith.index_cast %parallel_loop3A_652 : i32 to index
        %parallel_loop3A_654 = arith.index_cast %parallel_loop3A_651 : i32 to index
        %parallel_loop3A_655 = arith.constant 32 : index
        %parallel_loop3A_656 = tpu.vector_load %arg6[%parallel_loop3A_653, %parallel_loop3A_654, %parallel_loop3A_655] {strides = array<i32>} : memref<3x256x64xf32, #tpu.memory_space<vmem>>, vector<16xf32>,
        %parallel_loop3A_657 = arith.constant 8.000000e+00 : f32
        %parallel_loop3A_658 = vector.broadcast %parallel_loop3A_657 : f32 to vector<16xf32>
        %parallel_loop3A_659 = arith.mulf %parallel_loop3A_656, %parallel_loop3A_658 : vector<16xf32>
        %parallel_loop3A_660 = arith.constant 0 : i32
        %parallel_loop3A_661 = arith.constant 0 : i32
        %parallel_loop3A_662 = arith.constant 0 : i32
        %parallel_loop3A_663 = arith.constant 0 : i32
        %parallel_loop3A_664 = tpu.memref_slice %arg7[%parallel_loop3A_465, %parallel_loop3A_660, %parallel_loop3A_661, %parallel_loop3A_662, %parallel_loop3A_663] : memref<2x8x1x8x133xf32, #tpu.memory_space<vmem>> -> memref<1x8x1x8x133xf32, #tpu.memory_space<vmem>>
        %parallel_loop3A_665 = tpu.memref_squeeze %parallel_loop3A_664 : memref<1x8x1x8x133xf32, #tpu.memory_space<vmem>> -> memref<8x1x8x133xf32, #tpu.memory_space<vmem>>
        tpu.vector_store_idx %parallel_loop3A_665[%shift_right_logical3A_64, %broadcast_in_dim3A_47, %and3A_87, %parallel_loop3A_617], %parallel_loop3A_659 : memref<8x1x8x133xf32, #tpu.memory_space<vmem>>[vector<16xi32>, vector<16xi32>, vector<16xi32>, vector<16xi32>], vector<16xf32>,
        %parallel_loop3A_666 = arith.constant 128 : i32
        %parallel_loop3A_667 = arith.addi %parallel_loop3A_666, %parallel_loop3A_615 : i32
        %parallel_loop3A_668 = arith.constant 1 : i32
        %parallel_loop3A_669 = arith.index_cast %parallel_loop3A_668 : i32 to index
        %parallel_loop3A_670 = arith.index_cast %parallel_loop3A_667 : i32 to index
        %parallel_loop3A_671 = arith.constant 48 : index
        %parallel_loop3A_672 = tpu.vector_load %arg6[%parallel_loop3A_669, %parallel_loop3A_670, %parallel_loop3A_671] {strides = array<i32>} : memref<3x256x64xf32, #tpu.memory_space<vmem>>, vector<16xf32>,
        %parallel_loop3A_673 = arith.constant 8.000000e+00 : f32
        %parallel_loop3A_674 = vector.broadcast %parallel_loop3A_673 : f32 to vector<16xf32>
        %parallel_loop3A_675 = arith.mulf %parallel_loop3A_672, %parallel_loop3A_674 : vector<16xf32>
        %parallel_loop3A_676 = arith.constant 0 : i32
        %parallel_loop3A_677 = arith.constant 0 : i32
        %parallel_loop3A_678 = arith.constant 0 : i32
        %parallel_loop3A_679 = arith.constant 0 : i32
        %parallel_loop3A_680 = tpu.memref_slice %arg7[%parallel_loop3A_465, %parallel_loop3A_676, %parallel_loop3A_677, %parallel_loop3A_678, %parallel_loop3A_679] : memref<2x8x1x8x133xf32, #tpu.memory_space<vmem>> -> memref<1x8x1x8x133xf32, #tpu.memory_space<vmem>>
        %parallel_loop3A_681 = tpu.memref_squeeze %parallel_loop3A_680 : memref<1x8x1x8x133xf32, #tpu.memory_space<vmem>> -> memref<8x1x8x133xf32, #tpu.memory_space<vmem>>
        tpu.vector_store_idx %parallel_loop3A_681[%shift_right_logical3A_70, %broadcast_in_dim3A_47, %and3A_93, %parallel_loop3A_617], %parallel_loop3A_675 : memref<8x1x8x133xf32, #tpu.memory_space<vmem>>[vector<16xi32>, vector<16xi32>, vector<16xi32>, vector<16xi32>], vector<16xf32>,
      } {sc.loop_unroll_factor = 2 : i64, sc.parallel_access}
      %dma_start3A_466 = arith.constant 1 : i32
      %dma_start3A_467 = arith.constant 0 : i32
      %dma_start3A_468 = arith.constant 0 : i32
      %dma_start3A_469 = arith.constant 0 : i32
      %dma_start3A_470 = arith.constant 0 : i32
      %dma_start3A_471 = tpu.memref_slice %arg7[%dma_start3A_466, %dma_start3A_467, %dma_start3A_468, %dma_start3A_469, %dma_start3A_470] : memref<2x8x1x8x133xf32, #tpu.memory_space<vmem>> -> memref<1x8x1x8x128xf32, #tpu.memory_space<vmem>>
      %dma_start3A_472 = tpu.memref_squeeze %dma_start3A_471 : memref<1x8x1x8x128xf32, #tpu.memory_space<vmem>> -> memref<8x1x8x128xf32, #tpu.memory_space<vmem>>
      %dma_start3A_473 = arith.constant 0 : i32
      %dma_start3A_474 = arith.constant 0 : i32
      %dma_start3A_475 = arith.constant 0 : i32
      %dma_start3A_476 = tpu.memref_slice %arg4[%add3A_456, %dma_start3A_473, %add3A, %dma_start3A_474, %dma_start3A_475] : memref<200x8x32x8x128xf32, #tpu.memory_space<hbm>> -> memref<1x8x1x8x128xf32, #tpu.memory_space<hbm>>
      %dma_start3A_477 = tpu.memref_squeeze %dma_start3A_476 : memref<1x8x1x8x128xf32, #tpu.memory_space<hbm>> -> memref<8x1x8x128xf32, #tpu.memory_space<hbm>>
      %dma_start3A_478 = arith.constant 0 : i32
      %dma_start3A_479 = arith.constant 0 : i32
      %dma_start3A_480 = arith.constant 0 : i32
      %dma_start3A_481 = tpu.memref_slice %arg4[%add3A_456, %dma_start3A_478, %add3A, %dma_start3A_479, %dma_start3A_480] : memref<200x8x32x8x128xf32, #tpu.memory_space<hbm>> -> memref<1x8x1x8x128xf32, #tpu.memory_space<hbm>>
      %dma_start3A_482 = tpu.memref_squeeze %dma_start3A_481 : memref<1x8x1x8x128xf32, #tpu.memory_space<hbm>> -> memref<8x1x8x128xf32, #tpu.memory_space<hbm>>
      %dma_start3A_483 = arith.constant 0 : i32
      %dma_start3A_484 = arith.constant 0 : i32
      %dma_start3A_485 = arith.constant 0 : i32
      %dma_start3A_486 = arith.constant 0 : i32
      %dma_start3A_487 = tpu.memref_slice %arg7[%dma_start3A_466, %dma_start3A_483, %dma_start3A_484, %dma_start3A_485, %dma_start3A_486] : memref<2x8x1x8x133xf32, #tpu.memory_space<vmem>> -> memref<1x8x1x8x128xf32, #tpu.memory_space<vmem>>
      %dma_start3A_488 = tpu.memref_squeeze %dma_start3A_487 : memref<1x8x1x8x128xf32, #tpu.memory_space<vmem>> -> memref<8x1x8x128xf32, #tpu.memory_space<vmem>>
      tpu.enqueue_dma source(%dma_start3A_488 : memref<8x1x8x128xf32, #tpu.memory_space<vmem>>) target(%dma_start3A_482 : memref<8x1x8x128xf32, #tpu.memory_space<hbm>>) target_semaphore(%arg12 : memref<!tpu.dma_semaphore, #tpu.memory_space<semaphore_mem>>)
      %add3A_489 = arith.constant 3 : i32
      %add3A_490 = arith.addi %add3A_378, %add3A_489 : i32
      %lt3A_491 = arith.constant 100 : i32
      %lt3A_492 = arith.cmpi slt, %add3A_490, %lt3A_491 : i32
      %convert_element_type3A_493 = arith.extui %lt3A_492 : i1 to i32
      %cond3A_494 = arith.constant 0 : i32
      %cond3A_495 = arith.cmpi ne, %convert_element_type3A_493, %cond3A_494 : i32
      scf.if %cond3A_495 {
        %add3A_615 = arith.constant 3 : i32
        %add3A_616 = arith.addi %add3A_378, %add3A_615 : i32
        %jit3A_617 = arith.constant 4 : i32
        %div3A_618 = arith.divsi %add3A_616, %jit3A_617 : i32
        %sign3A_619 = arith.constant 0 : i32
        %sign3A_620 = arith.cmpi sgt, %add3A_616, %sign3A_619 : i32
        %sign3A_621 = arith.extui %sign3A_620 : i1 to i32
        %sign3A_622 = arith.constant 0 : i32
        %sign3A_623 = arith.cmpi slt, %add3A_616, %sign3A_622 : i32
        %sign3A_624 = arith.extui %sign3A_623 : i1 to i32
        %sign3A_625 = arith.subi %sign3A_621, %sign3A_624 : i32
        %sign3A_626 = arith.constant 0 : i32
        %sign3A_627 = arith.cmpi sgt, %jit3A_617, %sign3A_626 : i32
        %sign3A_628 = arith.extui %sign3A_627 : i1 to i32
        %sign3A_629 = arith.constant 0 : i32
        %sign3A_630 = arith.cmpi slt, %jit3A_617, %sign3A_629 : i32
        %sign3A_631 = arith.extui %sign3A_630 : i1 to i32
        %sign3A_632 = arith.subi %sign3A_628, %sign3A_631 : i32
        %ne3A_633 = arith.cmpi ne, %sign3A_625, %sign3A_632 : i32
        %rem3A_634 = arith.remsi %add3A_616, %jit3A_617 : i32
        %ne3A_635 = arith.constant 0 : i32
        %ne3A_636 = arith.cmpi ne, %rem3A_634, %ne3A_635 : i32
        %and3A_637 = arith.andi %ne3A_633, %ne3A_636 : i1
        %sub3A_638 = arith.constant 1 : i32
        %sub3A_639 = arith.subi %div3A_618, %sub3A_638 : i32
        %select_n3A_640 = arith.select %and3A_637, %sub3A_639, %div3A_618 : i32
        %rem3A_641 = arith.constant 4 : i32
        %rem3A_642 = arith.remsi %add3A_616, %rem3A_641 : i32
        %mul3A_643 = arith.constant 256 : i32
        %mul3A_644 = arith.muli %rem3A_642, %mul3A_643 : i32
        %dma_start3A_645 = arith.constant 1 : i32
        %dma_start3A_646 = arith.constant 0 : i32
        %dma_start3A_647 = arith.constant 0 : i32
        %dma_start3A_648 = tpu.memref_slice %arg6[%dma_start3A_645, %dma_start3A_646, %dma_start3A_647] : memref<3x256x64xf32, #tpu.memory_space<vmem>> -> memref<1x256x64xf32, #tpu.memory_space<vmem>>
        %dma_start3A_649 = tpu.memref_squeeze %dma_start3A_648 : memref<1x256x64xf32, #tpu.memory_space<vmem>> -> memref<256x64xf32, #tpu.memory_space<vmem>>
        %dma_start3A_650 = tpu.memref_slice %arg5[%select_n3A_640, %mul3A_644] : memref<25x1024xi32, #tpu.memory_space<vmem>> -> memref<1x256xi32, #tpu.memory_space<vmem>>
        %dma_start3A_651 = tpu.memref_squeeze %dma_start3A_650 : memref<1x256xi32, #tpu.memory_space<vmem>> -> memref<256xi32, #tpu.memory_space<vmem>>
        %dma_start3A_652 = arith.constant 0 : i32
        %dma_start3A_653 = arith.constant 0 : i32
        %dma_start3A_654 = tpu.memref_slice %arg3[%dma_start3A_652, %dma_start3A_653] : memref<1000000x64xf32, #tpu.memory_space<hbm>> -> memref<1000000x64xf32, #tpu.memory_space<hbm>>
        tpu.enqueue_indirect_dma source(%dma_start3A_654 : memref<1000000x64xf32, #tpu.memory_space<hbm>>) target(%dma_start3A_649 : memref<256x64xf32, #tpu.memory_space<vmem>>) offsets(%dma_start3A_651 : memref<256xi32, #tpu.memory_space<vmem>>) semaphore(%arg9 : memref<!tpu.dma_semaphore, #tpu.memory_space<semaphore_mem>>)
      } else {
      }
      %add3A_496 = arith.constant 2 : i32
      %add3A_497 = arith.addi %mul3A_267, %add3A_496 : i32
      %jit3A_498 = arith.constant 4 : i32
      %div3A_499 = arith.divsi %add3A_497, %jit3A_498 : i32
      %sign3A_500 = arith.constant 0 : i32
      %sign3A_501 = arith.cmpi sgt, %add3A_497, %sign3A_500 : i32
      %sign3A_502 = arith.extui %sign3A_501 : i1 to i32
      %sign3A_503 = arith.constant 0 : i32
      %sign3A_504 = arith.cmpi slt, %add3A_497, %sign3A_503 : i32
      %sign3A_505 = arith.extui %sign3A_504 : i1 to i32
      %sign3A_506 = arith.subi %sign3A_502, %sign3A_505 : i32
      %sign3A_507 = arith.constant 0 : i32
      %sign3A_508 = arith.cmpi sgt, %jit3A_498, %sign3A_507 : i32
      %sign3A_509 = arith.extui %sign3A_508 : i1 to i32
      %sign3A_510 = arith.constant 0 : i32
      %sign3A_511 = arith.cmpi slt, %jit3A_498, %sign3A_510 : i32
      %sign3A_512 = arith.extui %sign3A_511 : i1 to i32
      %sign3A_513 = arith.subi %sign3A_509, %sign3A_512 : i32
      %ne3A_514 = arith.cmpi ne, %sign3A_506, %sign3A_513 : i32
      %rem3A_515 = arith.remsi %add3A_497, %jit3A_498 : i32
      %ne3A_516 = arith.constant 0 : i32
      %ne3A_517 = arith.cmpi ne, %rem3A_515, %ne3A_516 : i32
      %and3A_518 = arith.andi %ne3A_514, %ne3A_517 : i1
      %sub3A_519 = arith.constant 1 : i32
      %sub3A_520 = arith.subi %div3A_499, %sub3A_519 : i32
      %select_n3A_521 = arith.select %and3A_518, %sub3A_520, %div3A_499 : i32
      %rem3A_522 = arith.constant 4 : i32
      %rem3A_523 = arith.remsi %add3A_497, %rem3A_522 : i32
      %mul3A_524 = arith.constant 256 : i32
      %mul3A_525 = arith.muli %rem3A_523, %mul3A_524 : i32
      %dma_wait3A_526 = arith.constant 2 : i32
      %dma_wait3A_527 = arith.constant 0 : i32
      %dma_wait3A_528 = arith.constant 0 : i32
      %dma_wait3A_529 = tpu.memref_slice %arg6[%dma_wait3A_526, %dma_wait3A_527, %dma_wait3A_528] : memref<3x256x64xf32, #tpu.memory_space<vmem>> -> memref<1x256x64xf32, #tpu.memory_space<vmem>>
      %dma_wait3A_530 = tpu.memref_squeeze %dma_wait3A_529 : memref<1x256x64xf32, #tpu.memory_space<vmem>> -> memref<256x64xf32, #tpu.memory_space<vmem>>
      %dma_wait3A_531 = tpu.memref_slice %arg5[%select_n3A_521, %mul3A_525] : memref<25x1024xi32, #tpu.memory_space<vmem>> -> memref<1x256xi32, #tpu.memory_space<vmem>>
      %dma_wait3A_532 = tpu.memref_squeeze %dma_wait3A_531 : memref<1x256xi32, #tpu.memory_space<vmem>> -> memref<256xi32, #tpu.memory_space<vmem>>
      %dma_wait3A_533 = arith.constant 0 : i32
      %dma_wait3A_534 = arith.constant 0 : i32
      %dma_wait3A_535 = tpu.memref_slice %arg3[%dma_wait3A_533, %dma_wait3A_534] : memref<1000000x64xf32, #tpu.memory_space<hbm>> -> memref<1000000x64xf32, #tpu.memory_space<hbm>>
      tpu.wait_indirect_dma semaphore(%arg10 : memref<!tpu.dma_semaphore, #tpu.memory_space<semaphore_mem>>) src(%dma_wait3A_535 : memref<1000000x64xf32, #tpu.memory_space<hbm>>) dst(%dma_wait3A_530 : memref<256x64xf32, #tpu.memory_space<vmem>>)
      %mul3A_536 = arith.constant 2 : i32
      %mul3A_537 = arith.muli %add3A_497, %mul3A_536 : i32
      %add3A_538 = arith.constant 0 : i32
      %add3A_539 = arith.addi %mul3A_537, %add3A_538 : i32
      %ge3A_540 = arith.constant 2 : i32
      %ge3A_541 = arith.cmpi sge, %add3A_539, %ge3A_540 : i32
      %convert_element_type3A_542 = arith.extui %ge3A_541 : i1 to i32
      %cond3A_543 = arith.constant 0 : i32
      %cond3A_544 = arith.cmpi ne, %convert_element_type3A_542, %cond3A_543 : i32
      scf.if %cond3A_544 {
        %sub3A_615 = arith.constant 2 : i32
        %sub3A_616 = arith.subi %add3A_539, %sub3A_615 : i32
        %dma_wait3A_617 = arith.constant 0 : i32
        %dma_wait3A_618 = arith.constant 0 : i32
        %dma_wait3A_619 = arith.constant 0 : i32
        %dma_wait3A_620 = arith.constant 0 : i32
        %dma_wait3A_621 = arith.constant 0 : i32
        %dma_wait3A_622 = tpu.memref_slice %arg7[%dma_wait3A_617, %dma_wait3A_618, %dma_wait3A_619, %dma_wait3A_620, %dma_wait3A_621] : memref<2x8x1x8x133xf32, #tpu.memory_space<vmem>> -> memref<1x8x1x8x128xf32, #tpu.memory_space<vmem>>
        %dma_wait3A_623 = tpu.memref_squeeze %dma_wait3A_622 : memref<1x8x1x8x128xf32, #tpu.memory_space<vmem>> -> memref<8x1x8x128xf32, #tpu.memory_space<vmem>>
        %dma_wait3A_624 = arith.constant 0 : i32
        %dma_wait3A_625 = arith.constant 0 : i32
        %dma_wait3A_626 = arith.constant 0 : i32
        %dma_wait3A_627 = tpu.memref_slice %arg4[%sub3A_616, %dma_wait3A_624, %add3A, %dma_wait3A_625, %dma_wait3A_626] : memref<200x8x32x8x128xf32, #tpu.memory_space<hbm>> -> memref<1x8x1x8x128xf32, #tpu.memory_space<hbm>>
        %dma_wait3A_628 = tpu.memref_squeeze %dma_wait3A_627 : memref<1x8x1x8x128xf32, #tpu.memory_space<hbm>> -> memref<8x1x8x128xf32, #tpu.memory_space<hbm>>
        %dma_wait3A_629 = arith.constant 0 : i32
        %dma_wait3A_630 = arith.constant 0 : i32
        %dma_wait3A_631 = arith.constant 0 : i32
        %dma_wait3A_632 = tpu.memref_slice %arg4[%sub3A_616, %dma_wait3A_629, %add3A, %dma_wait3A_630, %dma_wait3A_631] : memref<200x8x32x8x128xf32, #tpu.memory_space<hbm>> -> memref<1x8x1x8x128xf32, #tpu.memory_space<hbm>>
        %dma_wait3A_633 = tpu.memref_squeeze %dma_wait3A_632 : memref<1x8x1x8x128xf32, #tpu.memory_space<hbm>> -> memref<8x1x8x128xf32, #tpu.memory_space<hbm>>
        %dma_wait3A_634 = arith.constant 0 : i32
        %dma_wait3A_635 = arith.constant 0 : i32
        %dma_wait3A_636 = arith.constant 0 : i32
        %dma_wait3A_637 = arith.constant 0 : i32
        %dma_wait3A_638 = tpu.memref_slice %arg7[%dma_wait3A_617, %dma_wait3A_634, %dma_wait3A_635, %dma_wait3A_636, %dma_wait3A_637] : memref<2x8x1x8x133xf32, #tpu.memory_space<vmem>> -> memref<1x8x1x8x128xf32, #tpu.memory_space<vmem>>
        %dma_wait3A_639 = tpu.memref_squeeze %dma_wait3A_638 : memref<1x8x1x8x128xf32, #tpu.memory_space<vmem>> -> memref<8x1x8x128xf32, #tpu.memory_space<vmem>>
        tpu.wait_dma2 semaphore(%arg11 : memref<!tpu.dma_semaphore, #tpu.memory_space<semaphore_mem>>) src(%dma_wait3A_639 : memref<8x1x8x128xf32, #tpu.memory_space<vmem>>) dst(%dma_wait3A_633 : memref<8x1x8x128xf32, #tpu.memory_space<hbm>>)
      } else {
      }
      %parallel_loop3A_545 = arith.constant 0 : i32
      %parallel_loop3A_546 = arith.constant 128 : i32
      %parallel_loop3A_547 = arith.constant 1 : i32
      %parallel_loop3A_548 = arith.constant 0 : i32
      scf.for %parallel_loop3A_615 = %parallel_loop3A_545 to %parallel_loop3A_546 step %parallel_loop3A_547  : i32 {
        %parallel_loop3A_616 = vector.broadcast %parallel_loop3A_615 : i32 to vector<16xi32>
        %parallel_loop3A_617 = arith.addi %broadcast_in_dim3A_47, %parallel_loop3A_616 : vector<16xi32>
        %parallel_loop3A_618 = arith.constant 0 : i32
        %parallel_loop3A_619 = arith.addi %parallel_loop3A_618, %parallel_loop3A_615 : i32
        %parallel_loop3A_620 = arith.constant 2 : i32
        %parallel_loop3A_621 = arith.index_cast %parallel_loop3A_620 : i32 to index
        %parallel_loop3A_622 = arith.index_cast %parallel_loop3A_619 : i32 to index
        %parallel_loop3A_623 = arith.constant 0 : index
        %parallel_loop3A_624 = tpu.vector_load %arg6[%parallel_loop3A_621, %parallel_loop3A_622, %parallel_loop3A_623] {strides = array<i32>} : memref<3x256x64xf32, #tpu.memory_space<vmem>>, vector<16xf32>,
        %parallel_loop3A_625 = arith.constant 8.000000e+00 : f32
        %parallel_loop3A_626 = vector.broadcast %parallel_loop3A_625 : f32 to vector<16xf32>
        %parallel_loop3A_627 = arith.mulf %parallel_loop3A_624, %parallel_loop3A_626 : vector<16xf32>
        %parallel_loop3A_628 = arith.constant 0 : i32
        %parallel_loop3A_629 = arith.constant 0 : i32
        %parallel_loop3A_630 = arith.constant 0 : i32
        %parallel_loop3A_631 = arith.constant 0 : i32
        %parallel_loop3A_632 = tpu.memref_slice %arg7[%parallel_loop3A_548, %parallel_loop3A_628, %parallel_loop3A_629, %parallel_loop3A_630, %parallel_loop3A_631] : memref<2x8x1x8x133xf32, #tpu.memory_space<vmem>> -> memref<1x8x1x8x133xf32, #tpu.memory_space<vmem>>
        %parallel_loop3A_633 = tpu.memref_squeeze %parallel_loop3A_632 : memref<1x8x1x8x133xf32, #tpu.memory_space<vmem>> -> memref<8x1x8x133xf32, #tpu.memory_space<vmem>>
        tpu.vector_store_idx %parallel_loop3A_633[%shift_right_logical3A_52, %broadcast_in_dim3A_47, %and3A_75, %parallel_loop3A_617], %parallel_loop3A_627 : memref<8x1x8x133xf32, #tpu.memory_space<vmem>>[vector<16xi32>, vector<16xi32>, vector<16xi32>, vector<16xi32>], vector<16xf32>,
        %parallel_loop3A_634 = arith.constant 0 : i32
        %parallel_loop3A_635 = arith.addi %parallel_loop3A_634, %parallel_loop3A_615 : i32
        %parallel_loop3A_636 = arith.constant 2 : i32
        %parallel_loop3A_637 = arith.index_cast %parallel_loop3A_636 : i32 to index
        %parallel_loop3A_638 = arith.index_cast %parallel_loop3A_635 : i32 to index
        %parallel_loop3A_639 = arith.constant 16 : index
        %parallel_loop3A_640 = tpu.vector_load %arg6[%parallel_loop3A_637, %parallel_loop3A_638, %parallel_loop3A_639] {strides = array<i32>} : memref<3x256x64xf32, #tpu.memory_space<vmem>>, vector<16xf32>,
        %parallel_loop3A_641 = arith.constant 8.000000e+00 : f32
        %parallel_loop3A_642 = vector.broadcast %parallel_loop3A_641 : f32 to vector<16xf32>
        %parallel_loop3A_643 = arith.mulf %parallel_loop3A_640, %parallel_loop3A_642 : vector<16xf32>
        %parallel_loop3A_644 = arith.constant 0 : i32
        %parallel_loop3A_645 = arith.constant 0 : i32
        %parallel_loop3A_646 = arith.constant 0 : i32
        %parallel_loop3A_647 = arith.constant 0 : i32
        %parallel_loop3A_648 = tpu.memref_slice %arg7[%parallel_loop3A_548, %parallel_loop3A_644, %parallel_loop3A_645, %parallel_loop3A_646, %parallel_loop3A_647] : memref<2x8x1x8x133xf32, #tpu.memory_space<vmem>> -> memref<1x8x1x8x133xf32, #tpu.memory_space<vmem>>
        %parallel_loop3A_649 = tpu.memref_squeeze %parallel_loop3A_648 : memref<1x8x1x8x133xf32, #tpu.memory_space<vmem>> -> memref<8x1x8x133xf32, #tpu.memory_space<vmem>>
        tpu.vector_store_idx %parallel_loop3A_649[%shift_right_logical3A_58, %broadcast_in_dim3A_47, %and3A_81, %parallel_loop3A_617], %parallel_loop3A_643 : memref<8x1x8x133xf32, #tpu.memory_space<vmem>>[vector<16xi32>, vector<16xi32>, vector<16xi32>, vector<16xi32>], vector<16xf32>,
        %parallel_loop3A_650 = arith.constant 0 : i32
        %parallel_loop3A_651 = arith.addi %parallel_loop3A_650, %parallel_loop3A_615 : i32
        %parallel_loop3A_652 = arith.constant 2 : i32
        %parallel_loop3A_653 = arith.index_cast %parallel_loop3A_652 : i32 to index
        %parallel_loop3A_654 = arith.index_cast %parallel_loop3A_651 : i32 to index
        %parallel_loop3A_655 = arith.constant 32 : index
        %parallel_loop3A_656 = tpu.vector_load %arg6[%parallel_loop3A_653, %parallel_loop3A_654, %parallel_loop3A_655] {strides = array<i32>} : memref<3x256x64xf32, #tpu.memory_space<vmem>>, vector<16xf32>,
        %parallel_loop3A_657 = arith.constant 8.000000e+00 : f32
        %parallel_loop3A_658 = vector.broadcast %parallel_loop3A_657 : f32 to vector<16xf32>
        %parallel_loop3A_659 = arith.mulf %parallel_loop3A_656, %parallel_loop3A_658 : vector<16xf32>
        %parallel_loop3A_660 = arith.constant 0 : i32
        %parallel_loop3A_661 = arith.constant 0 : i32
        %parallel_loop3A_662 = arith.constant 0 : i32
        %parallel_loop3A_663 = arith.constant 0 : i32
        %parallel_loop3A_664 = tpu.memref_slice %arg7[%parallel_loop3A_548, %parallel_loop3A_660, %parallel_loop3A_661, %parallel_loop3A_662, %parallel_loop3A_663] : memref<2x8x1x8x133xf32, #tpu.memory_space<vmem>> -> memref<1x8x1x8x133xf32, #tpu.memory_space<vmem>>
        %parallel_loop3A_665 = tpu.memref_squeeze %parallel_loop3A_664 : memref<1x8x1x8x133xf32, #tpu.memory_space<vmem>> -> memref<8x1x8x133xf32, #tpu.memory_space<vmem>>
        tpu.vector_store_idx %parallel_loop3A_665[%shift_right_logical3A_64, %broadcast_in_dim3A_47, %and3A_87, %parallel_loop3A_617], %parallel_loop3A_659 : memref<8x1x8x133xf32, #tpu.memory_space<vmem>>[vector<16xi32>, vector<16xi32>, vector<16xi32>, vector<16xi32>], vector<16xf32>,
        %parallel_loop3A_666 = arith.constant 0 : i32
        %parallel_loop3A_667 = arith.addi %parallel_loop3A_666, %parallel_loop3A_615 : i32
        %parallel_loop3A_668 = arith.constant 2 : i32
        %parallel_loop3A_669 = arith.index_cast %parallel_loop3A_668 : i32 to index
        %parallel_loop3A_670 = arith.index_cast %parallel_loop3A_667 : i32 to index
        %parallel_loop3A_671 = arith.constant 48 : index
        %parallel_loop3A_672 = tpu.vector_load %arg6[%parallel_loop3A_669, %parallel_loop3A_670, %parallel_loop3A_671] {strides = array<i32>} : memref<3x256x64xf32, #tpu.memory_space<vmem>>, vector<16xf32>,
        %parallel_loop3A_673 = arith.constant 8.000000e+00 : f32
        %parallel_loop3A_674 = vector.broadcast %parallel_loop3A_673 : f32 to vector<16xf32>
        %parallel_loop3A_675 = arith.mulf %parallel_loop3A_672, %parallel_loop3A_674 : vector<16xf32>
        %parallel_loop3A_676 = arith.constant 0 : i32
        %parallel_loop3A_677 = arith.constant 0 : i32
        %parallel_loop3A_678 = arith.constant 0 : i32
        %parallel_loop3A_679 = arith.constant 0 : i32
        %parallel_loop3A_680 = tpu.memref_slice %arg7[%parallel_loop3A_548, %parallel_loop3A_676, %parallel_loop3A_677, %parallel_loop3A_678, %parallel_loop3A_679] : memref<2x8x1x8x133xf32, #tpu.memory_space<vmem>> -> memref<1x8x1x8x133xf32, #tpu.memory_space<vmem>>
        %parallel_loop3A_681 = tpu.memref_squeeze %parallel_loop3A_680 : memref<1x8x1x8x133xf32, #tpu.memory_space<vmem>> -> memref<8x1x8x133xf32, #tpu.memory_space<vmem>>
        tpu.vector_store_idx %parallel_loop3A_681[%shift_right_logical3A_70, %broadcast_in_dim3A_47, %and3A_93, %parallel_loop3A_617], %parallel_loop3A_675 : memref<8x1x8x133xf32, #tpu.memory_space<vmem>>[vector<16xi32>, vector<16xi32>, vector<16xi32>, vector<16xi32>], vector<16xf32>,
      } {sc.loop_unroll_factor = 2 : i64, sc.parallel_access}
      %dma_start3A_549 = arith.constant 0 : i32
      %dma_start3A_550 = arith.constant 0 : i32
      %dma_start3A_551 = arith.constant 0 : i32
      %dma_start3A_552 = arith.constant 0 : i32
      %dma_start3A_553 = arith.constant 0 : i32
      %dma_start3A_554 = tpu.memref_slice %arg7[%dma_start3A_549, %dma_start3A_550, %dma_start3A_551, %dma_start3A_552, %dma_start3A_553] : memref<2x8x1x8x133xf32, #tpu.memory_space<vmem>> -> memref<1x8x1x8x128xf32, #tpu.memory_space<vmem>>
      %dma_start3A_555 = tpu.memref_squeeze %dma_start3A_554 : memref<1x8x1x8x128xf32, #tpu.memory_space<vmem>> -> memref<8x1x8x128xf32, #tpu.memory_space<vmem>>
      %dma_start3A_556 = arith.constant 0 : i32
      %dma_start3A_557 = arith.constant 0 : i32
      %dma_start3A_558 = arith.constant 0 : i32
      %dma_start3A_559 = tpu.memref_slice %arg4[%add3A_539, %dma_start3A_556, %add3A, %dma_start3A_557, %dma_start3A_558] : memref<200x8x32x8x128xf32, #tpu.memory_space<hbm>> -> memref<1x8x1x8x128xf32, #tpu.memory_space<hbm>>
      %dma_start3A_560 = tpu.memref_squeeze %dma_start3A_559 : memref<1x8x1x8x128xf32, #tpu.memory_space<hbm>> -> memref<8x1x8x128xf32, #tpu.memory_space<hbm>>
      %dma_start3A_561 = arith.constant 0 : i32
      %dma_start3A_562 = arith.constant 0 : i32
      %dma_start3A_563 = arith.constant 0 : i32
      %dma_start3A_564 = tpu.memref_slice %arg4[%add3A_539, %dma_start3A_561, %add3A, %dma_start3A_562, %dma_start3A_563] : memref<200x8x32x8x128xf32, #tpu.memory_space<hbm>> -> memref<1x8x1x8x128xf32, #tpu.memory_space<hbm>>
      %dma_start3A_565 = tpu.memref_squeeze %dma_start3A_564 : memref<1x8x1x8x128xf32, #tpu.memory_space<hbm>> -> memref<8x1x8x128xf32, #tpu.memory_space<hbm>>
      %dma_start3A_566 = arith.constant 0 : i32
      %dma_start3A_567 = arith.constant 0 : i32
      %dma_start3A_568 = arith.constant 0 : i32
      %dma_start3A_569 = arith.constant 0 : i32
      %dma_start3A_570 = tpu.memref_slice %arg7[%dma_start3A_549, %dma_start3A_566, %dma_start3A_567, %dma_start3A_568, %dma_start3A_569] : memref<2x8x1x8x133xf32, #tpu.memory_space<vmem>> -> memref<1x8x1x8x128xf32, #tpu.memory_space<vmem>>
      %dma_start3A_571 = tpu.memref_squeeze %dma_start3A_570 : memref<1x8x1x8x128xf32, #tpu.memory_space<vmem>> -> memref<8x1x8x128xf32, #tpu.memory_space<vmem>>
      tpu.enqueue_dma source(%dma_start3A_571 : memref<8x1x8x128xf32, #tpu.memory_space<vmem>>) target(%dma_start3A_565 : memref<8x1x8x128xf32, #tpu.memory_space<hbm>>) target_semaphore(%arg11 : memref<!tpu.dma_semaphore, #tpu.memory_space<semaphore_mem>>)
      %mul3A_572 = arith.constant 2 : i32
      %mul3A_573 = arith.muli %add3A_497, %mul3A_572 : i32
      %add3A_574 = arith.constant 1 : i32
      %add3A_575 = arith.addi %mul3A_573, %add3A_574 : i32
      %ge3A_576 = arith.constant 2 : i32
      %ge3A_577 = arith.cmpi sge, %add3A_575, %ge3A_576 : i32
      %convert_element_type3A_578 = arith.extui %ge3A_577 : i1 to i32
      %cond3A_579 = arith.constant 0 : i32
      %cond3A_580 = arith.cmpi ne, %convert_element_type3A_578, %cond3A_579 : i32
      scf.if %cond3A_580 {
        %sub3A_615 = arith.constant 2 : i32
        %sub3A_616 = arith.subi %add3A_575, %sub3A_615 : i32
        %dma_wait3A_617 = arith.constant 1 : i32
        %dma_wait3A_618 = arith.constant 0 : i32
        %dma_wait3A_619 = arith.constant 0 : i32
        %dma_wait3A_620 = arith.constant 0 : i32
        %dma_wait3A_621 = arith.constant 0 : i32
        %dma_wait3A_622 = tpu.memref_slice %arg7[%dma_wait3A_617, %dma_wait3A_618, %dma_wait3A_619, %dma_wait3A_620, %dma_wait3A_621] : memref<2x8x1x8x133xf32, #tpu.memory_space<vmem>> -> memref<1x8x1x8x128xf32, #tpu.memory_space<vmem>>
        %dma_wait3A_623 = tpu.memref_squeeze %dma_wait3A_622 : memref<1x8x1x8x128xf32, #tpu.memory_space<vmem>> -> memref<8x1x8x128xf32, #tpu.memory_space<vmem>>
        %dma_wait3A_624 = arith.constant 0 : i32
        %dma_wait3A_625 = arith.constant 0 : i32
        %dma_wait3A_626 = arith.constant 0 : i32
        %dma_wait3A_627 = tpu.memref_slice %arg4[%sub3A_616, %dma_wait3A_624, %add3A, %dma_wait3A_625, %dma_wait3A_626] : memref<200x8x32x8x128xf32, #tpu.memory_space<hbm>> -> memref<1x8x1x8x128xf32, #tpu.memory_space<hbm>>
        %dma_wait3A_628 = tpu.memref_squeeze %dma_wait3A_627 : memref<1x8x1x8x128xf32, #tpu.memory_space<hbm>> -> memref<8x1x8x128xf32, #tpu.memory_space<hbm>>
        %dma_wait3A_629 = arith.constant 0 : i32
        %dma_wait3A_630 = arith.constant 0 : i32
        %dma_wait3A_631 = arith.constant 0 : i32
        %dma_wait3A_632 = tpu.memref_slice %arg4[%sub3A_616, %dma_wait3A_629, %add3A, %dma_wait3A_630, %dma_wait3A_631] : memref<200x8x32x8x128xf32, #tpu.memory_space<hbm>> -> memref<1x8x1x8x128xf32, #tpu.memory_space<hbm>>
        %dma_wait3A_633 = tpu.memref_squeeze %dma_wait3A_632 : memref<1x8x1x8x128xf32, #tpu.memory_space<hbm>> -> memref<8x1x8x128xf32, #tpu.memory_space<hbm>>
        %dma_wait3A_634 = arith.constant 0 : i32
        %dma_wait3A_635 = arith.constant 0 : i32
        %dma_wait3A_636 = arith.constant 0 : i32
        %dma_wait3A_637 = arith.constant 0 : i32
        %dma_wait3A_638 = tpu.memref_slice %arg7[%dma_wait3A_617, %dma_wait3A_634, %dma_wait3A_635, %dma_wait3A_636, %dma_wait3A_637] : memref<2x8x1x8x133xf32, #tpu.memory_space<vmem>> -> memref<1x8x1x8x128xf32, #tpu.memory_space<vmem>>
        %dma_wait3A_639 = tpu.memref_squeeze %dma_wait3A_638 : memref<1x8x1x8x128xf32, #tpu.memory_space<vmem>> -> memref<8x1x8x128xf32, #tpu.memory_space<vmem>>
        tpu.wait_dma2 semaphore(%arg12 : memref<!tpu.dma_semaphore, #tpu.memory_space<semaphore_mem>>) src(%dma_wait3A_639 : memref<8x1x8x128xf32, #tpu.memory_space<vmem>>) dst(%dma_wait3A_633 : memref<8x1x8x128xf32, #tpu.memory_space<hbm>>)
      } else {
      }
      %parallel_loop3A_581 = arith.constant 0 : i32
      %parallel_loop3A_582 = arith.constant 128 : i32
      %parallel_loop3A_583 = arith.constant 1 : i32
      %parallel_loop3A_584 = arith.constant 1 : i32
      scf.for %parallel_loop3A_615 = %parallel_loop3A_581 to %parallel_loop3A_582 step %parallel_loop3A_583  : i32 {
        %parallel_loop3A_616 = vector.broadcast %parallel_loop3A_615 : i32 to vector<16xi32>
        %parallel_loop3A_617 = arith.addi %broadcast_in_dim3A_47, %parallel_loop3A_616 : vector<16xi32>
        %parallel_loop3A_618 = arith.constant 128 : i32
        %parallel_loop3A_619 = arith.addi %parallel_loop3A_618, %parallel_loop3A_615 : i32
        %parallel_loop3A_620 = arith.constant 2 : i32
        %parallel_loop3A_621 = arith.index_cast %parallel_loop3A_620 : i32 to index
        %parallel_loop3A_622 = arith.index_cast %parallel_loop3A_619 : i32 to index
        %parallel_loop3A_623 = arith.constant 0 : index
        %parallel_loop3A_624 = tpu.vector_load %arg6[%parallel_loop3A_621, %parallel_loop3A_622, %parallel_loop3A_623] {strides = array<i32>} : memref<3x256x64xf32, #tpu.memory_space<vmem>>, vector<16xf32>,
        %parallel_loop3A_625 = arith.constant 8.000000e+00 : f32
        %parallel_loop3A_626 = vector.broadcast %parallel_loop3A_625 : f32 to vector<16xf32>
        %parallel_loop3A_627 = arith.mulf %parallel_loop3A_624, %parallel_loop3A_626 : vector<16xf32>
        %parallel_loop3A_628 = arith.constant 0 : i32
        %parallel_loop3A_629 = arith.constant 0 : i32
        %parallel_loop3A_630 = arith.constant 0 : i32
        %parallel_loop3A_631 = arith.constant 0 : i32
        %parallel_loop3A_632 = tpu.memref_slice %arg7[%parallel_loop3A_584, %parallel_loop3A_628, %parallel_loop3A_629, %parallel_loop3A_630, %parallel_loop3A_631] : memref<2x8x1x8x133xf32, #tpu.memory_space<vmem>> -> memref<1x8x1x8x133xf32, #tpu.memory_space<vmem>>
        %parallel_loop3A_633 = tpu.memref_squeeze %parallel_loop3A_632 : memref<1x8x1x8x133xf32, #tpu.memory_space<vmem>> -> memref<8x1x8x133xf32, #tpu.memory_space<vmem>>
        tpu.vector_store_idx %parallel_loop3A_633[%shift_right_logical3A_52, %broadcast_in_dim3A_47, %and3A_75, %parallel_loop3A_617], %parallel_loop3A_627 : memref<8x1x8x133xf32, #tpu.memory_space<vmem>>[vector<16xi32>, vector<16xi32>, vector<16xi32>, vector<16xi32>], vector<16xf32>,
        %parallel_loop3A_634 = arith.constant 128 : i32
        %parallel_loop3A_635 = arith.addi %parallel_loop3A_634, %parallel_loop3A_615 : i32
        %parallel_loop3A_636 = arith.constant 2 : i32
        %parallel_loop3A_637 = arith.index_cast %parallel_loop3A_636 : i32 to index
        %parallel_loop3A_638 = arith.index_cast %parallel_loop3A_635 : i32 to index
        %parallel_loop3A_639 = arith.constant 16 : index
        %parallel_loop3A_640 = tpu.vector_load %arg6[%parallel_loop3A_637, %parallel_loop3A_638, %parallel_loop3A_639] {strides = array<i32>} : memref<3x256x64xf32, #tpu.memory_space<vmem>>, vector<16xf32>,
        %parallel_loop3A_641 = arith.constant 8.000000e+00 : f32
        %parallel_loop3A_642 = vector.broadcast %parallel_loop3A_641 : f32 to vector<16xf32>
        %parallel_loop3A_643 = arith.mulf %parallel_loop3A_640, %parallel_loop3A_642 : vector<16xf32>
        %parallel_loop3A_644 = arith.constant 0 : i32
        %parallel_loop3A_645 = arith.constant 0 : i32
        %parallel_loop3A_646 = arith.constant 0 : i32
        %parallel_loop3A_647 = arith.constant 0 : i32
        %parallel_loop3A_648 = tpu.memref_slice %arg7[%parallel_loop3A_584, %parallel_loop3A_644, %parallel_loop3A_645, %parallel_loop3A_646, %parallel_loop3A_647] : memref<2x8x1x8x133xf32, #tpu.memory_space<vmem>> -> memref<1x8x1x8x133xf32, #tpu.memory_space<vmem>>
        %parallel_loop3A_649 = tpu.memref_squeeze %parallel_loop3A_648 : memref<1x8x1x8x133xf32, #tpu.memory_space<vmem>> -> memref<8x1x8x133xf32, #tpu.memory_space<vmem>>
        tpu.vector_store_idx %parallel_loop3A_649[%shift_right_logical3A_58, %broadcast_in_dim3A_47, %and3A_81, %parallel_loop3A_617], %parallel_loop3A_643 : memref<8x1x8x133xf32, #tpu.memory_space<vmem>>[vector<16xi32>, vector<16xi32>, vector<16xi32>, vector<16xi32>], vector<16xf32>,
        %parallel_loop3A_650 = arith.constant 128 : i32
        %parallel_loop3A_651 = arith.addi %parallel_loop3A_650, %parallel_loop3A_615 : i32
        %parallel_loop3A_652 = arith.constant 2 : i32
        %parallel_loop3A_653 = arith.index_cast %parallel_loop3A_652 : i32 to index
        %parallel_loop3A_654 = arith.index_cast %parallel_loop3A_651 : i32 to index
        %parallel_loop3A_655 = arith.constant 32 : index
        %parallel_loop3A_656 = tpu.vector_load %arg6[%parallel_loop3A_653, %parallel_loop3A_654, %parallel_loop3A_655] {strides = array<i32>} : memref<3x256x64xf32, #tpu.memory_space<vmem>>, vector<16xf32>,
        %parallel_loop3A_657 = arith.constant 8.000000e+00 : f32
        %parallel_loop3A_658 = vector.broadcast %parallel_loop3A_657 : f32 to vector<16xf32>
        %parallel_loop3A_659 = arith.mulf %parallel_loop3A_656, %parallel_loop3A_658 : vector<16xf32>
        %parallel_loop3A_660 = arith.constant 0 : i32
        %parallel_loop3A_661 = arith.constant 0 : i32
        %parallel_loop3A_662 = arith.constant 0 : i32
        %parallel_loop3A_663 = arith.constant 0 : i32
        %parallel_loop3A_664 = tpu.memref_slice %arg7[%parallel_loop3A_584, %parallel_loop3A_660, %parallel_loop3A_661, %parallel_loop3A_662, %parallel_loop3A_663] : memref<2x8x1x8x133xf32, #tpu.memory_space<vmem>> -> memref<1x8x1x8x133xf32, #tpu.memory_space<vmem>>
        %parallel_loop3A_665 = tpu.memref_squeeze %parallel_loop3A_664 : memref<1x8x1x8x133xf32, #tpu.memory_space<vmem>> -> memref<8x1x8x133xf32, #tpu.memory_space<vmem>>
        tpu.vector_store_idx %parallel_loop3A_665[%shift_right_logical3A_64, %broadcast_in_dim3A_47, %and3A_87, %parallel_loop3A_617], %parallel_loop3A_659 : memref<8x1x8x133xf32, #tpu.memory_space<vmem>>[vector<16xi32>, vector<16xi32>, vector<16xi32>, vector<16xi32>], vector<16xf32>,
        %parallel_loop3A_666 = arith.constant 128 : i32
        %parallel_loop3A_667 = arith.addi %parallel_loop3A_666, %parallel_loop3A_615 : i32
        %parallel_loop3A_668 = arith.constant 2 : i32
        %parallel_loop3A_669 = arith.index_cast %parallel_loop3A_668 : i32 to index
        %parallel_loop3A_670 = arith.index_cast %parallel_loop3A_667 : i32 to index
        %parallel_loop3A_671 = arith.constant 48 : index
        %parallel_loop3A_672 = tpu.vector_load %arg6[%parallel_loop3A_669, %parallel_loop3A_670, %parallel_loop3A_671] {strides = array<i32>} : memref<3x256x64xf32, #tpu.memory_space<vmem>>, vector<16xf32>,
        %parallel_loop3A_673 = arith.constant 8.000000e+00 : f32
        %parallel_loop3A_674 = vector.broadcast %parallel_loop3A_673 : f32 to vector<16xf32>
        %parallel_loop3A_675 = arith.mulf %parallel_loop3A_672, %parallel_loop3A_674 : vector<16xf32>
        %parallel_loop3A_676 = arith.constant 0 : i32
        %parallel_loop3A_677 = arith.constant 0 : i32
        %parallel_loop3A_678 = arith.constant 0 : i32
        %parallel_loop3A_679 = arith.constant 0 : i32
        %parallel_loop3A_680 = tpu.memref_slice %arg7[%parallel_loop3A_584, %parallel_loop3A_676, %parallel_loop3A_677, %parallel_loop3A_678, %parallel_loop3A_679] : memref<2x8x1x8x133xf32, #tpu.memory_space<vmem>> -> memref<1x8x1x8x133xf32, #tpu.memory_space<vmem>>
        %parallel_loop3A_681 = tpu.memref_squeeze %parallel_loop3A_680 : memref<1x8x1x8x133xf32, #tpu.memory_space<vmem>> -> memref<8x1x8x133xf32, #tpu.memory_space<vmem>>
        tpu.vector_store_idx %parallel_loop3A_681[%shift_right_logical3A_70, %broadcast_in_dim3A_47, %and3A_93, %parallel_loop3A_617], %parallel_loop3A_675 : memref<8x1x8x133xf32, #tpu.memory_space<vmem>>[vector<16xi32>, vector<16xi32>, vector<16xi32>, vector<16xi32>], vector<16xf32>,
      } {sc.loop_unroll_factor = 2 : i64, sc.parallel_access}
      %dma_start3A_585 = arith.constant 1 : i32
      %dma_start3A_586 = arith.constant 0 : i32
      %dma_start3A_587 = arith.constant 0 : i32
      %dma_start3A_588 = arith.constant 0 : i32
      %dma_start3A_589 = arith.constant 0 : i32
      %dma_start3A_590 = tpu.memref_slice %arg7[%dma_start3A_585, %dma_start3A_586, %dma_start3A_587, %dma_start3A_588, %dma_start3A_589] : memref<2x8x1x8x133xf32, #tpu.memory_space<vmem>> -> memref<1x8x1x8x128xf32, #tpu.memory_space<vmem>>
      %dma_start3A_591 = tpu.memref_squeeze %dma_start3A_590 : memref<1x8x1x8x128xf32, #tpu.memory_space<vmem>> -> memref<8x1x8x128xf32, #tpu.memory_space<vmem>>
      %dma_start3A_592 = arith.constant 0 : i32
      %dma_start3A_593 = arith.constant 0 : i32
      %dma_start3A_594 = arith.constant 0 : i32
      %dma_start3A_595 = tpu.memref_slice %arg4[%add3A_575, %dma_start3A_592, %add3A, %dma_start3A_593, %dma_start3A_594] : memref<200x8x32x8x128xf32, #tpu.memory_space<hbm>> -> memref<1x8x1x8x128xf32, #tpu.memory_space<hbm>>
      %dma_start3A_596 = tpu.memref_squeeze %dma_start3A_595 : memref<1x8x1x8x128xf32, #tpu.memory_space<hbm>> -> memref<8x1x8x128xf32, #tpu.memory_space<hbm>>
      %dma_start3A_597 = arith.constant 0 : i32
      %dma_start3A_598 = arith.constant 0 : i32
      %dma_start3A_599 = arith.constant 0 : i32
      %dma_start3A_600 = tpu.memref_slice %arg4[%add3A_575, %dma_start3A_597, %add3A, %dma_start3A_598, %dma_start3A_599] : memref<200x8x32x8x128xf32, #tpu.memory_space<hbm>> -> memref<1x8x1x8x128xf32, #tpu.memory_space<hbm>>
      %dma_start3A_601 = tpu.memref_squeeze %dma_start3A_600 : memref<1x8x1x8x128xf32, #tpu.memory_space<hbm>> -> memref<8x1x8x128xf32, #tpu.memory_space<hbm>>
      %dma_start3A_602 = arith.constant 0 : i32
      %dma_start3A_603 = arith.constant 0 : i32
      %dma_start3A_604 = arith.constant 0 : i32
      %dma_start3A_605 = arith.constant 0 : i32
      %dma_start3A_606 = tpu.memref_slice %arg7[%dma_start3A_585, %dma_start3A_602, %dma_start3A_603, %dma_start3A_604, %dma_start3A_605] : memref<2x8x1x8x133xf32, #tpu.memory_space<vmem>> -> memref<1x8x1x8x128xf32, #tpu.memory_space<vmem>>
      %dma_start3A_607 = tpu.memref_squeeze %dma_start3A_606 : memref<1x8x1x8x128xf32, #tpu.memory_space<vmem>> -> memref<8x1x8x128xf32, #tpu.memory_space<vmem>>
      tpu.enqueue_dma source(%dma_start3A_607 : memref<8x1x8x128xf32, #tpu.memory_space<vmem>>) target(%dma_start3A_601 : memref<8x1x8x128xf32, #tpu.memory_space<hbm>>) target_semaphore(%arg12 : memref<!tpu.dma_semaphore, #tpu.memory_space<semaphore_mem>>)
      %add3A_608 = arith.constant 3 : i32
      %add3A_609 = arith.addi %add3A_497, %add3A_608 : i32
      %lt3A_610 = arith.constant 100 : i32
      %lt3A_611 = arith.cmpi slt, %add3A_609, %lt3A_610 : i32
      %convert_element_type3A_612 = arith.extui %lt3A_611 : i1 to i32
      %cond3A_613 = arith.constant 0 : i32
      %cond3A_614 = arith.cmpi ne, %convert_element_type3A_612, %cond3A_613 : i32
      scf.if %cond3A_614 {
        %add3A_615 = arith.constant 3 : i32
        %add3A_616 = arith.addi %add3A_497, %add3A_615 : i32
        %jit3A_617 = arith.constant 4 : i32
        %div3A_618 = arith.divsi %add3A_616, %jit3A_617 : i32
        %sign3A_619 = arith.constant 0 : i32
        %sign3A_620 = arith.cmpi sgt, %add3A_616, %sign3A_619 : i32
        %sign3A_621 = arith.extui %sign3A_620 : i1 to i32
        %sign3A_622 = arith.constant 0 : i32
        %sign3A_623 = arith.cmpi slt, %add3A_616, %sign3A_622 : i32
        %sign3A_624 = arith.extui %sign3A_623 : i1 to i32
        %sign3A_625 = arith.subi %sign3A_621, %sign3A_624 : i32
        %sign3A_626 = arith.constant 0 : i32
        %sign3A_627 = arith.cmpi sgt, %jit3A_617, %sign3A_626 : i32
        %sign3A_628 = arith.extui %sign3A_627 : i1 to i32
        %sign3A_629 = arith.constant 0 : i32
        %sign3A_630 = arith.cmpi slt, %jit3A_617, %sign3A_629 : i32
        %sign3A_631 = arith.extui %sign3A_630 : i1 to i32
        %sign3A_632 = arith.subi %sign3A_628, %sign3A_631 : i32
        %ne3A_633 = arith.cmpi ne, %sign3A_625, %sign3A_632 : i32
        %rem3A_634 = arith.remsi %add3A_616, %jit3A_617 : i32
        %ne3A_635 = arith.constant 0 : i32
        %ne3A_636 = arith.cmpi ne, %rem3A_634, %ne3A_635 : i32
        %and3A_637 = arith.andi %ne3A_633, %ne3A_636 : i1
        %sub3A_638 = arith.constant 1 : i32
        %sub3A_639 = arith.subi %div3A_618, %sub3A_638 : i32
        %select_n3A_640 = arith.select %and3A_637, %sub3A_639, %div3A_618 : i32
        %rem3A_641 = arith.constant 4 : i32
        %rem3A_642 = arith.remsi %add3A_616, %rem3A_641 : i32
        %mul3A_643 = arith.constant 256 : i32
        %mul3A_644 = arith.muli %rem3A_642, %mul3A_643 : i32
        %dma_start3A_645 = arith.constant 2 : i32
        %dma_start3A_646 = arith.constant 0 : i32
        %dma_start3A_647 = arith.constant 0 : i32
        %dma_start3A_648 = tpu.memref_slice %arg6[%dma_start3A_645, %dma_start3A_646, %dma_start3A_647] : memref<3x256x64xf32, #tpu.memory_space<vmem>> -> memref<1x256x64xf32, #tpu.memory_space<vmem>>
        %dma_start3A_649 = tpu.memref_squeeze %dma_start3A_648 : memref<1x256x64xf32, #tpu.memory_space<vmem>> -> memref<256x64xf32, #tpu.memory_space<vmem>>
        %dma_start3A_650 = tpu.memref_slice %arg5[%select_n3A_640, %mul3A_644] : memref<25x1024xi32, #tpu.memory_space<vmem>> -> memref<1x256xi32, #tpu.memory_space<vmem>>
        %dma_start3A_651 = tpu.memref_squeeze %dma_start3A_650 : memref<1x256xi32, #tpu.memory_space<vmem>> -> memref<256xi32, #tpu.memory_space<vmem>>
        %dma_start3A_652 = arith.constant 0 : i32
        %dma_start3A_653 = arith.constant 0 : i32
        %dma_start3A_654 = tpu.memref_slice %arg3[%dma_start3A_652, %dma_start3A_653] : memref<1000000x64xf32, #tpu.memory_space<hbm>> -> memref<1000000x64xf32, #tpu.memory_space<hbm>>
        tpu.enqueue_indirect_dma source(%dma_start3A_654 : memref<1000000x64xf32, #tpu.memory_space<hbm>>) target(%dma_start3A_649 : memref<256x64xf32, #tpu.memory_space<vmem>>) offsets(%dma_start3A_651 : memref<256xi32, #tpu.memory_space<vmem>>) semaphore(%arg10 : memref<!tpu.dma_semaphore, #tpu.memory_space<semaphore_mem>>)
      } else {
      }
    }
    %scan3A_98 = arith.constant 33 : i32
    %rem3A_99 = arith.constant 99 : i32
    %rem3A_100 = arith.constant 4 : i32
    %rem3A_101 = arith.remsi %rem3A_99, %rem3A_100 : i32
    %mul3A_102 = arith.constant 256 : i32
    %mul3A_103 = arith.muli %rem3A_101, %mul3A_102 : i32
    %dma_wait3A = arith.constant 24 : i32
    %dma_wait3A_104 = arith.constant 0 : i32
    %dma_wait3A_105 = arith.constant 0 : i32
    %dma_wait3A_106 = arith.constant 0 : i32
    %dma_wait3A_107 = tpu.memref_slice %arg6[%dma_wait3A_104, %dma_wait3A_105, %dma_wait3A_106] : memref<3x256x64xf32, #tpu.memory_space<vmem>> -> memref<1x256x64xf32, #tpu.memory_space<vmem>>
    %dma_wait3A_108 = tpu.memref_squeeze %dma_wait3A_107 : memref<1x256x64xf32, #tpu.memory_space<vmem>> -> memref<256x64xf32, #tpu.memory_space<vmem>>
    %dma_wait3A_109 = tpu.memref_slice %arg5[%dma_wait3A, %mul3A_103] : memref<25x1024xi32, #tpu.memory_space<vmem>> -> memref<1x256xi32, #tpu.memory_space<vmem>>
    %dma_wait3A_110 = tpu.memref_squeeze %dma_wait3A_109 : memref<1x256xi32, #tpu.memory_space<vmem>> -> memref<256xi32, #tpu.memory_space<vmem>>
    %dma_wait3A_111 = arith.constant 0 : i32
    %dma_wait3A_112 = arith.constant 0 : i32
    %dma_wait3A_113 = tpu.memref_slice %arg3[%dma_wait3A_111, %dma_wait3A_112] : memref<1000000x64xf32, #tpu.memory_space<hbm>> -> memref<1000000x64xf32, #tpu.memory_space<hbm>>
    tpu.wait_indirect_dma semaphore(%arg8 : memref<!tpu.dma_semaphore, #tpu.memory_space<semaphore_mem>>) src(%dma_wait3A_113 : memref<1000000x64xf32, #tpu.memory_space<hbm>>) dst(%dma_wait3A_108 : memref<256x64xf32, #tpu.memory_space<vmem>>)
    %dma_wait3A_114 = arith.constant 0 : i32
    %dma_wait3A_115 = arith.constant 196 : i32
    %dma_wait3A_116 = arith.constant 0 : i32
    %dma_wait3A_117 = arith.constant 0 : i32
    %dma_wait3A_118 = arith.constant 0 : i32
    %dma_wait3A_119 = arith.constant 0 : i32
    %dma_wait3A_120 = tpu.memref_slice %arg7[%dma_wait3A_114, %dma_wait3A_116, %dma_wait3A_117, %dma_wait3A_118, %dma_wait3A_119] : memref<2x8x1x8x133xf32, #tpu.memory_space<vmem>> -> memref<1x8x1x8x128xf32, #tpu.memory_space<vmem>>
    %dma_wait3A_121 = tpu.memref_squeeze %dma_wait3A_120 : memref<1x8x1x8x128xf32, #tpu.memory_space<vmem>> -> memref<8x1x8x128xf32, #tpu.memory_space<vmem>>
    %dma_wait3A_122 = arith.constant 0 : i32
    %dma_wait3A_123 = arith.constant 0 : i32
    %dma_wait3A_124 = arith.constant 0 : i32
    %dma_wait3A_125 = tpu.memref_slice %arg4[%dma_wait3A_115, %dma_wait3A_122, %add3A, %dma_wait3A_123, %dma_wait3A_124] : memref<200x8x32x8x128xf32, #tpu.memory_space<hbm>> -> memref<1x8x1x8x128xf32, #tpu.memory_space<hbm>>
    %dma_wait3A_126 = tpu.memref_squeeze %dma_wait3A_125 : memref<1x8x1x8x128xf32, #tpu.memory_space<hbm>> -> memref<8x1x8x128xf32, #tpu.memory_space<hbm>>
    %dma_wait3A_127 = arith.constant 0 : i32
    %dma_wait3A_128 = arith.constant 0 : i32
    %dma_wait3A_129 = arith.constant 0 : i32
    %dma_wait3A_130 = tpu.memref_slice %arg4[%dma_wait3A_115, %dma_wait3A_127, %add3A, %dma_wait3A_128, %dma_wait3A_129] : memref<200x8x32x8x128xf32, #tpu.memory_space<hbm>> -> memref<1x8x1x8x128xf32, #tpu.memory_space<hbm>>
    %dma_wait3A_131 = tpu.memref_squeeze %dma_wait3A_130 : memref<1x8x1x8x128xf32, #tpu.memory_space<hbm>> -> memref<8x1x8x128xf32, #tpu.memory_space<hbm>>
    %dma_wait3A_132 = arith.constant 0 : i32
    %dma_wait3A_133 = arith.constant 0 : i32
    %dma_wait3A_134 = arith.constant 0 : i32
    %dma_wait3A_135 = arith.constant 0 : i32
    %dma_wait3A_136 = tpu.memref_slice %arg7[%dma_wait3A_114, %dma_wait3A_132, %dma_wait3A_133, %dma_wait3A_134, %dma_wait3A_135] : memref<2x8x1x8x133xf32, #tpu.memory_space<vmem>> -> memref<1x8x1x8x128xf32, #tpu.memory_space<vmem>>
    %dma_wait3A_137 = tpu.memref_squeeze %dma_wait3A_136 : memref<1x8x1x8x128xf32, #tpu.memory_space<vmem>> -> memref<8x1x8x128xf32, #tpu.memory_space<vmem>>
    tpu.wait_dma2 semaphore(%arg11 : memref<!tpu.dma_semaphore, #tpu.memory_space<semaphore_mem>>) src(%dma_wait3A_137 : memref<8x1x8x128xf32, #tpu.memory_space<vmem>>) dst(%dma_wait3A_131 : memref<8x1x8x128xf32, #tpu.memory_space<hbm>>)
    %parallel_loop3A = arith.constant 0 : i32
    %parallel_loop3A_138 = arith.constant 128 : i32
    %parallel_loop3A_139 = arith.constant 1 : i32
    %parallel_loop3A_140 = arith.constant 0 : i32
    scf.for %parallel_loop3A_265 = %parallel_loop3A to %parallel_loop3A_138 step %parallel_loop3A_139  : i32 {
      %parallel_loop3A_266 = vector.broadcast %parallel_loop3A_265 : i32 to vector<16xi32>
      %parallel_loop3A_267 = arith.addi %broadcast_in_dim3A_47, %parallel_loop3A_266 : vector<16xi32>
      %parallel_loop3A_268 = arith.constant 0 : i32
      %parallel_loop3A_269 = arith.addi %parallel_loop3A_268, %parallel_loop3A_265 : i32
      %parallel_loop3A_270 = arith.constant 0 : i32
      %parallel_loop3A_271 = arith.index_cast %parallel_loop3A_270 : i32 to index
      %parallel_loop3A_272 = arith.index_cast %parallel_loop3A_269 : i32 to index
      %parallel_loop3A_273 = arith.constant 0 : index
      %parallel_loop3A_274 = tpu.vector_load %arg6[%parallel_loop3A_271, %parallel_loop3A_272, %parallel_loop3A_273] {strides = array<i32>} : memref<3x256x64xf32, #tpu.memory_space<vmem>>, vector<16xf32>,
      %parallel_loop3A_275 = arith.constant 8.000000e+00 : f32
      %parallel_loop3A_276 = vector.broadcast %parallel_loop3A_275 : f32 to vector<16xf32>
      %parallel_loop3A_277 = arith.mulf %parallel_loop3A_274, %parallel_loop3A_276 : vector<16xf32>
      %parallel_loop3A_278 = arith.constant 0 : i32
      %parallel_loop3A_279 = arith.constant 0 : i32
      %parallel_loop3A_280 = arith.constant 0 : i32
      %parallel_loop3A_281 = arith.constant 0 : i32
      %parallel_loop3A_282 = tpu.memref_slice %arg7[%parallel_loop3A_140, %parallel_loop3A_278, %parallel_loop3A_279, %parallel_loop3A_280, %parallel_loop3A_281] : memref<2x8x1x8x133xf32, #tpu.memory_space<vmem>> -> memref<1x8x1x8x133xf32, #tpu.memory_space<vmem>>
      %parallel_loop3A_283 = tpu.memref_squeeze %parallel_loop3A_282 : memref<1x8x1x8x133xf32, #tpu.memory_space<vmem>> -> memref<8x1x8x133xf32, #tpu.memory_space<vmem>>
      tpu.vector_store_idx %parallel_loop3A_283[%shift_right_logical3A_52, %broadcast_in_dim3A_47, %and3A_75, %parallel_loop3A_267], %parallel_loop3A_277 : memref<8x1x8x133xf32, #tpu.memory_space<vmem>>[vector<16xi32>, vector<16xi32>, vector<16xi32>, vector<16xi32>], vector<16xf32>,
      %parallel_loop3A_284 = arith.constant 0 : i32
      %parallel_loop3A_285 = arith.addi %parallel_loop3A_284, %parallel_loop3A_265 : i32
      %parallel_loop3A_286 = arith.constant 0 : i32
      %parallel_loop3A_287 = arith.index_cast %parallel_loop3A_286 : i32 to index
      %parallel_loop3A_288 = arith.index_cast %parallel_loop3A_285 : i32 to index
      %parallel_loop3A_289 = arith.constant 16 : index
      %parallel_loop3A_290 = tpu.vector_load %arg6[%parallel_loop3A_287, %parallel_loop3A_288, %parallel_loop3A_289] {strides = array<i32>} : memref<3x256x64xf32, #tpu.memory_space<vmem>>, vector<16xf32>,
      %parallel_loop3A_291 = arith.constant 8.000000e+00 : f32
      %parallel_loop3A_292 = vector.broadcast %parallel_loop3A_291 : f32 to vector<16xf32>
      %parallel_loop3A_293 = arith.mulf %parallel_loop3A_290, %parallel_loop3A_292 : vector<16xf32>
      %parallel_loop3A_294 = arith.constant 0 : i32
      %parallel_loop3A_295 = arith.constant 0 : i32
      %parallel_loop3A_296 = arith.constant 0 : i32
      %parallel_loop3A_297 = arith.constant 0 : i32
      %parallel_loop3A_298 = tpu.memref_slice %arg7[%parallel_loop3A_140, %parallel_loop3A_294, %parallel_loop3A_295, %parallel_loop3A_296, %parallel_loop3A_297] : memref<2x8x1x8x133xf32, #tpu.memory_space<vmem>> -> memref<1x8x1x8x133xf32, #tpu.memory_space<vmem>>
      %parallel_loop3A_299 = tpu.memref_squeeze %parallel_loop3A_298 : memref<1x8x1x8x133xf32, #tpu.memory_space<vmem>> -> memref<8x1x8x133xf32, #tpu.memory_space<vmem>>
      tpu.vector_store_idx %parallel_loop3A_299[%shift_right_logical3A_58, %broadcast_in_dim3A_47, %and3A_81, %parallel_loop3A_267], %parallel_loop3A_293 : memref<8x1x8x133xf32, #tpu.memory_space<vmem>>[vector<16xi32>, vector<16xi32>, vector<16xi32>, vector<16xi32>], vector<16xf32>,
      %parallel_loop3A_300 = arith.constant 0 : i32
      %parallel_loop3A_301 = arith.addi %parallel_loop3A_300, %parallel_loop3A_265 : i32
      %parallel_loop3A_302 = arith.constant 0 : i32
      %parallel_loop3A_303 = arith.index_cast %parallel_loop3A_302 : i32 to index
      %parallel_loop3A_304 = arith.index_cast %parallel_loop3A_301 : i32 to index
      %parallel_loop3A_305 = arith.constant 32 : index
      %parallel_loop3A_306 = tpu.vector_load %arg6[%parallel_loop3A_303, %parallel_loop3A_304, %parallel_loop3A_305] {strides = array<i32>} : memref<3x256x64xf32, #tpu.memory_space<vmem>>, vector<16xf32>,
      %parallel_loop3A_307 = arith.constant 8.000000e+00 : f32
      %parallel_loop3A_308 = vector.broadcast %parallel_loop3A_307 : f32 to vector<16xf32>
      %parallel_loop3A_309 = arith.mulf %parallel_loop3A_306, %parallel_loop3A_308 : vector<16xf32>
      %parallel_loop3A_310 = arith.constant 0 : i32
      %parallel_loop3A_311 = arith.constant 0 : i32
      %parallel_loop3A_312 = arith.constant 0 : i32
      %parallel_loop3A_313 = arith.constant 0 : i32
      %parallel_loop3A_314 = tpu.memref_slice %arg7[%parallel_loop3A_140, %parallel_loop3A_310, %parallel_loop3A_311, %parallel_loop3A_312, %parallel_loop3A_313] : memref<2x8x1x8x133xf32, #tpu.memory_space<vmem>> -> memref<1x8x1x8x133xf32, #tpu.memory_space<vmem>>
      %parallel_loop3A_315 = tpu.memref_squeeze %parallel_loop3A_314 : memref<1x8x1x8x133xf32, #tpu.memory_space<vmem>> -> memref<8x1x8x133xf32, #tpu.memory_space<vmem>>
      tpu.vector_store_idx %parallel_loop3A_315[%shift_right_logical3A_64, %broadcast_in_dim3A_47, %and3A_87, %parallel_loop3A_267], %parallel_loop3A_309 : memref<8x1x8x133xf32, #tpu.memory_space<vmem>>[vector<16xi32>, vector<16xi32>, vector<16xi32>, vector<16xi32>], vector<16xf32>,
      %parallel_loop3A_316 = arith.constant 0 : i32
      %parallel_loop3A_317 = arith.addi %parallel_loop3A_316, %parallel_loop3A_265 : i32
      %parallel_loop3A_318 = arith.constant 0 : i32
      %parallel_loop3A_319 = arith.index_cast %parallel_loop3A_318 : i32 to index
      %parallel_loop3A_320 = arith.index_cast %parallel_loop3A_317 : i32 to index
      %parallel_loop3A_321 = arith.constant 48 : index
      %parallel_loop3A_322 = tpu.vector_load %arg6[%parallel_loop3A_319, %parallel_loop3A_320, %parallel_loop3A_321] {strides = array<i32>} : memref<3x256x64xf32, #tpu.memory_space<vmem>>, vector<16xf32>,
      %parallel_loop3A_323 = arith.constant 8.000000e+00 : f32
      %parallel_loop3A_324 = vector.broadcast %parallel_loop3A_323 : f32 to vector<16xf32>
      %parallel_loop3A_325 = arith.mulf %parallel_loop3A_322, %parallel_loop3A_324 : vector<16xf32>
      %parallel_loop3A_326 = arith.constant 0 : i32
      %parallel_loop3A_327 = arith.constant 0 : i32
      %parallel_loop3A_328 = arith.constant 0 : i32
      %parallel_loop3A_329 = arith.constant 0 : i32
      %parallel_loop3A_330 = tpu.memref_slice %arg7[%parallel_loop3A_140, %parallel_loop3A_326, %parallel_loop3A_327, %parallel_loop3A_328, %parallel_loop3A_329] : memref<2x8x1x8x133xf32, #tpu.memory_space<vmem>> -> memref<1x8x1x8x133xf32, #tpu.memory_space<vmem>>
      %parallel_loop3A_331 = tpu.memref_squeeze %parallel_loop3A_330 : memref<1x8x1x8x133xf32, #tpu.memory_space<vmem>> -> memref<8x1x8x133xf32, #tpu.memory_space<vmem>>
      tpu.vector_store_idx %parallel_loop3A_331[%shift_right_logical3A_70, %broadcast_in_dim3A_47, %and3A_93, %parallel_loop3A_267], %parallel_loop3A_325 : memref<8x1x8x133xf32, #tpu.memory_space<vmem>>[vector<16xi32>, vector<16xi32>, vector<16xi32>, vector<16xi32>], vector<16xf32>,
    } {sc.loop_unroll_factor = 2 : i64, sc.parallel_access}
    %dma_start3A_141 = arith.constant 0 : i32
    %dma_start3A_142 = arith.constant 198 : i32
    %dma_start3A_143 = arith.constant 0 : i32
    %dma_start3A_144 = arith.constant 0 : i32
    %dma_start3A_145 = arith.constant 0 : i32
    %dma_start3A_146 = arith.constant 0 : i32
    %dma_start3A_147 = tpu.memref_slice %arg7[%dma_start3A_141, %dma_start3A_143, %dma_start3A_144, %dma_start3A_145, %dma_start3A_146] : memref<2x8x1x8x133xf32, #tpu.memory_space<vmem>> -> memref<1x8x1x8x128xf32, #tpu.memory_space<vmem>>
    %dma_start3A_148 = tpu.memref_squeeze %dma_start3A_147 : memref<1x8x1x8x128xf32, #tpu.memory_space<vmem>> -> memref<8x1x8x128xf32, #tpu.memory_space<vmem>>
    %dma_start3A_149 = arith.constant 0 : i32
    %dma_start3A_150 = arith.constant 0 : i32
    %dma_start3A_151 = arith.constant 0 : i32
    %dma_start3A_152 = tpu.memref_slice %arg4[%dma_start3A_142, %dma_start3A_149, %add3A, %dma_start3A_150, %dma_start3A_151] : memref<200x8x32x8x128xf32, #tpu.memory_space<hbm>> -> memref<1x8x1x8x128xf32, #tpu.memory_space<hbm>>
    %dma_start3A_153 = tpu.memref_squeeze %dma_start3A_152 : memref<1x8x1x8x128xf32, #tpu.memory_space<hbm>> -> memref<8x1x8x128xf32, #tpu.memory_space<hbm>>
    %dma_start3A_154 = arith.constant 0 : i32
    %dma_start3A_155 = arith.constant 0 : i32
    %dma_start3A_156 = arith.constant 0 : i32
    %dma_start3A_157 = tpu.memref_slice %arg4[%dma_start3A_142, %dma_start3A_154, %add3A, %dma_start3A_155, %dma_start3A_156] : memref<200x8x32x8x128xf32, #tpu.memory_space<hbm>> -> memref<1x8x1x8x128xf32, #tpu.memory_space<hbm>>
    %dma_start3A_158 = tpu.memref_squeeze %dma_start3A_157 : memref<1x8x1x8x128xf32, #tpu.memory_space<hbm>> -> memref<8x1x8x128xf32, #tpu.memory_space<hbm>>
    %dma_start3A_159 = arith.constant 0 : i32
    %dma_start3A_160 = arith.constant 0 : i32
    %dma_start3A_161 = arith.constant 0 : i32
    %dma_start3A_162 = arith.constant 0 : i32
    %dma_start3A_163 = tpu.memref_slice %arg7[%dma_start3A_141, %dma_start3A_159, %dma_start3A_160, %dma_start3A_161, %dma_start3A_162] : memref<2x8x1x8x133xf32, #tpu.memory_space<vmem>> -> memref<1x8x1x8x128xf32, #tpu.memory_space<vmem>>
    %dma_start3A_164 = tpu.memref_squeeze %dma_start3A_163 : memref<1x8x1x8x128xf32, #tpu.memory_space<vmem>> -> memref<8x1x8x128xf32, #tpu.memory_space<vmem>>
    tpu.enqueue_dma source(%dma_start3A_164 : memref<8x1x8x128xf32, #tpu.memory_space<vmem>>) target(%dma_start3A_158 : memref<8x1x8x128xf32, #tpu.memory_space<hbm>>) target_semaphore(%arg11 : memref<!tpu.dma_semaphore, #tpu.memory_space<semaphore_mem>>)
    %dma_wait3A_165 = arith.constant 1 : i32
    %dma_wait3A_166 = arith.constant 197 : i32
    %dma_wait3A_167 = arith.constant 0 : i32
    %dma_wait3A_168 = arith.constant 0 : i32
    %dma_wait3A_169 = arith.constant 0 : i32
    %dma_wait3A_170 = arith.constant 0 : i32
    %dma_wait3A_171 = tpu.memref_slice %arg7[%dma_wait3A_165, %dma_wait3A_167, %dma_wait3A_168, %dma_wait3A_169, %dma_wait3A_170] : memref<2x8x1x8x133xf32, #tpu.memory_space<vmem>> -> memref<1x8x1x8x128xf32, #tpu.memory_space<vmem>>
    %dma_wait3A_172 = tpu.memref_squeeze %dma_wait3A_171 : memref<1x8x1x8x128xf32, #tpu.memory_space<vmem>> -> memref<8x1x8x128xf32, #tpu.memory_space<vmem>>
    %dma_wait3A_173 = arith.constant 0 : i32
    %dma_wait3A_174 = arith.constant 0 : i32
    %dma_wait3A_175 = arith.constant 0 : i32
    %dma_wait3A_176 = tpu.memref_slice %arg4[%dma_wait3A_166, %dma_wait3A_173, %add3A, %dma_wait3A_174, %dma_wait3A_175] : memref<200x8x32x8x128xf32, #tpu.memory_space<hbm>> -> memref<1x8x1x8x128xf32, #tpu.memory_space<hbm>>
    %dma_wait3A_177 = tpu.memref_squeeze %dma_wait3A_176 : memref<1x8x1x8x128xf32, #tpu.memory_space<hbm>> -> memref<8x1x8x128xf32, #tpu.memory_space<hbm>>
    %dma_wait3A_178 = arith.constant 0 : i32
    %dma_wait3A_179 = arith.constant 0 : i32
    %dma_wait3A_180 = arith.constant 0 : i32
    %dma_wait3A_181 = tpu.memref_slice %arg4[%dma_wait3A_166, %dma_wait3A_178, %add3A, %dma_wait3A_179, %dma_wait3A_180] : memref<200x8x32x8x128xf32, #tpu.memory_space<hbm>> -> memref<1x8x1x8x128xf32, #tpu.memory_space<hbm>>
    %dma_wait3A_182 = tpu.memref_squeeze %dma_wait3A_181 : memref<1x8x1x8x128xf32, #tpu.memory_space<hbm>> -> memref<8x1x8x128xf32, #tpu.memory_space<hbm>>
    %dma_wait3A_183 = arith.constant 0 : i32
    %dma_wait3A_184 = arith.constant 0 : i32
    %dma_wait3A_185 = arith.constant 0 : i32
    %dma_wait3A_186 = arith.constant 0 : i32
    %dma_wait3A_187 = tpu.memref_slice %arg7[%dma_wait3A_165, %dma_wait3A_183, %dma_wait3A_184, %dma_wait3A_185, %dma_wait3A_186] : memref<2x8x1x8x133xf32, #tpu.memory_space<vmem>> -> memref<1x8x1x8x128xf32, #tpu.memory_space<vmem>>
    %dma_wait3A_188 = tpu.memref_squeeze %dma_wait3A_187 : memref<1x8x1x8x128xf32, #tpu.memory_space<vmem>> -> memref<8x1x8x128xf32, #tpu.memory_space<vmem>>
    tpu.wait_dma2 semaphore(%arg12 : memref<!tpu.dma_semaphore, #tpu.memory_space<semaphore_mem>>) src(%dma_wait3A_188 : memref<8x1x8x128xf32, #tpu.memory_space<vmem>>) dst(%dma_wait3A_182 : memref<8x1x8x128xf32, #tpu.memory_space<hbm>>)
    %parallel_loop3A_189 = arith.constant 0 : i32
    %parallel_loop3A_190 = arith.constant 128 : i32
    %parallel_loop3A_191 = arith.constant 1 : i32
    %parallel_loop3A_192 = arith.constant 1 : i32
    scf.for %parallel_loop3A_265 = %parallel_loop3A_189 to %parallel_loop3A_190 step %parallel_loop3A_191  : i32 {
      %parallel_loop3A_266 = vector.broadcast %parallel_loop3A_265 : i32 to vector<16xi32>
      %parallel_loop3A_267 = arith.addi %broadcast_in_dim3A_47, %parallel_loop3A_266 : vector<16xi32>
      %parallel_loop3A_268 = arith.constant 128 : i32
      %parallel_loop3A_269 = arith.addi %parallel_loop3A_268, %parallel_loop3A_265 : i32
      %parallel_loop3A_270 = arith.constant 0 : i32
      %parallel_loop3A_271 = arith.index_cast %parallel_loop3A_270 : i32 to index
      %parallel_loop3A_272 = arith.index_cast %parallel_loop3A_269 : i32 to index
      %parallel_loop3A_273 = arith.constant 0 : index
      %parallel_loop3A_274 = tpu.vector_load %arg6[%parallel_loop3A_271, %parallel_loop3A_272, %parallel_loop3A_273] {strides = array<i32>} : memref<3x256x64xf32, #tpu.memory_space<vmem>>, vector<16xf32>,
      %parallel_loop3A_275 = arith.constant 8.000000e+00 : f32
      %parallel_loop3A_276 = vector.broadcast %parallel_loop3A_275 : f32 to vector<16xf32>
      %parallel_loop3A_277 = arith.mulf %parallel_loop3A_274, %parallel_loop3A_276 : vector<16xf32>
      %parallel_loop3A_278 = arith.constant 0 : i32
      %parallel_loop3A_279 = arith.constant 0 : i32
      %parallel_loop3A_280 = arith.constant 0 : i32
      %parallel_loop3A_281 = arith.constant 0 : i32
      %parallel_loop3A_282 = tpu.memref_slice %arg7[%parallel_loop3A_192, %parallel_loop3A_278, %parallel_loop3A_279, %parallel_loop3A_280, %parallel_loop3A_281] : memref<2x8x1x8x133xf32, #tpu.memory_space<vmem>> -> memref<1x8x1x8x133xf32, #tpu.memory_space<vmem>>
      %parallel_loop3A_283 = tpu.memref_squeeze %parallel_loop3A_282 : memref<1x8x1x8x133xf32, #tpu.memory_space<vmem>> -> memref<8x1x8x133xf32, #tpu.memory_space<vmem>>
      tpu.vector_store_idx %parallel_loop3A_283[%shift_right_logical3A_52, %broadcast_in_dim3A_47, %and3A_75, %parallel_loop3A_267], %parallel_loop3A_277 : memref<8x1x8x133xf32, #tpu.memory_space<vmem>>[vector<16xi32>, vector<16xi32>, vector<16xi32>, vector<16xi32>], vector<16xf32>,
      %parallel_loop3A_284 = arith.constant 128 : i32
      %parallel_loop3A_285 = arith.addi %parallel_loop3A_284, %parallel_loop3A_265 : i32
      %parallel_loop3A_286 = arith.constant 0 : i32
      %parallel_loop3A_287 = arith.index_cast %parallel_loop3A_286 : i32 to index
      %parallel_loop3A_288 = arith.index_cast %parallel_loop3A_285 : i32 to index
      %parallel_loop3A_289 = arith.constant 16 : index
      %parallel_loop3A_290 = tpu.vector_load %arg6[%parallel_loop3A_287, %parallel_loop3A_288, %parallel_loop3A_289] {strides = array<i32>} : memref<3x256x64xf32, #tpu.memory_space<vmem>>, vector<16xf32>,
      %parallel_loop3A_291 = arith.constant 8.000000e+00 : f32
      %parallel_loop3A_292 = vector.broadcast %parallel_loop3A_291 : f32 to vector<16xf32>
      %parallel_loop3A_293 = arith.mulf %parallel_loop3A_290, %parallel_loop3A_292 : vector<16xf32>
      %parallel_loop3A_294 = arith.constant 0 : i32
      %parallel_loop3A_295 = arith.constant 0 : i32
      %parallel_loop3A_296 = arith.constant 0 : i32
      %parallel_loop3A_297 = arith.constant 0 : i32
      %parallel_loop3A_298 = tpu.memref_slice %arg7[%parallel_loop3A_192, %parallel_loop3A_294, %parallel_loop3A_295, %parallel_loop3A_296, %parallel_loop3A_297] : memref<2x8x1x8x133xf32, #tpu.memory_space<vmem>> -> memref<1x8x1x8x133xf32, #tpu.memory_space<vmem>>
      %parallel_loop3A_299 = tpu.memref_squeeze %parallel_loop3A_298 : memref<1x8x1x8x133xf32, #tpu.memory_space<vmem>> -> memref<8x1x8x133xf32, #tpu.memory_space<vmem>>
      tpu.vector_store_idx %parallel_loop3A_299[%shift_right_logical3A_58, %broadcast_in_dim3A_47, %and3A_81, %parallel_loop3A_267], %parallel_loop3A_293 : memref<8x1x8x133xf32, #tpu.memory_space<vmem>>[vector<16xi32>, vector<16xi32>, vector<16xi32>, vector<16xi32>], vector<16xf32>,
      %parallel_loop3A_300 = arith.constant 128 : i32
      %parallel_loop3A_301 = arith.addi %parallel_loop3A_300, %parallel_loop3A_265 : i32
      %parallel_loop3A_302 = arith.constant 0 : i32
      %parallel_loop3A_303 = arith.index_cast %parallel_loop3A_302 : i32 to index
      %parallel_loop3A_304 = arith.index_cast %parallel_loop3A_301 : i32 to index
      %parallel_loop3A_305 = arith.constant 32 : index
      %parallel_loop3A_306 = tpu.vector_load %arg6[%parallel_loop3A_303, %parallel_loop3A_304, %parallel_loop3A_305] {strides = array<i32>} : memref<3x256x64xf32, #tpu.memory_space<vmem>>, vector<16xf32>,
      %parallel_loop3A_307 = arith.constant 8.000000e+00 : f32
      %parallel_loop3A_308 = vector.broadcast %parallel_loop3A_307 : f32 to vector<16xf32>
      %parallel_loop3A_309 = arith.mulf %parallel_loop3A_306, %parallel_loop3A_308 : vector<16xf32>
      %parallel_loop3A_310 = arith.constant 0 : i32
      %parallel_loop3A_311 = arith.constant 0 : i32
      %parallel_loop3A_312 = arith.constant 0 : i32
      %parallel_loop3A_313 = arith.constant 0 : i32
      %parallel_loop3A_314 = tpu.memref_slice %arg7[%parallel_loop3A_192, %parallel_loop3A_310, %parallel_loop3A_311, %parallel_loop3A_312, %parallel_loop3A_313] : memref<2x8x1x8x133xf32, #tpu.memory_space<vmem>> -> memref<1x8x1x8x133xf32, #tpu.memory_space<vmem>>
      %parallel_loop3A_315 = tpu.memref_squeeze %parallel_loop3A_314 : memref<1x8x1x8x133xf32, #tpu.memory_space<vmem>> -> memref<8x1x8x133xf32, #tpu.memory_space<vmem>>
      tpu.vector_store_idx %parallel_loop3A_315[%shift_right_logical3A_64, %broadcast_in_dim3A_47, %and3A_87, %parallel_loop3A_267], %parallel_loop3A_309 : memref<8x1x8x133xf32, #tpu.memory_space<vmem>>[vector<16xi32>, vector<16xi32>, vector<16xi32>, vector<16xi32>], vector<16xf32>,
      %parallel_loop3A_316 = arith.constant 128 : i32
      %parallel_loop3A_317 = arith.addi %parallel_loop3A_316, %parallel_loop3A_265 : i32
      %parallel_loop3A_318 = arith.constant 0 : i32
      %parallel_loop3A_319 = arith.index_cast %parallel_loop3A_318 : i32 to index
      %parallel_loop3A_320 = arith.index_cast %parallel_loop3A_317 : i32 to index
      %parallel_loop3A_321 = arith.constant 48 : index
      %parallel_loop3A_322 = tpu.vector_load %arg6[%parallel_loop3A_319, %parallel_loop3A_320, %parallel_loop3A_321] {strides = array<i32>} : memref<3x256x64xf32, #tpu.memory_space<vmem>>, vector<16xf32>,
      %parallel_loop3A_323 = arith.constant 8.000000e+00 : f32
      %parallel_loop3A_324 = vector.broadcast %parallel_loop3A_323 : f32 to vector<16xf32>
      %parallel_loop3A_325 = arith.mulf %parallel_loop3A_322, %parallel_loop3A_324 : vector<16xf32>
      %parallel_loop3A_326 = arith.constant 0 : i32
      %parallel_loop3A_327 = arith.constant 0 : i32
      %parallel_loop3A_328 = arith.constant 0 : i32
      %parallel_loop3A_329 = arith.constant 0 : i32
      %parallel_loop3A_330 = tpu.memref_slice %arg7[%parallel_loop3A_192, %parallel_loop3A_326, %parallel_loop3A_327, %parallel_loop3A_328, %parallel_loop3A_329] : memref<2x8x1x8x133xf32, #tpu.memory_space<vmem>> -> memref<1x8x1x8x133xf32, #tpu.memory_space<vmem>>
      %parallel_loop3A_331 = tpu.memref_squeeze %parallel_loop3A_330 : memref<1x8x1x8x133xf32, #tpu.memory_space<vmem>> -> memref<8x1x8x133xf32, #tpu.memory_space<vmem>>
      tpu.vector_store_idx %parallel_loop3A_331[%shift_right_logical3A_70, %broadcast_in_dim3A_47, %and3A_93, %parallel_loop3A_267], %parallel_loop3A_325 : memref<8x1x8x133xf32, #tpu.memory_space<vmem>>[vector<16xi32>, vector<16xi32>, vector<16xi32>, vector<16xi32>], vector<16xf32>,
    } {sc.loop_unroll_factor = 2 : i64, sc.parallel_access}
    %dma_start3A_193 = arith.constant 1 : i32
    %dma_start3A_194 = arith.constant 199 : i32
    %dma_start3A_195 = arith.constant 0 : i32
    %dma_start3A_196 = arith.constant 0 : i32
    %dma_start3A_197 = arith.constant 0 : i32
    %dma_start3A_198 = arith.constant 0 : i32
    %dma_start3A_199 = tpu.memref_slice %arg7[%dma_start3A_193, %dma_start3A_195, %dma_start3A_196, %dma_start3A_197, %dma_start3A_198] : memref<2x8x1x8x133xf32, #tpu.memory_space<vmem>> -> memref<1x8x1x8x128xf32, #tpu.memory_space<vmem>>
    %dma_start3A_200 = tpu.memref_squeeze %dma_start3A_199 : memref<1x8x1x8x128xf32, #tpu.memory_space<vmem>> -> memref<8x1x8x128xf32, #tpu.memory_space<vmem>>
    %dma_start3A_201 = arith.constant 0 : i32
    %dma_start3A_202 = arith.constant 0 : i32
    %dma_start3A_203 = arith.constant 0 : i32
    %dma_start3A_204 = tpu.memref_slice %arg4[%dma_start3A_194, %dma_start3A_201, %add3A, %dma_start3A_202, %dma_start3A_203] : memref<200x8x32x8x128xf32, #tpu.memory_space<hbm>> -> memref<1x8x1x8x128xf32, #tpu.memory_space<hbm>>
    %dma_start3A_205 = tpu.memref_squeeze %dma_start3A_204 : memref<1x8x1x8x128xf32, #tpu.memory_space<hbm>> -> memref<8x1x8x128xf32, #tpu.memory_space<hbm>>
    %dma_start3A_206 = arith.constant 0 : i32
    %dma_start3A_207 = arith.constant 0 : i32
    %dma_start3A_208 = arith.constant 0 : i32
    %dma_start3A_209 = tpu.memref_slice %arg4[%dma_start3A_194, %dma_start3A_206, %add3A, %dma_start3A_207, %dma_start3A_208] : memref<200x8x32x8x128xf32, #tpu.memory_space<hbm>> -> memref<1x8x1x8x128xf32, #tpu.memory_space<hbm>>
    %dma_start3A_210 = tpu.memref_squeeze %dma_start3A_209 : memref<1x8x1x8x128xf32, #tpu.memory_space<hbm>> -> memref<8x1x8x128xf32, #tpu.memory_space<hbm>>
    %dma_start3A_211 = arith.constant 0 : i32
    %dma_start3A_212 = arith.constant 0 : i32
    %dma_start3A_213 = arith.constant 0 : i32
    %dma_start3A_214 = arith.constant 0 : i32
    %dma_start3A_215 = tpu.memref_slice %arg7[%dma_start3A_193, %dma_start3A_211, %dma_start3A_212, %dma_start3A_213, %dma_start3A_214] : memref<2x8x1x8x133xf32, #tpu.memory_space<vmem>> -> memref<1x8x1x8x128xf32, #tpu.memory_space<vmem>>
    %dma_start3A_216 = tpu.memref_squeeze %dma_start3A_215 : memref<1x8x1x8x128xf32, #tpu.memory_space<vmem>> -> memref<8x1x8x128xf32, #tpu.memory_space<vmem>>
    tpu.enqueue_dma source(%dma_start3A_216 : memref<8x1x8x128xf32, #tpu.memory_space<vmem>>) target(%dma_start3A_210 : memref<8x1x8x128xf32, #tpu.memory_space<hbm>>) target_semaphore(%arg12 : memref<!tpu.dma_semaphore, #tpu.memory_space<semaphore_mem>>)
    %dma_wait3A_217 = arith.constant 0 : i32
    %dma_wait3A_218 = arith.constant 198 : i32
    %dma_wait3A_219 = arith.constant 0 : i32
    %dma_wait3A_220 = arith.constant 0 : i32
    %dma_wait3A_221 = arith.constant 0 : i32
    %dma_wait3A_222 = arith.constant 0 : i32
    %dma_wait3A_223 = tpu.memref_slice %arg7[%dma_wait3A_217, %dma_wait3A_219, %dma_wait3A_220, %dma_wait3A_221, %dma_wait3A_222] : memref<2x8x1x8x133xf32, #tpu.memory_space<vmem>> -> memref<1x8x1x8x128xf32, #tpu.memory_space<vmem>>
    %dma_wait3A_224 = tpu.memref_squeeze %dma_wait3A_223 : memref<1x8x1x8x128xf32, #tpu.memory_space<vmem>> -> memref<8x1x8x128xf32, #tpu.memory_space<vmem>>
    %dma_wait3A_225 = arith.constant 0 : i32
    %dma_wait3A_226 = arith.constant 0 : i32
    %dma_wait3A_227 = arith.constant 0 : i32
    %dma_wait3A_228 = tpu.memref_slice %arg4[%dma_wait3A_218, %dma_wait3A_225, %add3A, %dma_wait3A_226, %dma_wait3A_227] : memref<200x8x32x8x128xf32, #tpu.memory_space<hbm>> -> memref<1x8x1x8x128xf32, #tpu.memory_space<hbm>>
    %dma_wait3A_229 = tpu.memref_squeeze %dma_wait3A_228 : memref<1x8x1x8x128xf32, #tpu.memory_space<hbm>> -> memref<8x1x8x128xf32, #tpu.memory_space<hbm>>
    %dma_wait3A_230 = arith.constant 0 : i32
    %dma_wait3A_231 = arith.constant 0 : i32
    %dma_wait3A_232 = arith.constant 0 : i32
    %dma_wait3A_233 = tpu.memref_slice %arg4[%dma_wait3A_218, %dma_wait3A_230, %add3A, %dma_wait3A_231, %dma_wait3A_232] : memref<200x8x32x8x128xf32, #tpu.memory_space<hbm>> -> memref<1x8x1x8x128xf32, #tpu.memory_space<hbm>>
    %dma_wait3A_234 = tpu.memref_squeeze %dma_wait3A_233 : memref<1x8x1x8x128xf32, #tpu.memory_space<hbm>> -> memref<8x1x8x128xf32, #tpu.memory_space<hbm>>
    %dma_wait3A_235 = arith.constant 0 : i32
    %dma_wait3A_236 = arith.constant 0 : i32
    %dma_wait3A_237 = arith.constant 0 : i32
    %dma_wait3A_238 = arith.constant 0 : i32
    %dma_wait3A_239 = tpu.memref_slice %arg7[%dma_wait3A_217, %dma_wait3A_235, %dma_wait3A_236, %dma_wait3A_237, %dma_wait3A_238] : memref<2x8x1x8x133xf32, #tpu.memory_space<vmem>> -> memref<1x8x1x8x128xf32, #tpu.memory_space<vmem>>
    %dma_wait3A_240 = tpu.memref_squeeze %dma_wait3A_239 : memref<1x8x1x8x128xf32, #tpu.memory_space<vmem>> -> memref<8x1x8x128xf32, #tpu.memory_space<vmem>>
    tpu.wait_dma2 semaphore(%arg11 : memref<!tpu.dma_semaphore, #tpu.memory_space<semaphore_mem>>) src(%dma_wait3A_240 : memref<8x1x8x128xf32, #tpu.memory_space<vmem>>) dst(%dma_wait3A_234 : memref<8x1x8x128xf32, #tpu.memory_space<hbm>>)
    %dma_wait3A_241 = arith.constant 1 : i32
    %dma_wait3A_242 = arith.constant 199 : i32
    %dma_wait3A_243 = arith.constant 0 : i32
    %dma_wait3A_244 = arith.constant 0 : i32
    %dma_wait3A_245 = arith.constant 0 : i32
    %dma_wait3A_246 = arith.constant 0 : i32
    %dma_wait3A_247 = tpu.memref_slice %arg7[%dma_wait3A_241, %dma_wait3A_243, %dma_wait3A_244, %dma_wait3A_245, %dma_wait3A_246] : memref<2x8x1x8x133xf32, #tpu.memory_space<vmem>> -> memref<1x8x1x8x128xf32, #tpu.memory_space<vmem>>
    %dma_wait3A_248 = tpu.memref_squeeze %dma_wait3A_247 : memref<1x8x1x8x128xf32, #tpu.memory_space<vmem>> -> memref<8x1x8x128xf32, #tpu.memory_space<vmem>>
    %dma_wait3A_249 = arith.constant 0 : i32
    %dma_wait3A_250 = arith.constant 0 : i32
    %dma_wait3A_251 = arith.constant 0 : i32
    %dma_wait3A_252 = tpu.memref_slice %arg4[%dma_wait3A_242, %dma_wait3A_249, %add3A, %dma_wait3A_250, %dma_wait3A_251] : memref<200x8x32x8x128xf32, #tpu.memory_space<hbm>> -> memref<1x8x1x8x128xf32, #tpu.memory_space<hbm>>
    %dma_wait3A_253 = tpu.memref_squeeze %dma_wait3A_252 : memref<1x8x1x8x128xf32, #tpu.memory_space<hbm>> -> memref<8x1x8x128xf32, #tpu.memory_space<hbm>>
    %dma_wait3A_254 = arith.constant 0 : i32
    %dma_wait3A_255 = arith.constant 0 : i32
    %dma_wait3A_256 = arith.constant 0 : i32
    %dma_wait3A_257 = tpu.memref_slice %arg4[%dma_wait3A_242, %dma_wait3A_254, %add3A, %dma_wait3A_255, %dma_wait3A_256] : memref<200x8x32x8x128xf32, #tpu.memory_space<hbm>> -> memref<1x8x1x8x128xf32, #tpu.memory_space<hbm>>
    %dma_wait3A_258 = tpu.memref_squeeze %dma_wait3A_257 : memref<1x8x1x8x128xf32, #tpu.memory_space<hbm>> -> memref<8x1x8x128xf32, #tpu.memory_space<hbm>>
    %dma_wait3A_259 = arith.constant 0 : i32
    %dma_wait3A_260 = arith.constant 0 : i32
    %dma_wait3A_261 = arith.constant 0 : i32
    %dma_wait3A_262 = arith.constant 0 : i32
    %dma_wait3A_263 = tpu.memref_slice %arg7[%dma_wait3A_241, %dma_wait3A_259, %dma_wait3A_260, %dma_wait3A_261, %dma_wait3A_262] : memref<2x8x1x8x133xf32, #tpu.memory_space<vmem>> -> memref<1x8x1x8x128xf32, #tpu.memory_space<vmem>>
    %dma_wait3A_264 = tpu.memref_squeeze %dma_wait3A_263 : memref<1x8x1x8x128xf32, #tpu.memory_space<vmem>> -> memref<8x1x8x128xf32, #tpu.memory_space<vmem>>
    tpu.wait_dma2 semaphore(%arg12 : memref<!tpu.dma_semaphore, #tpu.memory_space<semaphore_mem>>) src(%dma_wait3A_264 : memref<8x1x8x128xf32, #tpu.memory_space<vmem>>) dst(%dma_wait3A_258 : memref<8x1x8x128xf32, #tpu.memory_space<hbm>>)
    return
  }
}

</mosaic_0001>

<sc_bundles>
// kernel: kernel.3.cloned.1.call-start
scs
__scs_entry_jumppad:
0x0: {  	(pc) =	sbr.rel $0x88, $3  }
0x1: {  	(tag) =	ssettag $0x0;
	lr =	simm.s32 $0x1  }
0x2: {  	[smem:$0x3F9F] =	sst lr;
	_ =	strace $0xD0000000  }
0x3: {  	_ = 	snop  }
0x4: {  	_ = 	snop  }
0x5: {  	_ = 	snop  }
0x6: {  	_ = 	snop  }
0x7: {  	_ = 	snop  }
__scs_overlays_trampoline_lowered:
0x8: {  	[smem:$0x3FAE] =	sst s0  }
0x9: {  	[smem:$0x3FAF] =	sst s1  }
0xa: {  	[smem:$0x3FB0] =	sst s2  }
0xb: {  	[smem:$0x3FB1] =	sst s3  }
0xc: {  	[smem:$0x3FB2] =	sst s4  }
0xd: {  	[smem:$0x3FB3] =	sst s5  }
0xe: {  	[smem:$0x3FB4] =	sst s6  }
0xf: {  	[smem:$0x3FB5] =	sst s7  }
0x10: {  	[smem:$0x3FB6] =	sst s8  }
0x11: {  	[smem:$0x3FB7] =	sst s9;
	s0 =	simm.s32 @!p0 $0x0  }
0x12: {  	s1 =	sld [smem:$0x3F9D];
	s0 =	simm.s32 @p0 $0x1  }
0x13: {  	[smem:$0x3FB8] =	sst s0;
	s0 =	simm.s32 @!p1 $0x0  }
0x14: {  	s2 =	sld [smem:$0x3F9C];
	s0 =	simm.s32 @p1 $0x1  }
0x15: {  	[smem:$0x3FB9] =	sst s0;
	s0 =	simm.s32 @!p2 $0x0  }
0x16: {  	s3 =	sld [smem:$0x3FDB];
	s0 =	simm.s32 @p2 $0x1  }
0x17: {  	s4 =	simm.s32 $0x1BF5;
	[smem:$0x3FBB] =	sst s0  }
0x18: {  	s0 =	sld [smem:$0x3F9E];
	_ =	swait.ge [sflag:s4], $0x0  }
0x19: {  	s7 =	sld [smem:$0x3F9F]  }
0x1a: {  	s8 =	sadd.s32 $0xFFFFE003, lr  }
0x1b: {  	s9 =	sadd.s32 $0xFFFFFEF7, lr;
	s5 =	simm.s32 $0xFFFFFFFF;
	p2 =	slt.u32 s8, $0xFFFFF086  }
0x1c: {  	p1 =	slt.u32 s9, $0xF7A;
	s5 =	simm.s32 @!p2 $0x0  }
0x1d: {  	s5 =	simm.s32 @p1 $0x1;
	p0 =	seq.s32 s7, s2  }
0x1e: {  	s7 =	smul.u32 @!p0 $0xF7A, s2;
	p2 =	seq.s32 @!p0 s5, $0x0  }
0x1f: {  	s9 =	smul.u32 $0xF7A, s1;
	s8 =	simm.s32 @!p0 $0x1BF5;
	p2 =	por !p2, p0  }
0x20: {  	[sflag:s8] =	ssyncset.s32 @!p0 $0xFFFFF086;
	s6 =	sadd.s32 @!p0 s3, s7;
	s7 =	simm.s32 @!p0 $0x108  }
0x21: {  	s3 =	sadd.s32 s3, s9;
	s6 =	sadd.s32 @!p0 $0x88, s6;
	s7 =	simm.s32 @p2 $0x1082  }
0x22: {  	[simem:s7], [sflag:s8] =	dma.local @!p0 [hbm:s6], $0xF7A  }
0x23: {  	s9 =	sor.u32 $0xD0000000, s2;
	s6 =	simm.s32 $0x108;
	_ =	swait.ge @!p0 [sflag:s8], $0x0  }
0x24: {  	s3 =	sadd.s32 $0x88, s3;
	s6 =	simm.s32 @!p1 $0x1082;
	[sflag:s4] =	ssyncset.s32 $0xFFFFF086  }
0x25: {  	[simem:s6], [sflag:s4] =	dma.local [hbm:s3], $0xF7A  }
0x26: {  	[smem:$0x3F9F] =	sst s1;
	(tag) =	ssettag s2;
	_ =	strace s9  }
0x27: {  	s1 =	sld [smem:$0x3FAF]  }
0x28: {  	s2 =	sld [smem:$0x3FB0]  }
0x29: {  	s4 =	sld [smem:$0x3FB2]  }
0x2a: {  	p0 =	seq.s32 s5, $0x0;
	s5 =	sld [smem:$0x3FB3]  }
0x2b: {  	s6 =	sld [smem:$0x3FB4]  }
0x2c: {  	s7 =	sld [smem:$0x3FB5]  }
0x2d: {  	s3 =	simm.s32 $0x108;
	s8 =	sld [smem:$0x3FB6]  }
0x2e: {  	s3 =	simm.s32 @!p0 $0x1082;
	s9 =	sld [smem:$0x3FB7]  }
0x2f: {  	lr =	sadd.s32 s0, s3;
	s0 =	sld [smem:$0x3FAE]  }
0x30: {  	s3 =	sld [smem:$0x3FB1]  }
0x31: {  	[smem:$0x3FBA] =	sst s10  }
0x32: {  	s10 =	sld [smem:$0x3FB8];
	_ =	sdelay $0x3  }
0x33: {  	p0 =	seq.s32 s10, $0x1;
	s10 =	sld [smem:$0x3FBA];
	_ =	sdelay $0x3  }
0x34: {  	[smem:$0x3FBA] =	sst s10  }
0x35: {  	s10 =	sld [smem:$0x3FB9];
	_ =	sdelay $0x3  }
0x36: {  	p1 =	seq.s32 s10, $0x1;
	s10 =	sld [smem:$0x3FBA];
	_ =	sdelay $0x3  }
0x37: {  	[smem:$0x3FBA] =	sst s10  }
0x38: {  	s10 =	sld [smem:$0x3FBB]  }
0x39: {  	_ = 	snop;
	(pc) =	sbr.ind lr, $3  }
0x3a: {  	_ = 	snop  }
0x3b: {  	_ = 	snop  }
0x3c: {  	p2 =	seq.s32 s10, $0x1;
	s10 =	sld [smem:$0x3FBA]  }
0x3d: {  	_ =	shalt  }
0x3e: {  	_ =	shalt  }
0x3f: {  	_ =	shalt  }
0x40: {  	_ =	shalt  }
0x41: {  	_ =	shalt  }
0x42: {  	_ =	shalt  }
0x43: {  	_ =	shalt  }
0x44: {  	_ =	shalt  }
0x45: {  	_ =	shalt  }
0x46: {  	_ =	shalt  }
0x47: {  	_ =	shalt  }
0x48: {  	_ =	shalt  }
0x49: {  	_ =	shalt  }
0x4a: {  	_ =	shalt  }
0x4b: {  	_ =	shalt  }
0x4c: {  	_ =	shalt  }
0x4d: {  	_ =	shalt  }
0x4e: {  	_ =	shalt  }
0x4f: {  	_ =	shalt  }
0x50: {  	_ =	shalt  }
0x51: {  	_ =	shalt  }
0x52: {  	_ =	shalt  }
0x53: {  	_ =	shalt  }
0x54: {  	_ =	shalt  }
0x55: {  	_ =	shalt  }
0x56: {  	_ =	shalt  }
0x57: {  	_ =	shalt  }
0x58: {  	_ =	shalt  }
0x59: {  	_ =	shalt  }
0x5a: {  	_ =	shalt  }
0x5b: {  	_ =	shalt  }
0x5c: {  	_ =	shalt  }
0x5d: {  	_ =	shalt  }
0x5e: {  	_ =	shalt  }
0x5f: {  	_ =	shalt  }
0x60: {  	_ =	shalt  }
0x61: {  	_ =	shalt  }
0x62: {  	_ =	shalt  }
0x63: {  	_ =	shalt  }
0x64: {  	_ =	shalt  }
0x65: {  	_ =	shalt  }
0x66: {  	_ =	shalt  }
0x67: {  	_ =	shalt  }
0x68: {  	_ =	shalt  }
0x69: {  	_ =	shalt  }
0x6a: {  	_ =	shalt  }
0x6b: {  	_ =	shalt  }
0x6c: {  	_ =	shalt  }
0x6d: {  	_ =	shalt  }
0x6e: {  	_ =	shalt  }
0x6f: {  	_ =	shalt  }
0x70: {  	_ =	shalt  }
0x71: {  	_ =	shalt  }
0x72: {  	_ =	shalt  }
0x73: {  	_ =	shalt  }
0x74: {  	_ =	shalt  }
0x75: {  	_ =	shalt  }
0x76: {  	_ =	shalt  }
0x77: {  	_ =	shalt  }
0x78: {  	_ =	shalt  }
0x79: {  	_ =	shalt  }
0x7a: {  	_ =	shalt  }
0x7b: {  	_ =	shalt  }
0x7c: {  	_ =	shalt  }
0x7d: {  	_ =	shalt  }
0x7e: {  	_ =	shalt  }
0x7f: {  	_ =	shalt  }
0x80: {  	_ =	shalt  }
0x81: {  	_ =	shalt  }
0x82: {  	_ =	shalt  }
0x83: {  	_ =	shalt  }
0x84: {  	_ =	shalt  }
0x85: {  	_ =	shalt  }
0x86: {  	_ =	shalt  }
0x87: {  	_ =	shalt  }
.Lfunc_end0:
.L_simem_size_0:
called_computation_lowered:
.L_overlay_start_0:
0x88: {  	s2 =	sld [smem:$0x3FD9]  }
0x89: {  	s3 =	sld [smem:$0x3FFE];
	_ =	sdelay $0x1  }
0x8a: {  	s1 =	srdreg.scid  }
0x8b: {  	s0 =	sand.u32 $0x1, s1  }
0x8c: {  	s17 =	sshll.u32 s0, $0xA;
	s2 =	sadd.s32 s3, s2  }
0x8d: {  	s2 =	sadd.s32 s2, s17  }
0x8e: {  	[smem:$0x3FC6] =	sst s2  }
0x8f: {  	_ = 	snop  }
0x90: {  	s2 =	sld [smem:$0x3FC9]  }
0x91: {  	s18 =	sld [smem:$0x3FD0];
	(tm) =	ssettm $0x1  }
0x92: {  	s4 =	sld [smem:$0x3FFB];
	_ =	sdelay $0x3  }
0x93: {  	_ =	strace s4  }
0x94: {  	s4 =	sld [smem:$0x3FFC];
	_ =	sdelay $0x3  }
0x95: {  	_ =	strace s4  }
0x96: {  	s4 =	sld [smem:$0x3FFD];
	_ =	sdelay $0x3  }
0x97: {  	_ =	strace s4  }
0x98: {  	_ =	strace $0x8FFFFFFF  }
0x99: {  	s19 =	sld [smem:$0x3FDB];
	_ =	sdelay $0x1  }
0x9a: {  	s5 =	simm.s32 $_scs_section_size  }
0x9b: {  	s6 =	simm.s32 $_size__tile_overlayer_lowered;
	s7 =	simm.s32 $_tile_overlayer_lowered  }
0x9c: {  	s22 =	simm.s32 $0x1BFF;
	s21 =	sshll.u32 s7, $0x1;
	s4 =	sadd.s32 s5, s19  }
0x9d: {  	s8 =	simm.s32 $0x0;
	s20 =	sshll.u32 s6, $0x1;
	s6 =	sadd.s32 s21, s4  }
0x9e: {  	[timem:s8], [sflag:s22] =	dma.local [hbm:s6], s20  }
0x9f: {  	_ =	swait.ge [sflag:s22], s20  }
0xa0: {  	s5 =	ssub.s32 $0x0, s20;
	[sflag:s22] =	ssyncset.done $0x0  }
0xa1: {  	[sflag:s22] =	ssyncadd.s32 s5;
	_ =	sdelay $0x1  }
0xa2: {  	s23 =	simm.s32 $0x1B8B  }
0xa3: {  	_ =	swait.ge [sflag:s23], $0x1  }
0xa4: {  	[sflag:s23] =	ssyncset.done $0x0  }
0xa5: {  	s25 =	simm.s32 $0x1B8E;
	s24 =	sld [smem:$0x3FFE];
	[sflag:s23] =	ssyncadd.s32 $0xFFFFFFFF  }
0xa6: {  	s26 =	simm.s32 $execute0_lowered;
	[smem:$0x3FD2] =	sst s25  }
0xa7: {  	s6 =	sshll.u32 s26, $0x1;
	_ =	strace $0x80000046;
	[dreg:$0x1] =	wrdreg $0xFFFFFFFF  }
0xa8: {  	s28 =	simm.s32 $_size_execute0_lowered;
	s4 =	sadd.s32 s4, s6;
	[dreg:$0x0] =	wrdreg $0x0  }
0xa9: {  	s6 =	sshll.u32 s28, $0x1;
	[dreg:$0x2] =	wrdreg s4  }
0xaa: {  	[dreg:$0x3] =	wrdreg s6  }
0xab: {  	[dreg:$0x4] =	wrdreg $0xC0  }
0xac: {  	_ =	task [dreg:s8], $0x5FFFF  }
0xad: {  	[dreg:$0x1] =	wrdreg $0xFFFFFFFF  }
0xae: {  	[dreg:$0x0] =	wrdreg $0x60  }
0xaf: {  	[dreg:$0x2] =	wrdreg s2  }
0xb0: {  	[dreg:$0x3] =	wrdreg s24  }
0xb1: {  	[dreg:$0x4] =	wrdreg s18  }
0xb2: {  	[dreg:$0x5] =	wrdreg $0x9  }
0xb3: {  	_ =	task.clear_ibuf [dreg:s8], $0x6FFFF;
	_ =	strace $0x90000046  }
0xb4: {  	s29 =	simm.s32 $0x9;
	_ =	strace $0x80000048  }
0xb5: {  	_ =	swait.ge [sflag:s29], $0x1  }
0xb6: {  	[sflag:s29] =	ssyncadd.s32 $0xFFFFFFFF  }
0xb7: {  	_ =	strace $0x90000048  }
0xb8: {  	_ =	sfence  }
0xb9: {  	s30 =	sld [smem:$0x0];
	_ =	sdelay $0x2  }
0xba: {  	s31 =	sshll.u32 s1, $0xD;
	s1 =	sshrl.u32 s1, $0x2  }
0xbb: {  	s3 =	sand.u32 $0x4000, s31;
	s1 =	sadd.s32 s1, s30  }
0xbc: {  	s0 =	sor.u32 s3, s0;
	s1 =	sshll.u32 s1, $0x11  }
0xbd: {  	s0 =	sor.u32 s1, s0  }
0xbe: {  	s0 =	sadd.s32 $0x8F2B, s0  }
0xbf: {  	[sflag:s0] =	ssyncadd.remote.s32 $0x1  }
0xc0: {  	_ =	sfence.sel $0xFFFF  }
0xc1: {  	[dreg:$0x0] =	wrdreg $0xFFFFFFFF;
	(pc) =	sbr.abs _section_cstart, $3  }
0xc2: {  	[dreg:$0x1] =	wrdreg $0xFFFFFFFF  }
0xc3: {  	_ =	task.clear_ibuf [dreg:s8], $0x2FFFF;
	_ =	strace $0x9FFFFFFF  }
0xc4: {  	(tm) =	ssettm $0x7FFFFFFF  }
0xc5: {  	_ =	shalt  }
tec
execute0_lowered:
.L_overlay_start_1:
0x0: {  	(tag) =	ssettag $0x1  }
0x1: {  	s0 =	rddreg [dreg:$0x0]  }
0x2: {  	s1 =	rddreg [dreg:$0x1]  }
0x3: {  	s2 =	rddreg [dreg:$0x2];
	s4 =	srdreg.scid;
	s3 =	simm.s32 $0x0  }
0x4: {  	s5 =	stileid.u32;
	s18 =	simm.s32 $0x100;
	s19 =	simm.s32 $0x6400  }
0x5: {  	s22 =	simm.s32 $0xE400;
	s23 =	simm.s32 $0x1;
	s24 =	simm.s32 $0x12400  }
0x6: {  	s28 =	simm.s32 $0x4;
	s29 =	simm.s32 $0x5;
	s30 =	simm.s32 $0x3  }
0x7: {  	s4 =	sand.u32 $0x1, s4;
	[smem:$0x7FF] =	sst s3;
	s5 =	sshll.u32 s5, $0xB  }
0x8: {  	s11 =	sadd.s32 $0x8000, s2;
	s6 =	sshll.u32 s4, $0xA;
	s7 =	ssub.s32 $0x2, s4  }
0x9: {  	_ =	strace $0x80000047;
	s4 =	sor.u32 s6, s5;
	s25 =	sshrl.u32 s7, $0x1  }
0xa: {  	s5 =	sadd.s32 $0xF42800, s1;
	s6 =	sshrl.u32 s4, $0x3;
	s1 =	ssub.s32 s7, s25  }
0xb: {  	s7 =	sor.u32 $0x80000, s4;
	s8 =	sor.u32 $0xC0000, s4;
	s9 =	sor.u32 $0x100000, s4  }
0xc: {  	v0 =	vlaneseq.u32;
	s10 =	sor.u32 $0x140000, s4;
	s25 =	simm.s32 $0x14600;
	s0 =	sadd.s32 s0, s6  }
0xd: {  	v0 =	vmul.u32 $0x88, v0;
	s26 =	sadd.s32 s6, s2;
	s31 =	smax.u32 s1, $0x1;
	[dreg:$0x4] =	wrdreg s0  }
0xe: {  	s1 =	simm.s32 $0x0;
	s6 =	sadd.s32 $0x630000, s26;
	[dreg:$0x6] =	wrdreg s31  }
0xf: {  	v1 =	vadd.s32 $0x880, v0;
	v2 =	vadd.s32 $0x1100, v0;
	v3 =	vadd.s32 $0x1980, v0;
	s13 =	sadd.s32 $0x638000, s26;
	s26 =	simm.s32 $0x2;
	[dreg:$0x5] =	wrdreg s6  }
.LBB2_1:
0x10: {  	[dreg:$0x7] =	wrdreg s1  }
0x11: {  	s0 =	rddreg [dreg:$0x4]  }
0x12: {  	s17 =	simm.s32 $0x400;
	s6 =	simm.s32 $0x8000;
	s20 =	simm.s32 $0x6  }
0x13: {  	[tilespmem:s3], [sflag:$0x6] =	stream.strided.gather [hbm4b:s0+s17], $0x6400, s6, s17, $0x38;
	[tilespmem:$0x16800] =	vst v63  }
0x14: {  	_ =	swait.ge [sflag:s20], $0x6400  }
0x15: {  	[sflag:s20] =	ssyncset.done $0x0  }
0x16: {  	[sflag:s20] =	ssyncadd.s32 $0xFFFF9C00  }
0x17: {  	[tilespmem:s19], [sflag:$0x1] =	stream.indirect.gather [hbm4b:s5+s18], $0x40, s3, s18, $0xb8;
	[tilespmem:$0x16800] =	vst v63  }
0x18: {  	s21 =	simm.s32 $0xA400  }
0x19: {  	[tilespmem:s21], [sflag:$0x2] =	stream.indirect.gather [hbm4b:s5+s18], $0x40, s18, s18, $0xb8;
	[tilespmem:$0x16800] =	vst v63  }
0x1a: {  	s31 =	simm.s32 $0x200;
	s0 =	simm.s32 $0x0  }
0x1b: {  	[tilespmem:s22], [sflag:$0x3] =	stream.indirect.gather [hbm4b:s5+s18], $0x40, s31, s18, $0xb8;
	[tilespmem:$0x16800] =	vst v63  }
.LBB2_2:
0x1c: {  	_ =	swait.ge [sflag:s23], $0x4000  }
0x1d: {  	p0 =	seq.s32 s0, $0x0;
	[sflag:s23] =	ssyncset.done $0x0  }
0x1e: {  	s1 =	simm.s32 @!p0 $0x4;
	[sflag:s23] =	ssyncadd.s32 $0xFFFFC000  }
0x1f: {  	_ =	swait.ge @!p0 [sflag:s1], $0x2000  }
0x20: {  	[sflag:s1] =	ssyncset.done @!p0 $0x0  }
0x21: {  	s6 =	simm.s32 $0x6440;
	s12 =	simm.s32 $0x1;
	[sflag:s1] =	ssyncadd.s32 @!p0 $0xFFFFE000  }
0x22: {  	v4 =	vmov s12;
	v5 =	vld [tilespmem:s6+$0x0]  }
0x23: {  	v9 =	vand.u32 $0x7F, v4  }
0x24: {  	v4 =	vadd.s32 v0, v9  }
0x25: {  	s14 =	simm.s32 $0x0  }
0x26: {  	v6 =	vmov s14;
	v7 =	vld [tilespmem:s6+$0xFFFFFFC0]  }
0x27: {  	v14 =	vand.u32 $0x7E, v6;
	v5 =	vmul.f32 $8.000000000e+00, v5  }
0x28: {  	s14 =	simm.s32 $0x3;
	v6 =	vadd.s32 v0, v14;
	s1 =	simm.s32 $0x64C0  }
0x29: {  	v8 =	vld [tilespmem:s1+$0x0];
	[tilespmem:v4+s24+$0x0] =	vst.idx.msk $0xffff, v5;
	v4 =	vmov s14  }
0x2a: {  	v4 =	vand.u32 $0x7F, v4;
	v10 =	vld [tilespmem:s6+$0x10]  }
0x2b: {  	v5 =	vmul.f32 $8.000000000e+00, v7;
	v7 =	vadd.s32 v0, v4  }
0x2c: {  	s15 =	simm.s32 $0x2;
	v11 =	vadd.s32 v1, v9  }
0x2d: {  	v12 =	vld [tilespmem:s1+$0xFFFFFFC0];
	[tilespmem:v6+s24+$0x0] =	vst.idx.msk $0xffff, v5;
	v5 =	vmov s15  }
0x2e: {  	v6 =	vmul.f32 $8.000000000e+00, v8;
	v5 =	vand.u32 $0x7E, v5;
	v8 =	vld [tilespmem:s6+$0xFFFFFFD0]  }
0x2f: {  	s16 =	simm.s32 $0x5;
	s15 =	simm.s32 $0x6540;
	v13 =	vadd.s32 v0, v5;
	v10 =	vmul.f32 $8.000000000e+00, v10  }
0x30: {  	v15 =	vld [tilespmem:s15+$0x0];
	[tilespmem:v7+s24+$0x0] =	vst.idx.msk $0xffff, v6;
	v7 =	vadd.s32 v1, v14;
	v6 =	vmov s16  }
0x31: {  	[tilespmem:v11+s24+$0x0] =	vst.idx.msk $0xffff, v10;
	v6 =	vand.u32 $0x7F, v6;
	v10 =	vld [tilespmem:s1+$0x10]  }
0x32: {  	v11 =	vmul.f32 $8.000000000e+00, v12;
	v12 =	vadd.s32 v0, v6;
	v16 =	vld [tilespmem:s6+$0x20]  }
0x33: {  	s17 =	simm.s32 $0x4;
	v17 =	vadd.s32 v1, v4;
	v8 =	vmul.f32 $8.000000000e+00, v8  }
0x34: {  	v18 =	vadd.s32 v2, v9;
	[tilespmem:v13+s24+$0x0] =	vst.idx.msk $0xffff, v11;
	v11 =	vmov s17;
	v13 =	vld [tilespmem:s15+$0xFFFFFFC0]  }
0x35: {  	[tilespmem:v7+s24+$0x0] =	vst.idx.msk $0xffff, v8;
	v7 =	vand.u32 $0x7E, v11;
	v8 =	vmul.f32 $8.000000000e+00, v15;
	v11 =	vld [tilespmem:s1+$0xFFFFFFD0]  }
0x36: {  	s20 =	simm.s32 $0x7;
	s16 =	simm.s32 $0x65C0;
	v15 =	vadd.s32 v0, v7;
	v10 =	vmul.f32 $8.000000000e+00, v10;
	v19 =	vld [tilespmem:s6+$0xFFFFFFE0]  }
0x37: {  	v20 =	vld [tilespmem:s16+$0x0];
	[tilespmem:v12+s24+$0x0] =	vst.idx.msk $0xffff, v8;
	v12 =	vadd.s32 v1, v5;
	v16 =	vmul.f32 $8.000000000e+00, v16;
	v8 =	vmov s20  }
0x38: {  	[tilespmem:v17+s24+$0x0] =	vst.idx.msk $0xffff, v10;
	v10 =	vadd.s32 v2, v14;
	v8 =	vand.u32 $0x7F, v8;
	v17 =	vld [tilespmem:s15+$0x10]  }
0x39: {  	v13 =	vmul.f32 $8.000000000e+00, v13;
	[tilespmem:v18+s24+$0x0] =	vst.idx.msk $0xffff, v16;
	v16 =	vadd.s32 v0, v8;
	v18 =	vld [tilespmem:s1+$0x20]  }
0x3a: {  	s21 =	simm.s32 $0x6;
	v21 =	vadd.s32 v1, v6;
	v11 =	vmul.f32 $8.000000000e+00, v11;
	v22 =	vld [tilespmem:s6+$0x30]  }
0x3b: {  	v23 =	vadd.s32 v2, v4;
	[tilespmem:v15+s24+$0x0] =	vst.idx.msk $0xffff, v13;
	v13 =	vmul.f32 $8.000000000e+00, v19;
	v15 =	vld [tilespmem:s16+$0xFFFFFFC0];
	v19 =	vmov s21  }
0x3c: {  	v25 =	vadd.s32 v3, v9;
	[tilespmem:v12+s24+$0x0] =	vst.idx.msk $0xffff, v11;
	v12 =	vmul.f32 $8.000000000e+00, v20;
	v24 =	vld [tilespmem:s15+$0xFFFFFFD0];
	v9 =	vand.u32 $0x7E, v19  }
0x3d: {  	[tilespmem:v10+s24+$0x0] =	vst.idx.msk $0xffff, v13;
	v10 =	vmul.f32 $8.000000000e+00, v17;
	v11 =	vld [tilespmem:s1+$0xFFFFFFE0];
	v17 =	vadd.s32 v0, v9  }
0x3e: {  	s31 =	simm.s32 $0x9;
	s21 =	simm.s32 $0x6640;
	[tilespmem:v16+s24+$0x0] =	vst.idx.msk $0xffff, v12;
	v20 =	vmul.f32 $8.000000000e+00, v18;
	v12 =	vld [tilespmem:s6+$0xFFFFFFF0];
	v16 =	vadd.s32 v1, v7  }
0x3f: {  	v19 =	vld [tilespmem:s21+$0x0];
	v13 =	vadd.s32 v2, v5;
	v18 =	vmov s31;
	[tilespmem:v21+s24+$0x0] =	vst.idx.msk $0xffff, v10;
	v26 =	vmul.f32 $8.000000000e+00, v22  }
0x40: {  	v14 =	vadd.s32 v3, v14;
	v10 =	vand.u32 $0x7F, v18;
	v18 =	vld [tilespmem:s16+$0x10];
	v22 =	vmul.f32 $8.000000000e+00, v15;
	[tilespmem:v23+s24+$0x0] =	vst.idx.msk $0xffff, v20  }
0x41: {  	s14 =	simm.s32 $0x8;
	s20 =	simm.s32 $0x6640;
	s6 =	simm.s32 $0xA;
	v20 =	vadd.s32 v0, v10;
	v15 =	vld [tilespmem:s15+$0x20];
	v21 =	vmul.f32 $8.000000000e+00, v24;
	[tilespmem:v25+s24+$0x0] =	vst.idx.msk $0xffff, v26  }
.LBB2_3:
0x42: {  	p1 =	slt.u32 s6, $0x7E;
	[tilespmem:v17+s24+$0x0] =	vst.idx.msk $0xffff, v22;
	v22 =	vadd.s32 v1, v8;
	v11 =	vmul.f32 $8.000000000e+00, v11;
	v23 =	vld [tilespmem:s1+$0x30]  }
0x43: {  	v17 =	vmov s14;
	s14 =	smov.u32 s6;
	v24 =	vld [tilespmem:s21+$0xFFFFFFC0];
	[tilespmem:v16+s24+$0x0] =	vst.idx.msk $0xffff, v21;
	v21 =	vadd.s32 v2, v6;
	v12 =	vmul.f32 $8.000000000e+00, v12  }
0x44: {  	v27 =	vadd.s32 v3, v4;
	v4 =	vmovc v6;
	v25 =	vand.u32 $0x7E, v17;
	v16 =	vmul.f32 $8.000000000e+00, v19;
	v26 =	vld [tilespmem:s16+$0xFFFFFFD0];
	[tilespmem:v13+s24+$0x0] =	vst.idx.msk $0xffff, v11  }
.Ltmp0:
0x45: {  	v6 =	vmovc v8;
	v8 =	vmov v10;
	v17 =	vadd.s32 v0, v25;
	v13 =	vmul.f32 $8.000000000e+00, v18;
	v11 =	vld [tilespmem:s15+$0xFFFFFFE0];
	[tilespmem:v14+s24+$0x0] =	vst.idx.msk $0xffff, v12;
	(pc) =	sbr.rel @p1 .LBB2_3-.Ltmp0, $4  }
0x46: {  	s17 =	sadd.s32 $0x1, s6;
	s21 =	sadd.s32 $0x80, s21;
	[tilespmem:v20+s24+$0x0] =	vst.idx.msk $0xffff, v16;
	v16 =	vadd.s32 v1, v9;
	v14 =	vmul.f32 $8.000000000e+00, v15;
	v12 =	vld [tilespmem:s1+$0xFFFFFFF0];
	s1 =	smov.u32 s15  }
0x47: {  	v10 =	vmov s17;
	s15 =	smov.u32 s16;
	s16 =	smov.u32 s20;
	s20 =	smov.u32 s21;
	v19 =	vld [tilespmem:s21+$0x0];
	[tilespmem:v22+s24+$0x0] =	vst.idx.msk $0xffff, v13;
	v13 =	vadd.s32 v2, v7;
	v23 =	vmul.f32 $8.000000000e+00, v23  }
0x48: {  	v10 =	vand.u32 $0x7F, v10;
	v22 =	vmul.f32 $8.000000000e+00, v24;
	v18 =	vld [tilespmem:s16+$0x10];
	[tilespmem:v21+s24+$0x0] =	vst.idx.msk $0xffff, v14;
	v14 =	vadd.s32 v3, v5;
	v5 =	vmovc v7  }
0x49: {  	s6 =	sadd.s32 $0x2, s6;
	v20 =	vadd.s32 v0, v10;
	v7 =	vmovc v9;
	v9 =	vmov v25;
	v21 =	vmul.f32 $8.000000000e+00, v26;
	v15 =	vld [tilespmem:s15+$0x20];
	[tilespmem:v27+s24+$0x0] =	vst.idx.msk $0xffff, v23  }
0x4a: {  	v23 =	vmov s14;
	v24 =	vld [tilespmem:s21+$0xFFFFFFC0]  }
0x4b: {  	v23 =	vand.u32 $0x7E, v23  }
0x4c: {  	v25 =	vadd.s32 v0, v23;
	_ =	sdelay $0x1  }
0x4d: {  	v19 =	vmul.f32 $8.000000000e+00, v19  }
0x4e: {  	[tilespmem:v17+s24+$0x0] =	vst.idx.msk $0xffff, v22;
	v62 =	vmul.f32 $8.000000000e+00, v24  }
0x4f: {  	v22 =	vld [tilespmem:s16+$0xFFFFFFD0];
	[tilespmem:v20+s24+$0x0] =	vst.idx.msk $0xffff, v19  }
0x50: {  	v63 =	vadd.s32 v1, v8;
	v20 =	vld [tilespmem:s20+$0x10];
	[tilespmem:v25+s24+$0x0] =	vst.idx.msk $0xffff, v62  }
0x51: {  	v28 =	vadd.s32 v1, v9;
	v29 =	vld [tilespmem:s20+$0xFFFFFFD0]  }
0x52: {  	v30 =	vadd.s32 v1, v10  }
0x53: {  	v26 =	vadd.s32 v1, v23;
	v18 =	vmul.f32 $8.000000000e+00, v18  }
0x54: {  	[tilespmem:v16+s24+$0x0] =	vst.idx.msk $0xffff, v21;
	v31 =	vmul.f32 $8.000000000e+00, v22  }
0x55: {  	v32 =	vld [tilespmem:s15+$0xFFFFFFE0];
	[tilespmem:v63+s24+$0x0] =	vst.idx.msk $0xffff, v18;
	v33 =	vmul.f32 $8.000000000e+00, v20  }
0x56: {  	v34 =	vadd.s32 v2, v6;
	v35 =	vld [tilespmem:s16+$0x20];
	[tilespmem:v28+s24+$0x0] =	vst.idx.msk $0xffff, v31;
	v36 =	vmul.f32 $8.000000000e+00, v29  }
0x57: {  	v11 =	vmul.f32 $8.000000000e+00, v11;
	v37 =	vadd.s32 v2, v7;
	v38 =	vld [tilespmem:s16+$0xFFFFFFE0];
	[tilespmem:v30+s24+$0x0] =	vst.idx.msk $0xffff, v33  }
0x58: {  	v39 =	vadd.s32 v2, v8;
	v12 =	vmul.f32 $8.000000000e+00, v12;
	v40 =	vld [tilespmem:s20+$0x20];
	[tilespmem:v26+s24+$0x0] =	vst.idx.msk $0xffff, v36  }
0x59: {  	v42 =	vadd.s32 v2, v9;
	[tilespmem:v13+s24+$0x0] =	vst.idx.msk $0xffff, v11;
	v41 =	vmul.f32 $8.000000000e+00, v15;
	v43 =	vld [tilespmem:s20+$0xFFFFFFE0]  }
0x5a: {  	v44 =	vld [tilespmem:s1+$0x30];
	v46 =	vadd.s32 v2, v10;
	[tilespmem:v14+s24+$0x0] =	vst.idx.msk $0xffff, v12;
	v45 =	vmul.f32 $8.000000000e+00, v32  }
0x5b: {  	v49 =	vadd.s32 v2, v23;
	v47 =	vld [tilespmem:s1+$0xFFFFFFF0];
	[tilespmem:v34+s24+$0x0] =	vst.idx.msk $0xffff, v41;
	v48 =	vmul.f32 $8.000000000e+00, v35  }
0x5c: {  	v4 =	vadd.s32 v3, v4;
	[tilespmem:v37+s24+$0x0] =	vst.idx.msk $0xffff, v45;
	v20 =	vld [tilespmem:s15+$0x30];
	v50 =	vmul.f32 $8.000000000e+00, v38  }
0x5d: {  	v5 =	vadd.s32 v3, v5;
	v51 =	vld [tilespmem:s15+$0xFFFFFFF0];
	[tilespmem:v39+s24+$0x0] =	vst.idx.msk $0xffff, v48;
	v52 =	vmul.f32 $8.000000000e+00, v40  }
0x5e: {  	v53 =	vadd.s32 v3, v6;
	v54 =	vld [tilespmem:s16+$0x30];
	[tilespmem:v42+s24+$0x0] =	vst.idx.msk $0xffff, v50;
	v55 =	vmul.f32 $8.000000000e+00, v43  }
0x5f: {  	v57 =	vadd.s32 v3, v7;
	v56 =	vmul.f32 $8.000000000e+00, v44;
	v58 =	vld [tilespmem:s16+$0xFFFFFFF0];
	[tilespmem:v46+s24+$0x0] =	vst.idx.msk $0xffff, v52  }
0x60: {  	v60 =	vadd.s32 v3, v8;
	v59 =	vmul.f32 $8.000000000e+00, v47;
	v14 =	vld [tilespmem:s20+$0x30];
	[tilespmem:v49+s24+$0x0] =	vst.idx.msk $0xffff, v55  }
0x61: {  	v61 =	vadd.s32 v3, v9;
	[tilespmem:v4+s24+$0x0] =	vst.idx.msk $0xffff, v56;
	v4 =	vmul.f32 $8.000000000e+00, v20;
	v12 =	vld [tilespmem:s20+$0xFFFFFFF0]  }
0x62: {  	v62 =	vadd.s32 v3, v10;
	[tilespmem:v5+s24+$0x0] =	vst.idx.msk $0xffff, v59;
	v5 =	vmul.f32 $8.000000000e+00, v51  }
0x63: {  	v63 =	vadd.s32 v3, v23;
	[tilespmem:v53+s24+$0x0] =	vst.idx.msk $0xffff, v4;
	v4 =	vmul.f32 $8.000000000e+00, v54  }
0x64: {  	s1 =	smul.u32 $0x180000, s0;
	[tilespmem:v57+s24+$0x0] =	vst.idx.msk $0xffff, v5;
	v5 =	vmul.f32 $8.000000000e+00, v58  }
0x65: {  	[tilespmem:v60+s24+$0x0] =	vst.idx.msk $0xffff, v4;
	v4 =	vmul.f32 $8.000000000e+00, v14  }
0x66: {  	s6 =	sor.u32 s4, s1;
	[tilespmem:v61+s24+$0x0] =	vst.idx.msk $0xffff, v5;
	v5 =	vmul.f32 $8.000000000e+00, v12  }
0x67: {  	s15 =	sshrl.u32 s6, $0x3;
	[tilespmem:v62+s24+$0x0] =	vst.idx.msk $0xffff, v4  }
0x68: {  	s21 =	simm.s32 $0x12400;
	s14 =	sadd.s32 s2, s15;
	[tilespmem:v63+s24+$0x0] =	vst.idx.msk $0xffff, v5  }
0x69: {  	[hbm4b:s14+s3] =	stream.linear.scatter [tilespmem:s21], [sflag:$0x4], $0x80, $0x38;
	[tilespmem:$0x16800] =	vst v63  }
0x6a: {  	s31 =	simm.s32 $0x12488;
	s12 =	sadd.s32 $0x10, s14  }
0x6b: {  	[hbm4b:s12+s3] =	stream.linear.scatter [tilespmem:s31], [sflag:$0x4], $0x80, $0x38;
	[tilespmem:$0x16800] =	vst v63  }
0x6c: {  	s6 =	simm.s32 $0x440;
	s17 =	sadd.s32 $0x20, s14;
	s16 =	simm.s32 $0x12510  }
0x6d: {  	[hbm4b:s17+s3] =	stream.linear.scatter [tilespmem:s16], [sflag:$0x4], $0x80, $0x38;
	[tilespmem:$0x16800] =	vst v63  }
0x6e: {  	s20 =	simm.s32 $0x12598;
	s21 =	sadd.s32 $0x30, s14;
	s31 =	simm.s32 $0x12620  }
0x6f: {  	[hbm4b:s21+s3] =	stream.linear.scatter [tilespmem:s20], [sflag:$0x4], $0x80, $0x38;
	[tilespmem:$0x16800] =	vst v63  }
0x70: {  	s12 =	sadd.s32 $0x40, s14;
	s17 =	simm.s32 $0x126A8;
	s16 =	simm.s32 $0x2200  }
0x71: {  	[hbm4b:s12+s3] =	stream.linear.scatter [tilespmem:s31], [sflag:$0x4], $0x80, $0x38;
	[tilespmem:$0x16800] =	vst v63  }
0x72: {  	s20 =	sadd.s32 $0x50, s14;
	s21 =	simm.s32 $0x12730;
	s31 =	sadd.s32 $0x60, s14  }
0x73: {  	[hbm4b:s20+s3] =	stream.linear.scatter [tilespmem:s17], [sflag:$0x4], $0x80, $0x38;
	[tilespmem:$0x16800] =	vst v63  }
0x74: {  	s17 =	simm.s32 $0x127B8;
	s20 =	sadd.s32 $0x70, s14;
	s14 =	sadd.s32 $0x1000, s14  }
0x75: {  	[hbm4b:s31+s3] =	stream.linear.scatter [tilespmem:s21], [sflag:$0x4], $0x80, $0x38;
	[tilespmem:$0x16800] =	vst v63  }
.LBB2_5:
0x76: {  	[hbm4b:s20+s3] =	stream.linear.scatter [tilespmem:s17], [sflag:$0x4], $0x80, $0x38;
	[tilespmem:$0x16800] =	vst v63  }
0x77: {  	s17 =	smov.u32 s6;
	s6 =	smov.u32 s16  }
0x78: {  	s21 =	sadd.s32 $0x1100, s16;
	s6 =	sshra.s32 s6, $0x2;
	s20 =	sadd.s32 $0x12400, s17  }
0x79: {  	[hbm4b:s14+s3] =	stream.linear.scatter [tilespmem:s20], [sflag:$0x4], $0x80, $0x38;
	[tilespmem:$0x16800] =	vst v63  }
0x7a: {  	p1 =	sne.s32 s16, $0x7700;
	s16 =	sadd.s32 $0x12488, s17;
	s20 =	sadd.s32 $0x10, s14  }
0x7b: {  	[hbm4b:s20+s3] =	stream.linear.scatter [tilespmem:s16], [sflag:$0x4], $0x80, $0x38;
	[tilespmem:$0x16800] =	vst v63  }
0x7c: {  	s16 =	sadd.s32 $0x12510, s17;
	s20 =	sadd.s32 $0x20, s14  }
0x7d: {  	[hbm4b:s20+s3] =	stream.linear.scatter [tilespmem:s16], [sflag:$0x4], $0x80, $0x38;
	[tilespmem:$0x16800] =	vst v63  }
0x7e: {  	s16 =	sadd.s32 $0x12598, s17;
	s20 =	sadd.s32 $0x30, s14  }
0x7f: {  	[hbm4b:s20+s3] =	stream.linear.scatter [tilespmem:s16], [sflag:$0x4], $0x80, $0x38;
	[tilespmem:$0x16800] =	vst v63  }
0x80: {  	s16 =	sadd.s32 $0x12620, s17;
	s20 =	sadd.s32 $0x40, s14  }
0x81: {  	[hbm4b:s20+s3] =	stream.linear.scatter [tilespmem:s16], [sflag:$0x4], $0x80, $0x38;
	[tilespmem:$0x16800] =	vst v63  }
.Ltmp1:
0x82: {  	s16 =	sadd.s32 $0x126A8, s17;
	s20 =	sadd.s32 $0x50, s14;
	(pc) =	sbr.rel @p1 .LBB2_5-.Ltmp1, $4  }
0x83: {  	[hbm4b:s20+s3] =	stream.linear.scatter [tilespmem:s16], [sflag:$0x4], $0x80, $0x38;
	[tilespmem:$0x16800] =	vst v63  }
0x84: {  	s16 =	sadd.s32 $0x12730, s17;
	s20 =	sadd.s32 $0x60, s14;
	s17 =	sadd.s32 $0x127B8, s17  }
0x85: {  	[hbm4b:s20+s3] =	stream.linear.scatter [tilespmem:s16], [sflag:$0x4], $0x80, $0x38;
	[tilespmem:$0x16800] =	vst v63  }
0x86: {  	s20 =	sadd.s32 $0x70, s14;
	s14 =	sadd.s32 $0x1000, s14;
	s16 =	smov.u32 s21  }
0x87: {  	[hbm4b:s20+s3] =	stream.linear.scatter [tilespmem:s17], [sflag:$0x4], $0x80, $0x38;
	[tilespmem:$0x16800] =	vst v63  }
0x88: {  	s16 =	sadd.s32 $0x12400, s6  }
0x89: {  	[hbm4b:s14+s3] =	stream.linear.scatter [tilespmem:s16], [sflag:$0x4], $0x80, $0x38;
	[tilespmem:$0x16800] =	vst v63  }
0x8a: {  	s21 =	sadd.s32 $0x12488, s6;
	s12 =	sadd.s32 $0x10, s14  }
0x8b: {  	[hbm4b:s12+s3] =	stream.linear.scatter [tilespmem:s21], [sflag:$0x4], $0x80, $0x38;
	[tilespmem:$0x16800] =	vst v63  }
0x8c: {  	s17 =	sadd.s32 $0x12510, s6;
	s20 =	sadd.s32 $0x20, s14  }
0x8d: {  	[hbm4b:s20+s3] =	stream.linear.scatter [tilespmem:s17], [sflag:$0x4], $0x80, $0x38;
	[tilespmem:$0x16800] =	vst v63  }
0x8e: {  	s21 =	sadd.s32 $0x12598, s6;
	s12 =	sadd.s32 $0x30, s14  }
0x8f: {  	[hbm4b:s12+s3] =	stream.linear.scatter [tilespmem:s21], [sflag:$0x4], $0x80, $0x38;
	[tilespmem:$0x16800] =	vst v63  }
0x90: {  	s17 =	sadd.s32 $0x12620, s6;
	s20 =	sadd.s32 $0x40, s14  }
0x91: {  	[hbm4b:s20+s3] =	stream.linear.scatter [tilespmem:s17], [sflag:$0x4], $0x80, $0x38;
	[tilespmem:$0x16800] =	vst v63  }
0x92: {  	s21 =	sadd.s32 $0x126A8, s6;
	s12 =	sadd.s32 $0x50, s14  }
0x93: {  	[hbm4b:s12+s3] =	stream.linear.scatter [tilespmem:s21], [sflag:$0x4], $0x80, $0x38;
	[tilespmem:$0x16800] =	vst v63  }
0x94: {  	s20 =	sadd.s32 $0x12730, s6;
	s21 =	sadd.s32 $0x60, s14  }
0x95: {  	[hbm4b:s21+s3] =	stream.linear.scatter [tilespmem:s20], [sflag:$0x4], $0x80, $0x38;
	[tilespmem:$0x16800] =	vst v63  }
0x96: {  	s16 =	sadd.s32 $0x70, s14;
	s12 =	sadd.s32 $0x127B8, s6;
	s6 =	simm.s32 @!p0 $0x5  }
0x97: {  	[hbm4b:s16+s3] =	stream.linear.scatter [tilespmem:s12], [sflag:$0x4], $0x80, $0x38;
	[tilespmem:$0x16800] =	vst v63  }
0x98: {  	_ =	swait.ge @!p0 [sflag:s6], $0x2000  }
0x99: {  	[sflag:s6] =	ssyncset.done @!p0 $0x0  }
0x9a: {  	s17 =	simm.s32 $0x1;
	[sflag:s6] =	ssyncadd.s32 @!p0 $0xFFFFE000;
	s6 =	simm.s32 $0x8470  }
0x9b: {  	v4 =	vmov s17;
	v5 =	vld [tilespmem:s6+$0xFFFFFFD0]  }
0x9c: {  	v9 =	vand.u32 $0x7F, v4  }
0x9d: {  	v4 =	vadd.s32 v0, v9  }
0x9e: {  	s20 =	simm.s32 $0x0  }
0x9f: {  	v6 =	vmov s20;
	v7 =	vld [tilespmem:s6+$0xFFFFFF90]  }
0xa0: {  	v14 =	vand.u32 $0x7E, v6;
	v5 =	vmul.f32 $8.000000000e+00, v5  }
0xa1: {  	s21 =	simm.s32 $0x3;
	s16 =	simm.s32 $0x84F0;
	v6 =	vadd.s32 v0, v14  }
0xa2: {  	v8 =	vld [tilespmem:s16+$0xFFFFFFD0];
	[tilespmem:v4+s25+$0x0] =	vst.idx.msk $0xffff, v5;
	v4 =	vmov s21  }
0xa3: {  	v4 =	vand.u32 $0x7F, v4;
	v10 =	vld [tilespmem:s6+$0xFFFFFFE0]  }
0xa4: {  	v5 =	vmul.f32 $8.000000000e+00, v7;
	v7 =	vadd.s32 v0, v4  }
0xa5: {  	v11 =	vadd.s32 v1, v9;
	s12 =	simm.s32 $0x2  }
0xa6: {  	v12 =	vld [tilespmem:s16+$0xFFFFFF90];
	[tilespmem:v6+s25+$0x0] =	vst.idx.msk $0xffff, v5;
	v5 =	vmov s12  }
0xa7: {  	v6 =	vmul.f32 $8.000000000e+00, v8;
	v5 =	vand.u32 $0x7E, v5;
	v8 =	vld [tilespmem:s6+$0xFFFFFFA0]  }
0xa8: {  	s17 =	simm.s32 $0x5;
	s20 =	simm.s32 $0x8570;
	v13 =	vadd.s32 v0, v5;
	v10 =	vmul.f32 $8.000000000e+00, v10  }
0xa9: {  	v15 =	vld [tilespmem:s20+$0xFFFFFFD0];
	[tilespmem:v7+s25+$0x0] =	vst.idx.msk $0xffff, v6;
	v7 =	vadd.s32 v1, v14;
	v6 =	vmov s17  }
0xaa: {  	[tilespmem:v11+s25+$0x0] =	vst.idx.msk $0xffff, v10;
	v6 =	vand.u32 $0x7F, v6;
	v10 =	vld [tilespmem:s16+$0xFFFFFFE0]  }
0xab: {  	v11 =	vmul.f32 $8.000000000e+00, v12;
	v12 =	vadd.s32 v0, v6;
	v16 =	vld [tilespmem:s6+$0xFFFFFFF0]  }
0xac: {  	s21 =	simm.s32 $0x4;
	v17 =	vadd.s32 v1, v4;
	v8 =	vmul.f32 $8.000000000e+00, v8  }
0xad: {  	v18 =	vadd.s32 v2, v9;
	[tilespmem:v13+s25+$0x0] =	vst.idx.msk $0xffff, v11;
	v11 =	vmov s21;
	v13 =	vld [tilespmem:s20+$0xFFFFFF90]  }
0xae: {  	[tilespmem:v7+s25+$0x0] =	vst.idx.msk $0xffff, v8;
	v7 =	vand.u32 $0x7E, v11;
	v8 =	vmul.f32 $8.000000000e+00, v15;
	v11 =	vld [tilespmem:s16+$0xFFFFFFA0]  }
0xaf: {  	s12 =	simm.s32 $0x7;
	s21 =	simm.s32 $0x85F0;
	v15 =	vadd.s32 v0, v7;
	v10 =	vmul.f32 $8.000000000e+00, v10;
	v19 =	vld [tilespmem:s6+$0xFFFFFFB0]  }
0xb0: {  	v20 =	vld [tilespmem:s21+$0xFFFFFFD0];
	[tilespmem:v12+s25+$0x0] =	vst.idx.msk $0xffff, v8;
	v12 =	vadd.s32 v1, v5;
	v16 =	vmul.f32 $8.000000000e+00, v16;
	v8 =	vmov s12  }
0xb1: {  	[tilespmem:v17+s25+$0x0] =	vst.idx.msk $0xffff, v10;
	v10 =	vadd.s32 v2, v14;
	v8 =	vand.u32 $0x7F, v8;
	v17 =	vld [tilespmem:s20+$0xFFFFFFE0]  }
0xb2: {  	v13 =	vmul.f32 $8.000000000e+00, v13;
	[tilespmem:v18+s25+$0x0] =	vst.idx.msk $0xffff, v16;
	v16 =	vadd.s32 v0, v8;
	v18 =	vld [tilespmem:s16+$0xFFFFFFF0]  }
0xb3: {  	s17 =	simm.s32 $0x6;
	v21 =	vadd.s32 v1, v6;
	v11 =	vmul.f32 $8.000000000e+00, v11;
	v22 =	vld [tilespmem:s6+$0x0]  }
0xb4: {  	v23 =	vadd.s32 v2, v4;
	[tilespmem:v15+s25+$0x0] =	vst.idx.msk $0xffff, v13;
	v13 =	vmul.f32 $8.000000000e+00, v19;
	v15 =	vld [tilespmem:s21+$0xFFFFFF90];
	v19 =	vmov s17  }
0xb5: {  	v25 =	vadd.s32 v3, v9;
	[tilespmem:v12+s25+$0x0] =	vst.idx.msk $0xffff, v11;
	v12 =	vmul.f32 $8.000000000e+00, v20;
	v24 =	vld [tilespmem:s20+$0xFFFFFFA0];
	v9 =	vand.u32 $0x7E, v19  }
0xb6: {  	[tilespmem:v10+s25+$0x0] =	vst.idx.msk $0xffff, v13;
	v10 =	vmul.f32 $8.000000000e+00, v17;
	v11 =	vld [tilespmem:s16+$0xFFFFFFB0];
	v17 =	vadd.s32 v0, v9  }
0xb7: {  	s14 =	simm.s32 $0x8670;
	s12 =	simm.s32 $0x9;
	[tilespmem:v16+s25+$0x0] =	vst.idx.msk $0xffff, v12;
	v20 =	vmul.f32 $8.000000000e+00, v18;
	v12 =	vld [tilespmem:s6+$0xFFFFFFC0];
	v16 =	vadd.s32 v1, v7  }
0xb8: {  	v19 =	vld [tilespmem:s14+$0xFFFFFFD0];
	v13 =	vadd.s32 v2, v5;
	v18 =	vmov s12;
	[tilespmem:v21+s25+$0x0] =	vst.idx.msk $0xffff, v10;
	v26 =	vmul.f32 $8.000000000e+00, v22  }
0xb9: {  	v14 =	vadd.s32 v3, v14;
	v10 =	vand.u32 $0x7F, v18;
	v18 =	vld [tilespmem:s21+$0xFFFFFFE0];
	v22 =	vmul.f32 $8.000000000e+00, v15;
	[tilespmem:v23+s25+$0x0] =	vst.idx.msk $0xffff, v20  }
0xba: {  	s31 =	simm.s32 $0x8;
	s17 =	simm.s32 $0xA;
	s6 =	simm.s32 $0x8670;
	v20 =	vadd.s32 v0, v10;
	v15 =	vld [tilespmem:s20+$0xFFFFFFF0];
	v21 =	vmul.f32 $8.000000000e+00, v24;
	[tilespmem:v25+s25+$0x0] =	vst.idx.msk $0xffff, v26  }
.LBB2_7:
0xbb: {  	p0 =	slt.u32 s17, $0x7E;
	[tilespmem:v17+s25+$0x0] =	vst.idx.msk $0xffff, v22;
	v22 =	vadd.s32 v1, v8;
	v11 =	vmul.f32 $8.000000000e+00, v11;
	v23 =	vld [tilespmem:s16+$0x0]  }
0xbc: {  	v17 =	vmov s31;
	s31 =	smov.u32 s17;
	v24 =	vld [tilespmem:s14+$0xFFFFFF90];
	[tilespmem:v16+s25+$0x0] =	vst.idx.msk $0xffff, v21;
	v21 =	vadd.s32 v2, v6;
	v12 =	vmul.f32 $8.000000000e+00, v12  }
0xbd: {  	v27 =	vadd.s32 v3, v4;
	v4 =	vmovc v6;
	v25 =	vand.u32 $0x7E, v17;
	v16 =	vmul.f32 $8.000000000e+00, v19;
	v26 =	vld [tilespmem:s21+$0xFFFFFFA0];
	[tilespmem:v13+s25+$0x0] =	vst.idx.msk $0xffff, v11  }
.Ltmp2:
0xbe: {  	v6 =	vmovc v8;
	v8 =	vmov v10;
	v17 =	vadd.s32 v0, v25;
	v13 =	vmul.f32 $8.000000000e+00, v18;
	v11 =	vld [tilespmem:s20+$0xFFFFFFB0];
	[tilespmem:v14+s25+$0x0] =	vst.idx.msk $0xffff, v12;
	(pc) =	sbr.rel @p0 .LBB2_7-.Ltmp2, $4  }
0xbf: {  	s12 =	sadd.s32 $0x1, s17;
	s14 =	sadd.s32 $0x80, s14;
	[tilespmem:v20+s25+$0x0] =	vst.idx.msk $0xffff, v16;
	v16 =	vadd.s32 v1, v9;
	v14 =	vmul.f32 $8.000000000e+00, v15;
	v12 =	vld [tilespmem:s16+$0xFFFFFFC0];
	s16 =	smov.u32 s20  }
0xc0: {  	v10 =	vmov s12;
	s20 =	smov.u32 s21;
	s21 =	smov.u32 s6;
	s6 =	smov.u32 s14;
	v19 =	vld [tilespmem:s14+$0xFFFFFFD0];
	[tilespmem:v22+s25+$0x0] =	vst.idx.msk $0xffff, v13;
	v13 =	vadd.s32 v2, v7;
	v23 =	vmul.f32 $8.000000000e+00, v23  }
0xc1: {  	v10 =	vand.u32 $0x7F, v10;
	v22 =	vmul.f32 $8.000000000e+00, v24;
	v18 =	vld [tilespmem:s21+$0xFFFFFFE0];
	[tilespmem:v21+s25+$0x0] =	vst.idx.msk $0xffff, v14;
	v14 =	vadd.s32 v3, v5;
	v5 =	vmovc v7  }
0xc2: {  	s17 =	sadd.s32 $0x2, s17;
	v20 =	vadd.s32 v0, v10;
	v7 =	vmovc v9;
	v9 =	vmov v25;
	v21 =	vmul.f32 $8.000000000e+00, v26;
	v15 =	vld [tilespmem:s20+$0xFFFFFFF0];
	[tilespmem:v27+s25+$0x0] =	vst.idx.msk $0xffff, v23  }
0xc3: {  	v23 =	vmov s31;
	v24 =	vld [tilespmem:s14+$0xFFFFFF90]  }
0xc4: {  	v23 =	vand.u32 $0x7E, v23  }
0xc5: {  	v25 =	vadd.s32 v0, v23;
	_ =	sdelay $0x1  }
0xc6: {  	v19 =	vmul.f32 $8.000000000e+00, v19  }
0xc7: {  	[tilespmem:v17+s25+$0x0] =	vst.idx.msk $0xffff, v22;
	v62 =	vmul.f32 $8.000000000e+00, v24  }
0xc8: {  	v22 =	vld [tilespmem:s21+$0xFFFFFFA0];
	[tilespmem:v20+s25+$0x0] =	vst.idx.msk $0xffff, v19  }
0xc9: {  	v63 =	vadd.s32 v1, v8;
	v20 =	vld [tilespmem:s6+$0xFFFFFFE0];
	[tilespmem:v25+s25+$0x0] =	vst.idx.msk $0xffff, v62  }
0xca: {  	v28 =	vadd.s32 v1, v9;
	v29 =	vld [tilespmem:s6+$0xFFFFFFA0]  }
0xcb: {  	v30 =	vadd.s32 v1, v10  }
0xcc: {  	v26 =	vadd.s32 v1, v23;
	v18 =	vmul.f32 $8.000000000e+00, v18  }
0xcd: {  	[tilespmem:v16+s25+$0x0] =	vst.idx.msk $0xffff, v21;
	v31 =	vmul.f32 $8.000000000e+00, v22  }
0xce: {  	v32 =	vld [tilespmem:s20+$0xFFFFFFB0];
	[tilespmem:v63+s25+$0x0] =	vst.idx.msk $0xffff, v18;
	v33 =	vmul.f32 $8.000000000e+00, v20  }
0xcf: {  	v34 =	vadd.s32 v2, v6;
	v35 =	vld [tilespmem:s21+$0xFFFFFFF0];
	[tilespmem:v28+s25+$0x0] =	vst.idx.msk $0xffff, v31;
	v36 =	vmul.f32 $8.000000000e+00, v29  }
0xd0: {  	v11 =	vmul.f32 $8.000000000e+00, v11;
	v37 =	vadd.s32 v2, v7;
	v38 =	vld [tilespmem:s21+$0xFFFFFFB0];
	[tilespmem:v30+s25+$0x0] =	vst.idx.msk $0xffff, v33  }
0xd1: {  	v39 =	vadd.s32 v2, v8;
	v12 =	vmul.f32 $8.000000000e+00, v12;
	v40 =	vld [tilespmem:s6+$0xFFFFFFF0];
	[tilespmem:v26+s25+$0x0] =	vst.idx.msk $0xffff, v36  }
0xd2: {  	v42 =	vadd.s32 v2, v9;
	[tilespmem:v13+s25+$0x0] =	vst.idx.msk $0xffff, v11;
	v41 =	vmul.f32 $8.000000000e+00, v15;
	v43 =	vld [tilespmem:s6+$0xFFFFFFB0]  }
0xd3: {  	v44 =	vld [tilespmem:s16+$0x0];
	v46 =	vadd.s32 v2, v10;
	[tilespmem:v14+s25+$0x0] =	vst.idx.msk $0xffff, v12;
	v45 =	vmul.f32 $8.000000000e+00, v32  }
0xd4: {  	v49 =	vadd.s32 v2, v23;
	v47 =	vld [tilespmem:s16+$0xFFFFFFC0];
	[tilespmem:v34+s25+$0x0] =	vst.idx.msk $0xffff, v41;
	v48 =	vmul.f32 $8.000000000e+00, v35  }
0xd5: {  	v4 =	vadd.s32 v3, v4;
	[tilespmem:v37+s25+$0x0] =	vst.idx.msk $0xffff, v45;
	v20 =	vld [tilespmem:s20+$0x0];
	v50 =	vmul.f32 $8.000000000e+00, v38  }
0xd6: {  	v5 =	vadd.s32 v3, v5;
	v51 =	vld [tilespmem:s20+$0xFFFFFFC0];
	[tilespmem:v39+s25+$0x0] =	vst.idx.msk $0xffff, v48;
	v52 =	vmul.f32 $8.000000000e+00, v40  }
0xd7: {  	v53 =	vadd.s32 v3, v6;
	v54 =	vld [tilespmem:s21+$0x0];
	[tilespmem:v42+s25+$0x0] =	vst.idx.msk $0xffff, v50;
	v55 =	vmul.f32 $8.000000000e+00, v43  }
0xd8: {  	v57 =	vadd.s32 v3, v7;
	v56 =	vmul.f32 $8.000000000e+00, v44;
	v58 =	vld [tilespmem:s21+$0xFFFFFFC0];
	[tilespmem:v46+s25+$0x0] =	vst.idx.msk $0xffff, v52  }
0xd9: {  	v60 =	vadd.s32 v3, v8;
	v59 =	vmul.f32 $8.000000000e+00, v47;
	v14 =	vld [tilespmem:s6+$0x0];
	[tilespmem:v49+s25+$0x0] =	vst.idx.msk $0xffff, v55  }
0xda: {  	v61 =	vadd.s32 v3, v9;
	[tilespmem:v4+s25+$0x0] =	vst.idx.msk $0xffff, v56;
	v4 =	vmul.f32 $8.000000000e+00, v20;
	v12 =	vld [tilespmem:s6+$0xFFFFFFC0]  }
0xdb: {  	v62 =	vadd.s32 v3, v10;
	[tilespmem:v5+s25+$0x0] =	vst.idx.msk $0xffff, v59;
	v5 =	vmul.f32 $8.000000000e+00, v51  }
0xdc: {  	v63 =	vadd.s32 v3, v23;
	[tilespmem:v53+s25+$0x0] =	vst.idx.msk $0xffff, v4;
	v4 =	vmul.f32 $8.000000000e+00, v54  }
0xdd: {  	[tilespmem:v57+s25+$0x0] =	vst.idx.msk $0xffff, v5;
	v5 =	vmul.f32 $8.000000000e+00, v58  }
0xde: {  	[tilespmem:v60+s25+$0x0] =	vst.idx.msk $0xffff, v4;
	v4 =	vmul.f32 $8.000000000e+00, v14  }
0xdf: {  	[tilespmem:v61+s25+$0x0] =	vst.idx.msk $0xffff, v5;
	v5 =	vmul.f32 $8.000000000e+00, v12  }
0xe0: {  	[tilespmem:v62+s25+$0x0] =	vst.idx.msk $0xffff, v4  }
0xe1: {  	s12 =	sadd.s32 s15, s11;
	s14 =	simm.s32 $0x14600;
	[tilespmem:v63+s25+$0x0] =	vst.idx.msk $0xffff, v5  }
0xe2: {  	[hbm4b:s12+s3] =	stream.linear.scatter [tilespmem:s14], [sflag:$0x5], $0x80, $0x38;
	[tilespmem:$0x16800] =	vst v63  }
0xe3: {  	s15 =	simm.s32 $0x14688;
	s16 =	sadd.s32 $0x10, s12  }
0xe4: {  	[hbm4b:s16+s3] =	stream.linear.scatter [tilespmem:s15], [sflag:$0x5], $0x80, $0x38;
	[tilespmem:$0x16800] =	vst v63  }
0xe5: {  	s17 =	simm.s32 $0x14710;
	s31 =	sadd.s32 $0x30, s12;
	s20 =	sadd.s32 $0x20, s12  }
0xe6: {  	[hbm4b:s20+s3] =	stream.linear.scatter [tilespmem:s17], [sflag:$0x5], $0x80, $0x38;
	[tilespmem:$0x16800] =	vst v63  }
0xe7: {  	s21 =	simm.s32 $0x14798;
	s6 =	simm.s32 $0x440;
	s14 =	sadd.s32 $0x1000, s12  }
0xe8: {  	[hbm4b:s31+s3] =	stream.linear.scatter [tilespmem:s21], [sflag:$0x5], $0x80, $0x38;
	[tilespmem:$0x16800] =	vst v63  }
0xe9: {  	s15 =	simm.s32 $0x14820;
	s16 =	sadd.s32 $0x40, s12;
	s17 =	simm.s32 $0x148A8  }
0xea: {  	[hbm4b:s16+s3] =	stream.linear.scatter [tilespmem:s15], [sflag:$0x5], $0x80, $0x38;
	[tilespmem:$0x16800] =	vst v63  }
0xeb: {  	s20 =	sadd.s32 $0x50, s12;
	s21 =	simm.s32 $0x14930;
	s31 =	sadd.s32 $0x60, s12  }
0xec: {  	[hbm4b:s20+s3] =	stream.linear.scatter [tilespmem:s17], [sflag:$0x5], $0x80, $0x38;
	[tilespmem:$0x16800] =	vst v63  }
0xed: {  	s15 =	simm.s32 $0x2200;
	s16 =	simm.s32 $0x149B8;
	s17 =	sadd.s32 $0x70, s12  }
0xee: {  	[hbm4b:s31+s3] =	stream.linear.scatter [tilespmem:s21], [sflag:$0x5], $0x80, $0x38;
	[tilespmem:$0x16800] =	vst v63  }
.LBB2_9:
0xef: {  	[hbm4b:s17+s3] =	stream.linear.scatter [tilespmem:s16], [sflag:$0x5], $0x80, $0x38;
	[tilespmem:$0x16800] =	vst v63  }
0xf0: {  	s12 =	smov.u32 s6;
	s6 =	smov.u32 s15  }
0xf1: {  	s20 =	sadd.s32 $0x1100, s15;
	s6 =	sshra.s32 s6, $0x2;
	s16 =	sadd.s32 $0x14600, s12  }
0xf2: {  	[hbm4b:s14+s3] =	stream.linear.scatter [tilespmem:s16], [sflag:$0x5], $0x80, $0x38;
	[tilespmem:$0x16800] =	vst v63  }
0xf3: {  	p0 =	sne.s32 s15, $0x7700;
	s15 =	sadd.s32 $0x14688, s12;
	s16 =	sadd.s32 $0x10, s14  }
0xf4: {  	[hbm4b:s16+s3] =	stream.linear.scatter [tilespmem:s15], [sflag:$0x5], $0x80, $0x38;
	[tilespmem:$0x16800] =	vst v63  }
0xf5: {  	s15 =	sadd.s32 $0x14710, s12;
	s16 =	sadd.s32 $0x20, s14  }
0xf6: {  	[hbm4b:s16+s3] =	stream.linear.scatter [tilespmem:s15], [sflag:$0x5], $0x80, $0x38;
	[tilespmem:$0x16800] =	vst v63  }
0xf7: {  	s15 =	sadd.s32 $0x14798, s12;
	s16 =	sadd.s32 $0x30, s14  }
0xf8: {  	[hbm4b:s16+s3] =	stream.linear.scatter [tilespmem:s15], [sflag:$0x5], $0x80, $0x38;
	[tilespmem:$0x16800] =	vst v63  }
0xf9: {  	s15 =	sadd.s32 $0x14820, s12;
	s16 =	sadd.s32 $0x40, s14  }
0xfa: {  	[hbm4b:s16+s3] =	stream.linear.scatter [tilespmem:s15], [sflag:$0x5], $0x80, $0x38;
	[tilespmem:$0x16800] =	vst v63  }
.Ltmp3:
0xfb: {  	s15 =	sadd.s32 $0x148A8, s12;
	s16 =	sadd.s32 $0x50, s14;
	(pc) =	sbr.rel @p0 .LBB2_9-.Ltmp3, $4  }
0xfc: {  	[hbm4b:s16+s3] =	stream.linear.scatter [tilespmem:s15], [sflag:$0x5], $0x80, $0x38;
	[tilespmem:$0x16800] =	vst v63  }
0xfd: {  	s17 =	sadd.s32 $0x70, s14;
	s15 =	sadd.s32 $0x14930, s12;
	s16 =	sadd.s32 $0x60, s14  }
0xfe: {  	[hbm4b:s16+s3] =	stream.linear.scatter [tilespmem:s15], [sflag:$0x5], $0x80, $0x38;
	[tilespmem:$0x16800] =	vst v63  }
0xff: {  	s14 =	sadd.s32 $0x1000, s14;
	s16 =	sadd.s32 $0x149B8, s12;
	s15 =	smov.u32 s20  }
0x100: {  	[hbm4b:s17+s3] =	stream.linear.scatter [tilespmem:s16], [sflag:$0x5], $0x80, $0x38;
	[tilespmem:$0x16800] =	vst v63  }
0x101: {  	s12 =	sadd.s32 $0x14600, s6  }
0x102: {  	[hbm4b:s14+s3] =	stream.linear.scatter [tilespmem:s12], [sflag:$0x5], $0x80, $0x38;
	[tilespmem:$0x16800] =	vst v63  }
0x103: {  	s21 =	sadd.s32 $0x14688, s6;
	s15 =	sadd.s32 $0x10, s14  }
0x104: {  	[hbm4b:s15+s3] =	stream.linear.scatter [tilespmem:s21], [sflag:$0x5], $0x80, $0x38;
	[tilespmem:$0x16800] =	vst v63  }
0x105: {  	s16 =	sadd.s32 $0x14710, s6;
	s17 =	sadd.s32 $0x20, s14  }
0x106: {  	[hbm4b:s17+s3] =	stream.linear.scatter [tilespmem:s16], [sflag:$0x5], $0x80, $0x38;
	[tilespmem:$0x16800] =	vst v63  }
0x107: {  	s20 =	sadd.s32 $0x14798, s6;
	s21 =	sadd.s32 $0x30, s14  }
0x108: {  	[hbm4b:s21+s3] =	stream.linear.scatter [tilespmem:s20], [sflag:$0x5], $0x80, $0x38;
	[tilespmem:$0x16800] =	vst v63  }
0x109: {  	s16 =	sadd.s32 $0x14820, s6;
	s17 =	sadd.s32 $0x40, s14  }
0x10a: {  	[hbm4b:s17+s3] =	stream.linear.scatter [tilespmem:s16], [sflag:$0x5], $0x80, $0x38;
	[tilespmem:$0x16800] =	vst v63  }
0x10b: {  	s15 =	smul.u32 $0xC00, s0;
	s20 =	sadd.s32 $0x148A8, s6;
	s21 =	sadd.s32 $0x50, s14  }
0x10c: {  	[hbm4b:s21+s3] =	stream.linear.scatter [tilespmem:s20], [sflag:$0x5], $0x80, $0x38;
	[tilespmem:$0x16800] =	vst v63  }
0x10d: {  	s12 =	sadd.s32 $0xC00, s15;
	s16 =	sadd.s32 $0x14930, s6;
	s17 =	sadd.s32 $0x60, s14  }
0x10e: {  	[hbm4b:s17+s3] =	stream.linear.scatter [tilespmem:s16], [sflag:$0x5], $0x80, $0x38;
	[tilespmem:$0x16800] =	vst v63  }
0x10f: {  	s20 =	sadd.s32 $0x149B8, s6;
	s21 =	sadd.s32 $0x70, s14;
	s6 =	sand.u32 $0x7FC00, s12  }
0x110: {  	[hbm4b:s21+s3] =	stream.linear.scatter [tilespmem:s20], [sflag:$0x5], $0x80, $0x38;
	[tilespmem:$0x16800] =	vst v63  }
0x111: {  	s6 =	sshrl.u32 s6, $0x2  }
0x112: {  	[tilespmem:s19], [sflag:$0x1] =	stream.indirect.gather [hbm4b:s5+s18], $0x40, s6, s18, $0xb8;
	[tilespmem:$0x16800] =	vst v63  }
0x113: {  	_ =	swait.ge [sflag:s26], $0x4000  }
0x114: {  	[sflag:s26] =	ssyncset.done $0x0  }
0x115: {  	[sflag:s26] =	ssyncadd.s32 $0xFFFFC000  }
0x116: {  	_ =	swait.ge [sflag:s28], $0x2000  }
0x117: {  	[sflag:s28] =	ssyncset.done $0x0  }
0x118: {  	s14 =	simm.s32 $0x1;
	s6 =	simm.s32 $0xA470;
	[sflag:s28] =	ssyncadd.s32 $0xFFFFE000  }
0x119: {  	v4 =	vmov s14;
	v5 =	vld [tilespmem:s6+$0xFFFFFFD0]  }
0x11a: {  	v9 =	vand.u32 $0x7F, v4  }
0x11b: {  	v4 =	vadd.s32 v0, v9  }
0x11c: {  	s16 =	simm.s32 $0x0  }
0x11d: {  	v6 =	vmov s16;
	v7 =	vld [tilespmem:s6+$0xFFFFFF90]  }
0x11e: {  	v14 =	vand.u32 $0x7E, v6;
	v5 =	vmul.f32 $8.000000000e+00, v5  }
0x11f: {  	s17 =	simm.s32 $0x3;
	s16 =	simm.s32 $0xA4F0;
	v6 =	vadd.s32 v0, v14  }
0x120: {  	v8 =	vld [tilespmem:s16+$0xFFFFFFD0];
	[tilespmem:v4+s24+$0x0] =	vst.idx.msk $0xffff, v5;
	v4 =	vmov s17  }
0x121: {  	v4 =	vand.u32 $0x7F, v4;
	v10 =	vld [tilespmem:s6+$0xFFFFFFE0]  }
0x122: {  	v5 =	vmul.f32 $8.000000000e+00, v7;
	v7 =	vadd.s32 v0, v4  }
0x123: {  	v11 =	vadd.s32 v1, v9;
	s20 =	simm.s32 $0x2  }
0x124: {  	v12 =	vld [tilespmem:s16+$0xFFFFFF90];
	[tilespmem:v6+s24+$0x0] =	vst.idx.msk $0xffff, v5;
	v5 =	vmov s20  }
0x125: {  	v6 =	vmul.f32 $8.000000000e+00, v8;
	v5 =	vand.u32 $0x7E, v5;
	v8 =	vld [tilespmem:s6+$0xFFFFFFA0]  }
0x126: {  	s21 =	simm.s32 $0x5;
	s20 =	simm.s32 $0xA570;
	v13 =	vadd.s32 v0, v5;
	v10 =	vmul.f32 $8.000000000e+00, v10  }
0x127: {  	v15 =	vld [tilespmem:s20+$0xFFFFFFD0];
	[tilespmem:v7+s24+$0x0] =	vst.idx.msk $0xffff, v6;
	v7 =	vadd.s32 v1, v14;
	v6 =	vmov s21  }
0x128: {  	[tilespmem:v11+s24+$0x0] =	vst.idx.msk $0xffff, v10;
	v6 =	vand.u32 $0x7F, v6;
	v10 =	vld [tilespmem:s16+$0xFFFFFFE0]  }
0x129: {  	v11 =	vmul.f32 $8.000000000e+00, v12;
	v12 =	vadd.s32 v0, v6;
	v16 =	vld [tilespmem:s6+$0xFFFFFFF0]  }
0x12a: {  	s14 =	simm.s32 $0x4;
	v17 =	vadd.s32 v1, v4;
	v8 =	vmul.f32 $8.000000000e+00, v8  }
0x12b: {  	v18 =	vadd.s32 v2, v9;
	[tilespmem:v13+s24+$0x0] =	vst.idx.msk $0xffff, v11;
	v11 =	vmov s14;
	v13 =	vld [tilespmem:s20+$0xFFFFFF90]  }
0x12c: {  	[tilespmem:v7+s24+$0x0] =	vst.idx.msk $0xffff, v8;
	v7 =	vand.u32 $0x7E, v11;
	v8 =	vmul.f32 $8.000000000e+00, v15;
	v11 =	vld [tilespmem:s16+$0xFFFFFFA0]  }
0x12d: {  	s17 =	simm.s32 $0x7;
	s21 =	simm.s32 $0xA5F0;
	v15 =	vadd.s32 v0, v7;
	v10 =	vmul.f32 $8.000000000e+00, v10;
	v19 =	vld [tilespmem:s6+$0xFFFFFFB0]  }
0x12e: {  	v20 =	vld [tilespmem:s21+$0xFFFFFFD0];
	[tilespmem:v12+s24+$0x0] =	vst.idx.msk $0xffff, v8;
	v12 =	vadd.s32 v1, v5;
	v16 =	vmul.f32 $8.000000000e+00, v16;
	v8 =	vmov s17  }
0x12f: {  	[tilespmem:v17+s24+$0x0] =	vst.idx.msk $0xffff, v10;
	v10 =	vadd.s32 v2, v14;
	v8 =	vand.u32 $0x7F, v8;
	v17 =	vld [tilespmem:s20+$0xFFFFFFE0]  }
0x130: {  	v13 =	vmul.f32 $8.000000000e+00, v13;
	[tilespmem:v18+s24+$0x0] =	vst.idx.msk $0xffff, v16;
	v16 =	vadd.s32 v0, v8;
	v18 =	vld [tilespmem:s16+$0xFFFFFFF0]  }
0x131: {  	v21 =	vadd.s32 v1, v6;
	s14 =	simm.s32 $0x6;
	v11 =	vmul.f32 $8.000000000e+00, v11;
	v22 =	vld [tilespmem:s6+$0x0]  }
0x132: {  	v23 =	vadd.s32 v2, v4;
	[tilespmem:v15+s24+$0x0] =	vst.idx.msk $0xffff, v13;
	v13 =	vmul.f32 $8.000000000e+00, v19;
	v15 =	vld [tilespmem:s21+$0xFFFFFF90];
	v19 =	vmov s14  }
0x133: {  	v25 =	vadd.s32 v3, v9;
	[tilespmem:v12+s24+$0x0] =	vst.idx.msk $0xffff, v11;
	v12 =	vmul.f32 $8.000000000e+00, v20;
	v24 =	vld [tilespmem:s20+$0xFFFFFFA0];
	v9 =	vand.u32 $0x7E, v19  }
0x134: {  	[tilespmem:v10+s24+$0x0] =	vst.idx.msk $0xffff, v13;
	v10 =	vmul.f32 $8.000000000e+00, v17;
	v11 =	vld [tilespmem:s16+$0xFFFFFFB0];
	v17 =	vadd.s32 v0, v9  }
0x135: {  	s17 =	simm.s32 $0x9;
	s14 =	simm.s32 $0xA670;
	[tilespmem:v16+s24+$0x0] =	vst.idx.msk $0xffff, v12;
	v20 =	vmul.f32 $8.000000000e+00, v18;
	v12 =	vld [tilespmem:s6+$0xFFFFFFC0];
	v16 =	vadd.s32 v1, v7  }
0x136: {  	v19 =	vld [tilespmem:s14+$0xFFFFFFD0];
	v13 =	vadd.s32 v2, v5;
	v18 =	vmov s17;
	[tilespmem:v21+s24+$0x0] =	vst.idx.msk $0xffff, v10;
	v26 =	vmul.f32 $8.000000000e+00, v22  }
0x137: {  	v14 =	vadd.s32 v3, v14;
	v10 =	vand.u32 $0x7F, v18;
	v18 =	vld [tilespmem:s21+$0xFFFFFFE0];
	v22 =	vmul.f32 $8.000000000e+00, v15;
	[tilespmem:v23+s24+$0x0] =	vst.idx.msk $0xffff, v20  }
0x138: {  	s31 =	simm.s32 $0x8;
	s17 =	simm.s32 $0xA;
	s6 =	simm.s32 $0xA670;
	v20 =	vadd.s32 v0, v10;
	v15 =	vld [tilespmem:s20+$0xFFFFFFF0];
	v21 =	vmul.f32 $8.000000000e+00, v24;
	[tilespmem:v25+s24+$0x0] =	vst.idx.msk $0xffff, v26  }
.LBB2_11:
0x139: {  	p0 =	slt.u32 s17, $0x7E;
	[tilespmem:v17+s24+$0x0] =	vst.idx.msk $0xffff, v22;
	v22 =	vadd.s32 v1, v8;
	v11 =	vmul.f32 $8.000000000e+00, v11;
	v23 =	vld [tilespmem:s16+$0x0]  }
0x13a: {  	v17 =	vmov s31;
	s31 =	smov.u32 s17;
	v24 =	vld [tilespmem:s14+$0xFFFFFF90];
	[tilespmem:v16+s24+$0x0] =	vst.idx.msk $0xffff, v21;
	v21 =	vadd.s32 v2, v6;
	v12 =	vmul.f32 $8.000000000e+00, v12  }
0x13b: {  	v27 =	vadd.s32 v3, v4;
	v4 =	vmovc v6;
	v25 =	vand.u32 $0x7E, v17;
	v16 =	vmul.f32 $8.000000000e+00, v19;
	v26 =	vld [tilespmem:s21+$0xFFFFFFA0];
	[tilespmem:v13+s24+$0x0] =	vst.idx.msk $0xffff, v11  }
.Ltmp4:
0x13c: {  	v6 =	vmovc v8;
	v8 =	vmov v10;
	v17 =	vadd.s32 v0, v25;
	v13 =	vmul.f32 $8.000000000e+00, v18;
	v11 =	vld [tilespmem:s20+$0xFFFFFFB0];
	[tilespmem:v14+s24+$0x0] =	vst.idx.msk $0xffff, v12;
	(pc) =	sbr.rel @p0 .LBB2_11-.Ltmp4, $4  }
0x13d: {  	s12 =	sadd.s32 $0x1, s17;
	s14 =	sadd.s32 $0x80, s14;
	[tilespmem:v20+s24+$0x0] =	vst.idx.msk $0xffff, v16;
	v16 =	vadd.s32 v1, v9;
	v14 =	vmul.f32 $8.000000000e+00, v15;
	v12 =	vld [tilespmem:s16+$0xFFFFFFC0];
	s16 =	smov.u32 s20  }
0x13e: {  	v10 =	vmov s12;
	s20 =	smov.u32 s21;
	s21 =	smov.u32 s6;
	s6 =	smov.u32 s14;
	v19 =	vld [tilespmem:s14+$0xFFFFFFD0];
	[tilespmem:v22+s24+$0x0] =	vst.idx.msk $0xffff, v13;
	v13 =	vadd.s32 v2, v7;
	v23 =	vmul.f32 $8.000000000e+00, v23  }
0x13f: {  	v10 =	vand.u32 $0x7F, v10;
	v22 =	vmul.f32 $8.000000000e+00, v24;
	v18 =	vld [tilespmem:s21+$0xFFFFFFE0];
	[tilespmem:v21+s24+$0x0] =	vst.idx.msk $0xffff, v14;
	v14 =	vadd.s32 v3, v5;
	v5 =	vmovc v7  }
0x140: {  	s17 =	sadd.s32 $0x2, s17;
	v20 =	vadd.s32 v0, v10;
	v7 =	vmovc v9;
	v9 =	vmov v25;
	v21 =	vmul.f32 $8.000000000e+00, v26;
	v15 =	vld [tilespmem:s20+$0xFFFFFFF0];
	[tilespmem:v27+s24+$0x0] =	vst.idx.msk $0xffff, v23  }
0x141: {  	v23 =	vmov s31;
	v24 =	vld [tilespmem:s14+$0xFFFFFF90]  }
0x142: {  	v23 =	vand.u32 $0x7E, v23  }
0x143: {  	v25 =	vadd.s32 v0, v23;
	_ =	sdelay $0x1  }
0x144: {  	v19 =	vmul.f32 $8.000000000e+00, v19  }
0x145: {  	[tilespmem:v17+s24+$0x0] =	vst.idx.msk $0xffff, v22;
	v62 =	vmul.f32 $8.000000000e+00, v24  }
0x146: {  	v22 =	vld [tilespmem:s21+$0xFFFFFFA0];
	[tilespmem:v20+s24+$0x0] =	vst.idx.msk $0xffff, v19  }
0x147: {  	v63 =	vadd.s32 v1, v8;
	v20 =	vld [tilespmem:s6+$0xFFFFFFE0];
	[tilespmem:v25+s24+$0x0] =	vst.idx.msk $0xffff, v62  }
0x148: {  	v28 =	vadd.s32 v1, v9;
	v29 =	vld [tilespmem:s6+$0xFFFFFFA0]  }
0x149: {  	v30 =	vadd.s32 v1, v10  }
0x14a: {  	v26 =	vadd.s32 v1, v23;
	v18 =	vmul.f32 $8.000000000e+00, v18  }
0x14b: {  	[tilespmem:v16+s24+$0x0] =	vst.idx.msk $0xffff, v21;
	v31 =	vmul.f32 $8.000000000e+00, v22  }
0x14c: {  	v32 =	vld [tilespmem:s20+$0xFFFFFFB0];
	[tilespmem:v63+s24+$0x0] =	vst.idx.msk $0xffff, v18;
	v33 =	vmul.f32 $8.000000000e+00, v20  }
0x14d: {  	v34 =	vadd.s32 v2, v6;
	v35 =	vld [tilespmem:s21+$0xFFFFFFF0];
	[tilespmem:v28+s24+$0x0] =	vst.idx.msk $0xffff, v31;
	v36 =	vmul.f32 $8.000000000e+00, v29  }
0x14e: {  	v11 =	vmul.f32 $8.000000000e+00, v11;
	v37 =	vadd.s32 v2, v7;
	v38 =	vld [tilespmem:s21+$0xFFFFFFB0];
	[tilespmem:v30+s24+$0x0] =	vst.idx.msk $0xffff, v33  }
0x14f: {  	v39 =	vadd.s32 v2, v8;
	v12 =	vmul.f32 $8.000000000e+00, v12;
	v40 =	vld [tilespmem:s6+$0xFFFFFFF0];
	[tilespmem:v26+s24+$0x0] =	vst.idx.msk $0xffff, v36  }
0x150: {  	v42 =	vadd.s32 v2, v9;
	[tilespmem:v13+s24+$0x0] =	vst.idx.msk $0xffff, v11;
	v41 =	vmul.f32 $8.000000000e+00, v15;
	v43 =	vld [tilespmem:s6+$0xFFFFFFB0]  }
0x151: {  	v44 =	vld [tilespmem:s16+$0x0];
	v46 =	vadd.s32 v2, v10;
	[tilespmem:v14+s24+$0x0] =	vst.idx.msk $0xffff, v12;
	v45 =	vmul.f32 $8.000000000e+00, v32  }
0x152: {  	v49 =	vadd.s32 v2, v23;
	v47 =	vld [tilespmem:s16+$0xFFFFFFC0];
	[tilespmem:v34+s24+$0x0] =	vst.idx.msk $0xffff, v41;
	v48 =	vmul.f32 $8.000000000e+00, v35  }
0x153: {  	v4 =	vadd.s32 v3, v4;
	[tilespmem:v37+s24+$0x0] =	vst.idx.msk $0xffff, v45;
	v20 =	vld [tilespmem:s20+$0x0];
	v50 =	vmul.f32 $8.000000000e+00, v38  }
0x154: {  	v5 =	vadd.s32 v3, v5;
	v51 =	vld [tilespmem:s20+$0xFFFFFFC0];
	[tilespmem:v39+s24+$0x0] =	vst.idx.msk $0xffff, v48;
	v52 =	vmul.f32 $8.000000000e+00, v40  }
0x155: {  	v53 =	vadd.s32 v3, v6;
	v54 =	vld [tilespmem:s21+$0x0];
	[tilespmem:v42+s24+$0x0] =	vst.idx.msk $0xffff, v50;
	v55 =	vmul.f32 $8.000000000e+00, v43  }
0x156: {  	v57 =	vadd.s32 v3, v7;
	v56 =	vmul.f32 $8.000000000e+00, v44;
	v58 =	vld [tilespmem:s21+$0xFFFFFFC0];
	[tilespmem:v46+s24+$0x0] =	vst.idx.msk $0xffff, v52  }
0x157: {  	v60 =	vadd.s32 v3, v8;
	v59 =	vmul.f32 $8.000000000e+00, v47;
	v14 =	vld [tilespmem:s6+$0x0];
	[tilespmem:v49+s24+$0x0] =	vst.idx.msk $0xffff, v55  }
0x158: {  	v61 =	vadd.s32 v3, v9;
	[tilespmem:v4+s24+$0x0] =	vst.idx.msk $0xffff, v56;
	v4 =	vmul.f32 $8.000000000e+00, v20;
	v12 =	vld [tilespmem:s6+$0xFFFFFFC0]  }
0x159: {  	v62 =	vadd.s32 v3, v10;
	[tilespmem:v5+s24+$0x0] =	vst.idx.msk $0xffff, v59;
	v5 =	vmul.f32 $8.000000000e+00, v51  }
0x15a: {  	v63 =	vadd.s32 v3, v23;
	[tilespmem:v53+s24+$0x0] =	vst.idx.msk $0xffff, v4;
	v4 =	vmul.f32 $8.000000000e+00, v54  }
0x15b: {  	[tilespmem:v57+s24+$0x0] =	vst.idx.msk $0xffff, v5;
	v5 =	vmul.f32 $8.000000000e+00, v58  }
0x15c: {  	[tilespmem:v60+s24+$0x0] =	vst.idx.msk $0xffff, v4;
	v4 =	vmul.f32 $8.000000000e+00, v14  }
0x15d: {  	s21 =	sadd.s32 s7, s1;
	[tilespmem:v61+s24+$0x0] =	vst.idx.msk $0xffff, v5;
	v5 =	vmul.f32 $8.000000000e+00, v12  }
0x15e: {  	s6 =	sshrl.u32 s21, $0x3;
	[tilespmem:v62+s24+$0x0] =	vst.idx.msk $0xffff, v4  }
0x15f: {  	s31 =	simm.s32 $0x12400;
	s12 =	sadd.s32 s2, s6;
	[tilespmem:v63+s24+$0x0] =	vst.idx.msk $0xffff, v5  }
0x160: {  	[hbm4b:s12+s3] =	stream.linear.scatter [tilespmem:s31], [sflag:$0x4], $0x80, $0x38;
	[tilespmem:$0x16800] =	vst v63  }
0x161: {  	s14 =	simm.s32 $0x12488;
	s16 =	sadd.s32 $0x10, s12  }
0x162: {  	[hbm4b:s16+s3] =	stream.linear.scatter [tilespmem:s14], [sflag:$0x4], $0x80, $0x38;
	[tilespmem:$0x16800] =	vst v63  }
0x163: {  	s17 =	simm.s32 $0x12510;
	s21 =	simm.s32 $0x12598;
	s20 =	sadd.s32 $0x20, s12  }
0x164: {  	[hbm4b:s20+s3] =	stream.linear.scatter [tilespmem:s17], [sflag:$0x4], $0x80, $0x38;
	[tilespmem:$0x16800] =	vst v63  }
0x165: {  	s6 =	simm.s32 $0x440;
	s31 =	sadd.s32 $0x30, s12;
	s14 =	simm.s32 $0x12620  }
0x166: {  	[hbm4b:s31+s3] =	stream.linear.scatter [tilespmem:s21], [sflag:$0x4], $0x80, $0x38;
	[tilespmem:$0x16800] =	vst v63  }
0x167: {  	s16 =	sadd.s32 $0x40, s12;
	s17 =	simm.s32 $0x126A8;
	s20 =	sadd.s32 $0x50, s12  }
0x168: {  	[hbm4b:s16+s3] =	stream.linear.scatter [tilespmem:s14], [sflag:$0x4], $0x80, $0x38;
	[tilespmem:$0x16800] =	vst v63  }
0x169: {  	s21 =	simm.s32 $0x12730;
	s31 =	sadd.s32 $0x60, s12;
	s16 =	simm.s32 $0x2200  }
0x16a: {  	[hbm4b:s20+s3] =	stream.linear.scatter [tilespmem:s17], [sflag:$0x4], $0x80, $0x38;
	[tilespmem:$0x16800] =	vst v63  }
0x16b: {  	s14 =	sadd.s32 $0x1000, s12;
	s17 =	simm.s32 $0x127B8;
	s20 =	sadd.s32 $0x70, s12  }
0x16c: {  	[hbm4b:s31+s3] =	stream.linear.scatter [tilespmem:s21], [sflag:$0x4], $0x80, $0x38;
	[tilespmem:$0x16800] =	vst v63  }
.LBB2_13:
0x16d: {  	[hbm4b:s20+s3] =	stream.linear.scatter [tilespmem:s17], [sflag:$0x4], $0x80, $0x38;
	[tilespmem:$0x16800] =	vst v63  }
0x16e: {  	s12 =	smov.u32 s6;
	s6 =	smov.u32 s16  }
0x16f: {  	s21 =	sadd.s32 $0x1100, s16;
	s6 =	sshra.s32 s6, $0x2;
	s17 =	sadd.s32 $0x12400, s12  }
0x170: {  	[hbm4b:s14+s3] =	stream.linear.scatter [tilespmem:s17], [sflag:$0x4], $0x80, $0x38;
	[tilespmem:$0x16800] =	vst v63  }
0x171: {  	p0 =	sne.s32 s16, $0x7700;
	s16 =	sadd.s32 $0x12488, s12;
	s17 =	sadd.s32 $0x10, s14  }
0x172: {  	[hbm4b:s17+s3] =	stream.linear.scatter [tilespmem:s16], [sflag:$0x4], $0x80, $0x38;
	[tilespmem:$0x16800] =	vst v63  }
0x173: {  	s16 =	sadd.s32 $0x12510, s12;
	s17 =	sadd.s32 $0x20, s14  }
0x174: {  	[hbm4b:s17+s3] =	stream.linear.scatter [tilespmem:s16], [sflag:$0x4], $0x80, $0x38;
	[tilespmem:$0x16800] =	vst v63  }
0x175: {  	s16 =	sadd.s32 $0x12598, s12;
	s17 =	sadd.s32 $0x30, s14  }
0x176: {  	[hbm4b:s17+s3] =	stream.linear.scatter [tilespmem:s16], [sflag:$0x4], $0x80, $0x38;
	[tilespmem:$0x16800] =	vst v63  }
0x177: {  	s16 =	sadd.s32 $0x12620, s12;
	s17 =	sadd.s32 $0x40, s14  }
0x178: {  	[hbm4b:s17+s3] =	stream.linear.scatter [tilespmem:s16], [sflag:$0x4], $0x80, $0x38;
	[tilespmem:$0x16800] =	vst v63  }
.Ltmp5:
0x179: {  	s16 =	sadd.s32 $0x126A8, s12;
	s17 =	sadd.s32 $0x50, s14;
	(pc) =	sbr.rel @p0 .LBB2_13-.Ltmp5, $4  }
0x17a: {  	[hbm4b:s17+s3] =	stream.linear.scatter [tilespmem:s16], [sflag:$0x4], $0x80, $0x38;
	[tilespmem:$0x16800] =	vst v63  }
0x17b: {  	s20 =	sadd.s32 $0x70, s14;
	s16 =	sadd.s32 $0x12730, s12;
	s17 =	sadd.s32 $0x60, s14  }
0x17c: {  	[hbm4b:s17+s3] =	stream.linear.scatter [tilespmem:s16], [sflag:$0x4], $0x80, $0x38;
	[tilespmem:$0x16800] =	vst v63  }
0x17d: {  	s14 =	sadd.s32 $0x1000, s14;
	s17 =	sadd.s32 $0x127B8, s12;
	s16 =	smov.u32 s21  }
0x17e: {  	[hbm4b:s20+s3] =	stream.linear.scatter [tilespmem:s17], [sflag:$0x4], $0x80, $0x38;
	[tilespmem:$0x16800] =	vst v63  }
0x17f: {  	s12 =	sadd.s32 $0x12400, s6  }
0x180: {  	[hbm4b:s14+s3] =	stream.linear.scatter [tilespmem:s12], [sflag:$0x4], $0x80, $0x38;
	[tilespmem:$0x16800] =	vst v63  }
0x181: {  	s21 =	sadd.s32 $0x12488, s6;
	s16 =	sadd.s32 $0x10, s14  }
0x182: {  	[hbm4b:s16+s3] =	stream.linear.scatter [tilespmem:s21], [sflag:$0x4], $0x80, $0x38;
	[tilespmem:$0x16800] =	vst v63  }
0x183: {  	s17 =	sadd.s32 $0x20, s14;
	s16 =	sadd.s32 $0x12510, s6  }
0x184: {  	[hbm4b:s17+s3] =	stream.linear.scatter [tilespmem:s16], [sflag:$0x4], $0x80, $0x38;
	[tilespmem:$0x16800] =	vst v63  }
0x185: {  	s20 =	sadd.s32 $0x12598, s6;
	s21 =	sadd.s32 $0x30, s14  }
0x186: {  	[hbm4b:s21+s3] =	stream.linear.scatter [tilespmem:s20], [sflag:$0x4], $0x80, $0x38;
	[tilespmem:$0x16800] =	vst v63  }
0x187: {  	s16 =	sadd.s32 $0x12620, s6;
	s17 =	sadd.s32 $0x40, s14  }
0x188: {  	[hbm4b:s17+s3] =	stream.linear.scatter [tilespmem:s16], [sflag:$0x4], $0x80, $0x38;
	[tilespmem:$0x16800] =	vst v63  }
0x189: {  	s20 =	sadd.s32 $0x126A8, s6;
	s21 =	sadd.s32 $0x50, s14  }
0x18a: {  	[hbm4b:s21+s3] =	stream.linear.scatter [tilespmem:s20], [sflag:$0x4], $0x80, $0x38;
	[tilespmem:$0x16800] =	vst v63  }
0x18b: {  	s16 =	sadd.s32 $0x12730, s6;
	s17 =	sadd.s32 $0x60, s14  }
0x18c: {  	[hbm4b:s17+s3] =	stream.linear.scatter [tilespmem:s16], [sflag:$0x4], $0x80, $0x38;
	[tilespmem:$0x16800] =	vst v63  }
0x18d: {  	s20 =	sadd.s32 $0x127B8, s6;
	s21 =	sadd.s32 $0x70, s14  }
0x18e: {  	[hbm4b:s21+s3] =	stream.linear.scatter [tilespmem:s20], [sflag:$0x4], $0x80, $0x38;
	[tilespmem:$0x16800] =	vst v63  }
0x18f: {  	_ =	swait.ge [sflag:s29], $0x2000  }
0x190: {  	[sflag:s29] =	ssyncset.done $0x0  }
0x191: {  	s6 =	simm.s32 $0xC400;
	s14 =	simm.s32 $0x1;
	[sflag:s29] =	ssyncadd.s32 $0xFFFFE000  }
0x192: {  	v4 =	vmov s14;
	v5 =	vld [tilespmem:s6+$0x40]  }
0x193: {  	v9 =	vand.u32 $0x7F, v4  }
0x194: {  	v4 =	vadd.s32 v0, v9  }
0x195: {  	s16 =	simm.s32 $0x0  }
0x196: {  	v6 =	vmov s16;
	v7 =	vld [tilespmem:s6+$0x0]  }
0x197: {  	v14 =	vand.u32 $0x7E, v6;
	v5 =	vmul.f32 $8.000000000e+00, v5  }
0x198: {  	s17 =	simm.s32 $0x3;
	s16 =	simm.s32 $0xC480;
	v6 =	vadd.s32 v0, v14  }
0x199: {  	v8 =	vld [tilespmem:s16+$0x40];
	[tilespmem:v4+s25+$0x0] =	vst.idx.msk $0xffff, v5;
	v4 =	vmov s17  }
0x19a: {  	v4 =	vand.u32 $0x7F, v4;
	v10 =	vld [tilespmem:s6+$0x50]  }
0x19b: {  	v5 =	vmul.f32 $8.000000000e+00, v7;
	v7 =	vadd.s32 v0, v4  }
0x19c: {  	v11 =	vadd.s32 v1, v9;
	s20 =	simm.s32 $0x2  }
0x19d: {  	v12 =	vld [tilespmem:s16+$0x0];
	[tilespmem:v6+s25+$0x0] =	vst.idx.msk $0xffff, v5;
	v5 =	vmov s20  }
0x19e: {  	v6 =	vmul.f32 $8.000000000e+00, v8;
	v5 =	vand.u32 $0x7E, v5;
	v8 =	vld [tilespmem:s6+$0x10]  }
0x19f: {  	s21 =	simm.s32 $0x5;
	s20 =	simm.s32 $0xC500;
	v13 =	vadd.s32 v0, v5;
	v10 =	vmul.f32 $8.000000000e+00, v10  }
0x1a0: {  	v15 =	vld [tilespmem:s20+$0x40];
	[tilespmem:v7+s25+$0x0] =	vst.idx.msk $0xffff, v6;
	v7 =	vadd.s32 v1, v14;
	v6 =	vmov s21  }
0x1a1: {  	[tilespmem:v11+s25+$0x0] =	vst.idx.msk $0xffff, v10;
	v6 =	vand.u32 $0x7F, v6;
	v10 =	vld [tilespmem:s16+$0x50]  }
0x1a2: {  	v11 =	vmul.f32 $8.000000000e+00, v12;
	v12 =	vadd.s32 v0, v6;
	v16 =	vld [tilespmem:s6+$0x60]  }
0x1a3: {  	s14 =	simm.s32 $0x4;
	v17 =	vadd.s32 v1, v4;
	v8 =	vmul.f32 $8.000000000e+00, v8  }
0x1a4: {  	v18 =	vadd.s32 v2, v9;
	[tilespmem:v13+s25+$0x0] =	vst.idx.msk $0xffff, v11;
	v11 =	vmov s14;
	v13 =	vld [tilespmem:s20+$0x0]  }
0x1a5: {  	[tilespmem:v7+s25+$0x0] =	vst.idx.msk $0xffff, v8;
	v7 =	vand.u32 $0x7E, v11;
	v8 =	vmul.f32 $8.000000000e+00, v15;
	v11 =	vld [tilespmem:s16+$0x10]  }
0x1a6: {  	s17 =	simm.s32 $0x7;
	s21 =	simm.s32 $0xC580;
	v15 =	vadd.s32 v0, v7;
	v10 =	vmul.f32 $8.000000000e+00, v10;
	v19 =	vld [tilespmem:s6+$0x20]  }
0x1a7: {  	v20 =	vld [tilespmem:s21+$0x40];
	[tilespmem:v12+s25+$0x0] =	vst.idx.msk $0xffff, v8;
	v12 =	vadd.s32 v1, v5;
	v16 =	vmul.f32 $8.000000000e+00, v16;
	v8 =	vmov s17  }
0x1a8: {  	[tilespmem:v17+s25+$0x0] =	vst.idx.msk $0xffff, v10;
	v10 =	vadd.s32 v2, v14;
	v8 =	vand.u32 $0x7F, v8;
	v17 =	vld [tilespmem:s20+$0x50]  }
0x1a9: {  	v13 =	vmul.f32 $8.000000000e+00, v13;
	[tilespmem:v18+s25+$0x0] =	vst.idx.msk $0xffff, v16;
	v16 =	vadd.s32 v0, v8;
	v18 =	vld [tilespmem:s16+$0x60]  }
0x1aa: {  	v21 =	vadd.s32 v1, v6;
	s14 =	simm.s32 $0x6;
	v11 =	vmul.f32 $8.000000000e+00, v11;
	v22 =	vld [tilespmem:s6+$0x70]  }
0x1ab: {  	v23 =	vadd.s32 v2, v4;
	[tilespmem:v15+s25+$0x0] =	vst.idx.msk $0xffff, v13;
	v13 =	vmul.f32 $8.000000000e+00, v19;
	v15 =	vld [tilespmem:s21+$0x0];
	v19 =	vmov s14  }
0x1ac: {  	v25 =	vadd.s32 v3, v9;
	[tilespmem:v12+s25+$0x0] =	vst.idx.msk $0xffff, v11;
	v12 =	vmul.f32 $8.000000000e+00, v20;
	v24 =	vld [tilespmem:s20+$0x10];
	v9 =	vand.u32 $0x7E, v19  }
0x1ad: {  	[tilespmem:v10+s25+$0x0] =	vst.idx.msk $0xffff, v13;
	v10 =	vmul.f32 $8.000000000e+00, v17;
	v11 =	vld [tilespmem:s16+$0x20];
	v17 =	vadd.s32 v0, v9  }
0x1ae: {  	s17 =	simm.s32 $0x9;
	s14 =	simm.s32 $0xC600;
	[tilespmem:v16+s25+$0x0] =	vst.idx.msk $0xffff, v12;
	v20 =	vmul.f32 $8.000000000e+00, v18;
	v12 =	vld [tilespmem:s6+$0x30];
	v16 =	vadd.s32 v1, v7  }
0x1af: {  	v19 =	vld [tilespmem:s14+$0x40];
	v13 =	vadd.s32 v2, v5;
	v18 =	vmov s17;
	[tilespmem:v21+s25+$0x0] =	vst.idx.msk $0xffff, v10;
	v26 =	vmul.f32 $8.000000000e+00, v22  }
0x1b0: {  	v14 =	vadd.s32 v3, v14;
	v10 =	vand.u32 $0x7F, v18;
	v18 =	vld [tilespmem:s21+$0x50];
	v22 =	vmul.f32 $8.000000000e+00, v15;
	[tilespmem:v23+s25+$0x0] =	vst.idx.msk $0xffff, v20  }
0x1b1: {  	s31 =	simm.s32 $0x8;
	s17 =	simm.s32 $0xA;
	s6 =	simm.s32 $0xC600;
	v20 =	vadd.s32 v0, v10;
	v15 =	vld [tilespmem:s20+$0x60];
	v21 =	vmul.f32 $8.000000000e+00, v24;
	[tilespmem:v25+s25+$0x0] =	vst.idx.msk $0xffff, v26  }
.LBB2_15:
0x1b2: {  	p0 =	slt.u32 s17, $0x7E;
	[tilespmem:v17+s25+$0x0] =	vst.idx.msk $0xffff, v22;
	v22 =	vadd.s32 v1, v8;
	v11 =	vmul.f32 $8.000000000e+00, v11;
	v23 =	vld [tilespmem:s16+$0x70]  }
0x1b3: {  	v17 =	vmov s31;
	s31 =	smov.u32 s17;
	v24 =	vld [tilespmem:s14+$0x0];
	[tilespmem:v16+s25+$0x0] =	vst.idx.msk $0xffff, v21;
	v21 =	vadd.s32 v2, v6;
	v12 =	vmul.f32 $8.000000000e+00, v12  }
0x1b4: {  	v27 =	vadd.s32 v3, v4;
	v4 =	vmovc v6;
	v25 =	vand.u32 $0x7E, v17;
	v16 =	vmul.f32 $8.000000000e+00, v19;
	v26 =	vld [tilespmem:s21+$0x10];
	[tilespmem:v13+s25+$0x0] =	vst.idx.msk $0xffff, v11  }
.Ltmp6:
0x1b5: {  	v6 =	vmovc v8;
	v8 =	vmov v10;
	v17 =	vadd.s32 v0, v25;
	v13 =	vmul.f32 $8.000000000e+00, v18;
	v11 =	vld [tilespmem:s20+$0x20];
	[tilespmem:v14+s25+$0x0] =	vst.idx.msk $0xffff, v12;
	(pc) =	sbr.rel @p0 .LBB2_15-.Ltmp6, $4  }
0x1b6: {  	s12 =	sadd.s32 $0x1, s17;
	s14 =	sadd.s32 $0x80, s14;
	[tilespmem:v20+s25+$0x0] =	vst.idx.msk $0xffff, v16;
	v16 =	vadd.s32 v1, v9;
	v14 =	vmul.f32 $8.000000000e+00, v15;
	v12 =	vld [tilespmem:s16+$0x30];
	s16 =	smov.u32 s20  }
0x1b7: {  	v10 =	vmov s12;
	s20 =	smov.u32 s21;
	s21 =	smov.u32 s6;
	s6 =	smov.u32 s14;
	v19 =	vld [tilespmem:s14+$0x40];
	[tilespmem:v22+s25+$0x0] =	vst.idx.msk $0xffff, v13;
	v13 =	vadd.s32 v2, v7;
	v23 =	vmul.f32 $8.000000000e+00, v23  }
0x1b8: {  	v10 =	vand.u32 $0x7F, v10;
	v22 =	vmul.f32 $8.000000000e+00, v24;
	v18 =	vld [tilespmem:s21+$0x50];
	[tilespmem:v21+s25+$0x0] =	vst.idx.msk $0xffff, v14;
	v14 =	vadd.s32 v3, v5;
	v5 =	vmovc v7  }
0x1b9: {  	s17 =	sadd.s32 $0x2, s17;
	v20 =	vadd.s32 v0, v10;
	v7 =	vmovc v9;
	v9 =	vmov v25;
	v21 =	vmul.f32 $8.000000000e+00, v26;
	v15 =	vld [tilespmem:s20+$0x60];
	[tilespmem:v27+s25+$0x0] =	vst.idx.msk $0xffff, v23  }
0x1ba: {  	v23 =	vmov s31;
	v24 =	vld [tilespmem:s14+$0x0]  }
0x1bb: {  	v23 =	vand.u32 $0x7E, v23  }
0x1bc: {  	v25 =	vadd.s32 v0, v23;
	_ =	sdelay $0x1  }
0x1bd: {  	v19 =	vmul.f32 $8.000000000e+00, v19  }
0x1be: {  	[tilespmem:v17+s25+$0x0] =	vst.idx.msk $0xffff, v22;
	v62 =	vmul.f32 $8.000000000e+00, v24  }
0x1bf: {  	v22 =	vld [tilespmem:s21+$0x10];
	[tilespmem:v20+s25+$0x0] =	vst.idx.msk $0xffff, v19  }
0x1c0: {  	v63 =	vadd.s32 v1, v8;
	v20 =	vld [tilespmem:s6+$0x50];
	[tilespmem:v25+s25+$0x0] =	vst.idx.msk $0xffff, v62  }
0x1c1: {  	v28 =	vadd.s32 v1, v9;
	v29 =	vld [tilespmem:s6+$0x10]  }
0x1c2: {  	v30 =	vadd.s32 v1, v10  }
0x1c3: {  	v26 =	vadd.s32 v1, v23;
	v18 =	vmul.f32 $8.000000000e+00, v18  }
0x1c4: {  	[tilespmem:v16+s25+$0x0] =	vst.idx.msk $0xffff, v21;
	v31 =	vmul.f32 $8.000000000e+00, v22  }
0x1c5: {  	v32 =	vld [tilespmem:s20+$0x20];
	[tilespmem:v63+s25+$0x0] =	vst.idx.msk $0xffff, v18;
	v33 =	vmul.f32 $8.000000000e+00, v20  }
0x1c6: {  	v34 =	vadd.s32 v2, v6;
	v35 =	vld [tilespmem:s21+$0x60];
	[tilespmem:v28+s25+$0x0] =	vst.idx.msk $0xffff, v31;
	v36 =	vmul.f32 $8.000000000e+00, v29  }
0x1c7: {  	v11 =	vmul.f32 $8.000000000e+00, v11;
	v37 =	vadd.s32 v2, v7;
	v38 =	vld [tilespmem:s21+$0x20];
	[tilespmem:v30+s25+$0x0] =	vst.idx.msk $0xffff, v33  }
0x1c8: {  	v39 =	vadd.s32 v2, v8;
	v12 =	vmul.f32 $8.000000000e+00, v12;
	v40 =	vld [tilespmem:s6+$0x60];
	[tilespmem:v26+s25+$0x0] =	vst.idx.msk $0xffff, v36  }
0x1c9: {  	v42 =	vadd.s32 v2, v9;
	[tilespmem:v13+s25+$0x0] =	vst.idx.msk $0xffff, v11;
	v41 =	vmul.f32 $8.000000000e+00, v15;
	v43 =	vld [tilespmem:s6+$0x20]  }
0x1ca: {  	v44 =	vld [tilespmem:s16+$0x70];
	v46 =	vadd.s32 v2, v10;
	[tilespmem:v14+s25+$0x0] =	vst.idx.msk $0xffff, v12;
	v45 =	vmul.f32 $8.000000000e+00, v32  }
0x1cb: {  	v49 =	vadd.s32 v2, v23;
	v47 =	vld [tilespmem:s16+$0x30];
	[tilespmem:v34+s25+$0x0] =	vst.idx.msk $0xffff, v41;
	v48 =	vmul.f32 $8.000000000e+00, v35  }
0x1cc: {  	v4 =	vadd.s32 v3, v4;
	[tilespmem:v37+s25+$0x0] =	vst.idx.msk $0xffff, v45;
	v20 =	vld [tilespmem:s20+$0x70];
	v50 =	vmul.f32 $8.000000000e+00, v38  }
0x1cd: {  	v5 =	vadd.s32 v3, v5;
	v51 =	vld [tilespmem:s20+$0x30];
	[tilespmem:v39+s25+$0x0] =	vst.idx.msk $0xffff, v48;
	v52 =	vmul.f32 $8.000000000e+00, v40  }
0x1ce: {  	v53 =	vadd.s32 v3, v6;
	v54 =	vld [tilespmem:s21+$0x70];
	[tilespmem:v42+s25+$0x0] =	vst.idx.msk $0xffff, v50;
	v55 =	vmul.f32 $8.000000000e+00, v43  }
0x1cf: {  	v57 =	vadd.s32 v3, v7;
	v56 =	vmul.f32 $8.000000000e+00, v44;
	v58 =	vld [tilespmem:s21+$0x30];
	[tilespmem:v46+s25+$0x0] =	vst.idx.msk $0xffff, v52  }
0x1d0: {  	v60 =	vadd.s32 v3, v8;
	v59 =	vmul.f32 $8.000000000e+00, v47;
	v14 =	vld [tilespmem:s6+$0x70];
	[tilespmem:v49+s25+$0x0] =	vst.idx.msk $0xffff, v55  }
0x1d1: {  	v61 =	vadd.s32 v3, v9;
	[tilespmem:v4+s25+$0x0] =	vst.idx.msk $0xffff, v56;
	v4 =	vmul.f32 $8.000000000e+00, v20;
	v12 =	vld [tilespmem:s6+$0x30]  }
0x1d2: {  	v62 =	vadd.s32 v3, v10;
	[tilespmem:v5+s25+$0x0] =	vst.idx.msk $0xffff, v59;
	v5 =	vmul.f32 $8.000000000e+00, v51  }
0x1d3: {  	v63 =	vadd.s32 v3, v23;
	[tilespmem:v53+s25+$0x0] =	vst.idx.msk $0xffff, v4;
	v4 =	vmul.f32 $8.000000000e+00, v54  }
0x1d4: {  	[tilespmem:v57+s25+$0x0] =	vst.idx.msk $0xffff, v5;
	v5 =	vmul.f32 $8.000000000e+00, v58  }
0x1d5: {  	[tilespmem:v60+s25+$0x0] =	vst.idx.msk $0xffff, v4;
	v4 =	vmul.f32 $8.000000000e+00, v14  }
0x1d6: {  	s21 =	sadd.s32 s8, s1;
	[tilespmem:v61+s25+$0x0] =	vst.idx.msk $0xffff, v5;
	v5 =	vmul.f32 $8.000000000e+00, v12  }
0x1d7: {  	s6 =	sshrl.u32 s21, $0x3;
	[tilespmem:v62+s25+$0x0] =	vst.idx.msk $0xffff, v4  }
0x1d8: {  	s31 =	simm.s32 $0x14600;
	s12 =	sadd.s32 s2, s6;
	[tilespmem:v63+s25+$0x0] =	vst.idx.msk $0xffff, v5  }
0x1d9: {  	[hbm4b:s12+s3] =	stream.linear.scatter [tilespmem:s31], [sflag:$0x5], $0x80, $0x38;
	[tilespmem:$0x16800] =	vst v63  }
0x1da: {  	s14 =	simm.s32 $0x14688;
	s16 =	sadd.s32 $0x10, s12  }
0x1db: {  	[hbm4b:s16+s3] =	stream.linear.scatter [tilespmem:s14], [sflag:$0x5], $0x80, $0x38;
	[tilespmem:$0x16800] =	vst v63  }
0x1dc: {  	s17 =	simm.s32 $0x14710;
	s21 =	simm.s32 $0x14798;
	s20 =	sadd.s32 $0x20, s12  }
0x1dd: {  	[hbm4b:s20+s3] =	stream.linear.scatter [tilespmem:s17], [sflag:$0x5], $0x80, $0x38;
	[tilespmem:$0x16800] =	vst v63  }
0x1de: {  	s6 =	simm.s32 $0x440;
	s31 =	sadd.s32 $0x30, s12;
	s14 =	simm.s32 $0x14820  }
0x1df: {  	[hbm4b:s31+s3] =	stream.linear.scatter [tilespmem:s21], [sflag:$0x5], $0x80, $0x38;
	[tilespmem:$0x16800] =	vst v63  }
0x1e0: {  	s16 =	sadd.s32 $0x40, s12;
	s17 =	simm.s32 $0x148A8;
	s20 =	sadd.s32 $0x50, s12  }
0x1e1: {  	[hbm4b:s16+s3] =	stream.linear.scatter [tilespmem:s14], [sflag:$0x5], $0x80, $0x38;
	[tilespmem:$0x16800] =	vst v63  }
0x1e2: {  	s21 =	simm.s32 $0x14930;
	s31 =	sadd.s32 $0x60, s12;
	s16 =	simm.s32 $0x2200  }
0x1e3: {  	[hbm4b:s20+s3] =	stream.linear.scatter [tilespmem:s17], [sflag:$0x5], $0x80, $0x38;
	[tilespmem:$0x16800] =	vst v63  }
0x1e4: {  	s14 =	sadd.s32 $0x1000, s12;
	s17 =	simm.s32 $0x149B8;
	s20 =	sadd.s32 $0x70, s12  }
0x1e5: {  	[hbm4b:s31+s3] =	stream.linear.scatter [tilespmem:s21], [sflag:$0x5], $0x80, $0x38;
	[tilespmem:$0x16800] =	vst v63  }
.LBB2_17:
0x1e6: {  	[hbm4b:s20+s3] =	stream.linear.scatter [tilespmem:s17], [sflag:$0x5], $0x80, $0x38;
	[tilespmem:$0x16800] =	vst v63  }
0x1e7: {  	s12 =	smov.u32 s6;
	s6 =	smov.u32 s16  }
0x1e8: {  	s21 =	sadd.s32 $0x1100, s16;
	s6 =	sshra.s32 s6, $0x2;
	s17 =	sadd.s32 $0x14600, s12  }
0x1e9: {  	[hbm4b:s14+s3] =	stream.linear.scatter [tilespmem:s17], [sflag:$0x5], $0x80, $0x38;
	[tilespmem:$0x16800] =	vst v63  }
0x1ea: {  	p0 =	sne.s32 s16, $0x7700;
	s16 =	sadd.s32 $0x14688, s12;
	s17 =	sadd.s32 $0x10, s14  }
0x1eb: {  	[hbm4b:s17+s3] =	stream.linear.scatter [tilespmem:s16], [sflag:$0x5], $0x80, $0x38;
	[tilespmem:$0x16800] =	vst v63  }
0x1ec: {  	s16 =	sadd.s32 $0x14710, s12;
	s17 =	sadd.s32 $0x20, s14  }
0x1ed: {  	[hbm4b:s17+s3] =	stream.linear.scatter [tilespmem:s16], [sflag:$0x5], $0x80, $0x38;
	[tilespmem:$0x16800] =	vst v63  }
0x1ee: {  	s16 =	sadd.s32 $0x14798, s12;
	s17 =	sadd.s32 $0x30, s14  }
0x1ef: {  	[hbm4b:s17+s3] =	stream.linear.scatter [tilespmem:s16], [sflag:$0x5], $0x80, $0x38;
	[tilespmem:$0x16800] =	vst v63  }
0x1f0: {  	s16 =	sadd.s32 $0x14820, s12;
	s17 =	sadd.s32 $0x40, s14  }
0x1f1: {  	[hbm4b:s17+s3] =	stream.linear.scatter [tilespmem:s16], [sflag:$0x5], $0x80, $0x38;
	[tilespmem:$0x16800] =	vst v63  }
.Ltmp7:
0x1f2: {  	s16 =	sadd.s32 $0x148A8, s12;
	s17 =	sadd.s32 $0x50, s14;
	(pc) =	sbr.rel @p0 .LBB2_17-.Ltmp7, $4  }
0x1f3: {  	[hbm4b:s17+s3] =	stream.linear.scatter [tilespmem:s16], [sflag:$0x5], $0x80, $0x38;
	[tilespmem:$0x16800] =	vst v63  }
0x1f4: {  	s20 =	sadd.s32 $0x70, s14;
	s16 =	sadd.s32 $0x14930, s12;
	s17 =	sadd.s32 $0x60, s14  }
0x1f5: {  	[hbm4b:s17+s3] =	stream.linear.scatter [tilespmem:s16], [sflag:$0x5], $0x80, $0x38;
	[tilespmem:$0x16800] =	vst v63  }
0x1f6: {  	s14 =	sadd.s32 $0x1000, s14;
	s17 =	sadd.s32 $0x149B8, s12;
	s16 =	smov.u32 s21  }
0x1f7: {  	[hbm4b:s20+s3] =	stream.linear.scatter [tilespmem:s17], [sflag:$0x5], $0x80, $0x38;
	[tilespmem:$0x16800] =	vst v63  }
0x1f8: {  	s12 =	sadd.s32 $0x14600, s6  }
0x1f9: {  	[hbm4b:s14+s3] =	stream.linear.scatter [tilespmem:s12], [sflag:$0x5], $0x80, $0x38;
	[tilespmem:$0x16800] =	vst v63  }
0x1fa: {  	s21 =	sadd.s32 $0x14688, s6;
	s16 =	sadd.s32 $0x10, s14  }
0x1fb: {  	[hbm4b:s16+s3] =	stream.linear.scatter [tilespmem:s21], [sflag:$0x5], $0x80, $0x38;
	[tilespmem:$0x16800] =	vst v63  }
0x1fc: {  	s17 =	sadd.s32 $0x20, s14;
	s16 =	sadd.s32 $0x14710, s6  }
0x1fd: {  	[hbm4b:s17+s3] =	stream.linear.scatter [tilespmem:s16], [sflag:$0x5], $0x80, $0x38;
	[tilespmem:$0x16800] =	vst v63  }
0x1fe: {  	s20 =	sadd.s32 $0x14798, s6;
	s21 =	sadd.s32 $0x30, s14  }
0x1ff: {  	[hbm4b:s21+s3] =	stream.linear.scatter [tilespmem:s20], [sflag:$0x5], $0x80, $0x38;
	[tilespmem:$0x16800] =	vst v63  }
0x200: {  	s16 =	sadd.s32 $0x14820, s6;
	s17 =	sadd.s32 $0x40, s14  }
0x201: {  	[hbm4b:s17+s3] =	stream.linear.scatter [tilespmem:s16], [sflag:$0x5], $0x80, $0x38;
	[tilespmem:$0x16800] =	vst v63  }
0x202: {  	p0 =	seq.s32 s0, $0x20;
	s20 =	sadd.s32 $0x148A8, s6;
	s21 =	sadd.s32 $0x50, s14  }
0x203: {  	[hbm4b:s21+s3] =	stream.linear.scatter [tilespmem:s20], [sflag:$0x5], $0x80, $0x38;
	[tilespmem:$0x16800] =	vst v63  }
0x204: {  	s16 =	sadd.s32 $0x14930, s6;
	s20 =	sadd.s32 $0x149B8, s6;
	s6 =	sadd.s32 @!p0 $0x1000, s15  }
0x205: {  	s12 =	sand.u32 @!p0 $0xC00, s15;
	s17 =	sadd.s32 $0x60, s14;
	s6 =	sand.u32 @!p0 $0x7F000, s6  }
0x206: {  	[hbm4b:s17+s3] =	stream.linear.scatter [tilespmem:s16], [sflag:$0x5], $0x80, $0x38;
	[tilespmem:$0x16800] =	vst v63  }
0x207: {  	s21 =	sadd.s32 $0x70, s14;
	s6 =	sor.u32 @!p0 s12, s6  }
0x208: {  	[hbm4b:s21+s3] =	stream.linear.scatter [tilespmem:s20], [sflag:$0x5], $0x80, $0x38;
	[tilespmem:$0x16800] =	vst v63  }
0x209: {  	s14 =	simm.s32 @!p0 $0xA400;
	s12 =	simm.s32 @!p0 $0x100;
	s6 =	sshrl.u32 @!p0 s6, $0x2  }
0x20a: {  	[tilespmem:s14], [sflag:$0x2] =	stream.indirect.gather @!p0 [hbm4b:s5+s12], $0x40, s6, s12, $0xb8;
	[tilespmem:$0x16800] =	vst v63  }
0x20b: {  	_ =	swait.ge [sflag:s30], $0x4000  }
0x20c: {  	[sflag:s30] =	ssyncset.done $0x0  }
0x20d: {  	[sflag:s30] =	ssyncadd.s32 $0xFFFFC000  }
0x20e: {  	_ =	swait.ge [sflag:s28], $0x2000  }
0x20f: {  	[sflag:s28] =	ssyncset.done $0x0  }
0x210: {  	s6 =	simm.s32 $0xE470;
	s14 =	simm.s32 $0x1;
	[sflag:s28] =	ssyncadd.s32 $0xFFFFE000  }
0x211: {  	v4 =	vmov s14;
	v5 =	vld [tilespmem:s6+$0xFFFFFFD0]  }
0x212: {  	v9 =	vand.u32 $0x7F, v4  }
0x213: {  	v4 =	vadd.s32 v0, v9  }
0x214: {  	s16 =	simm.s32 $0x0  }
0x215: {  	v6 =	vmov s16;
	v7 =	vld [tilespmem:s6+$0xFFFFFF90]  }
0x216: {  	v14 =	vand.u32 $0x7E, v6;
	v5 =	vmul.f32 $8.000000000e+00, v5  }
0x217: {  	s17 =	simm.s32 $0x3;
	s16 =	simm.s32 $0xE4F0;
	v6 =	vadd.s32 v0, v14  }
0x218: {  	v8 =	vld [tilespmem:s16+$0xFFFFFFD0];
	[tilespmem:v4+s24+$0x0] =	vst.idx.msk $0xffff, v5;
	v4 =	vmov s17  }
0x219: {  	v4 =	vand.u32 $0x7F, v4;
	v10 =	vld [tilespmem:s6+$0xFFFFFFE0]  }
0x21a: {  	v5 =	vmul.f32 $8.000000000e+00, v7;
	v7 =	vadd.s32 v0, v4  }
0x21b: {  	s20 =	simm.s32 $0x2;
	v11 =	vadd.s32 v1, v9  }
0x21c: {  	v12 =	vld [tilespmem:s16+$0xFFFFFF90];
	[tilespmem:v6+s24+$0x0] =	vst.idx.msk $0xffff, v5;
	v5 =	vmov s20  }
0x21d: {  	v6 =	vmul.f32 $8.000000000e+00, v8;
	v5 =	vand.u32 $0x7E, v5;
	v8 =	vld [tilespmem:s6+$0xFFFFFFA0]  }
0x21e: {  	s21 =	simm.s32 $0x5;
	s20 =	simm.s32 $0xE570;
	v13 =	vadd.s32 v0, v5;
	v10 =	vmul.f32 $8.000000000e+00, v10  }
0x21f: {  	v15 =	vld [tilespmem:s20+$0xFFFFFFD0];
	[tilespmem:v7+s24+$0x0] =	vst.idx.msk $0xffff, v6;
	v7 =	vadd.s32 v1, v14;
	v6 =	vmov s21  }
0x220: {  	[tilespmem:v11+s24+$0x0] =	vst.idx.msk $0xffff, v10;
	v6 =	vand.u32 $0x7F, v6;
	v10 =	vld [tilespmem:s16+$0xFFFFFFE0]  }
0x221: {  	v11 =	vmul.f32 $8.000000000e+00, v12;
	v12 =	vadd.s32 v0, v6;
	v16 =	vld [tilespmem:s6+$0xFFFFFFF0]  }
0x222: {  	s14 =	simm.s32 $0x4;
	v17 =	vadd.s32 v1, v4;
	v8 =	vmul.f32 $8.000000000e+00, v8  }
0x223: {  	v18 =	vadd.s32 v2, v9;
	[tilespmem:v13+s24+$0x0] =	vst.idx.msk $0xffff, v11;
	v11 =	vmov s14;
	v13 =	vld [tilespmem:s20+$0xFFFFFF90]  }
0x224: {  	[tilespmem:v7+s24+$0x0] =	vst.idx.msk $0xffff, v8;
	v7 =	vand.u32 $0x7E, v11;
	v8 =	vmul.f32 $8.000000000e+00, v15;
	v11 =	vld [tilespmem:s16+$0xFFFFFFA0]  }
0x225: {  	s17 =	simm.s32 $0x7;
	s21 =	simm.s32 $0xE5F0;
	v15 =	vadd.s32 v0, v7;
	v10 =	vmul.f32 $8.000000000e+00, v10;
	v19 =	vld [tilespmem:s6+$0xFFFFFFB0]  }
0x226: {  	v20 =	vld [tilespmem:s21+$0xFFFFFFD0];
	[tilespmem:v12+s24+$0x0] =	vst.idx.msk $0xffff, v8;
	v12 =	vadd.s32 v1, v5;
	v16 =	vmul.f32 $8.000000000e+00, v16;
	v8 =	vmov s17  }
0x227: {  	[tilespmem:v17+s24+$0x0] =	vst.idx.msk $0xffff, v10;
	v10 =	vadd.s32 v2, v14;
	v8 =	vand.u32 $0x7F, v8;
	v17 =	vld [tilespmem:s20+$0xFFFFFFE0]  }
0x228: {  	v13 =	vmul.f32 $8.000000000e+00, v13;
	[tilespmem:v18+s24+$0x0] =	vst.idx.msk $0xffff, v16;
	v16 =	vadd.s32 v0, v8;
	v18 =	vld [tilespmem:s16+$0xFFFFFFF0]  }
0x229: {  	v21 =	vadd.s32 v1, v6;
	s14 =	simm.s32 $0x6;
	v11 =	vmul.f32 $8.000000000e+00, v11;
	v22 =	vld [tilespmem:s6+$0x0]  }
0x22a: {  	v23 =	vadd.s32 v2, v4;
	[tilespmem:v15+s24+$0x0] =	vst.idx.msk $0xffff, v13;
	v13 =	vmul.f32 $8.000000000e+00, v19;
	v15 =	vld [tilespmem:s21+$0xFFFFFF90];
	v19 =	vmov s14  }
0x22b: {  	v25 =	vadd.s32 v3, v9;
	[tilespmem:v12+s24+$0x0] =	vst.idx.msk $0xffff, v11;
	v12 =	vmul.f32 $8.000000000e+00, v20;
	v24 =	vld [tilespmem:s20+$0xFFFFFFA0];
	v9 =	vand.u32 $0x7E, v19  }
0x22c: {  	[tilespmem:v10+s24+$0x0] =	vst.idx.msk $0xffff, v13;
	v10 =	vmul.f32 $8.000000000e+00, v17;
	v11 =	vld [tilespmem:s16+$0xFFFFFFB0];
	v17 =	vadd.s32 v0, v9  }
0x22d: {  	s17 =	simm.s32 $0x9;
	s14 =	simm.s32 $0xE670;
	[tilespmem:v16+s24+$0x0] =	vst.idx.msk $0xffff, v12;
	v20 =	vmul.f32 $8.000000000e+00, v18;
	v12 =	vld [tilespmem:s6+$0xFFFFFFC0];
	v16 =	vadd.s32 v1, v7  }
0x22e: {  	v19 =	vld [tilespmem:s14+$0xFFFFFFD0];
	v13 =	vadd.s32 v2, v5;
	v18 =	vmov s17;
	[tilespmem:v21+s24+$0x0] =	vst.idx.msk $0xffff, v10;
	v26 =	vmul.f32 $8.000000000e+00, v22  }
0x22f: {  	v14 =	vadd.s32 v3, v14;
	v10 =	vand.u32 $0x7F, v18;
	v18 =	vld [tilespmem:s21+$0xFFFFFFE0];
	v22 =	vmul.f32 $8.000000000e+00, v15;
	[tilespmem:v23+s24+$0x0] =	vst.idx.msk $0xffff, v20  }
0x230: {  	s31 =	simm.s32 $0x8;
	s17 =	simm.s32 $0xA;
	s6 =	simm.s32 $0xE670;
	v20 =	vadd.s32 v0, v10;
	v15 =	vld [tilespmem:s20+$0xFFFFFFF0];
	v21 =	vmul.f32 $8.000000000e+00, v24;
	[tilespmem:v25+s24+$0x0] =	vst.idx.msk $0xffff, v26  }
.LBB2_19:
0x231: {  	p1 =	slt.u32 s17, $0x7E;
	[tilespmem:v17+s24+$0x0] =	vst.idx.msk $0xffff, v22;
	v22 =	vadd.s32 v1, v8;
	v11 =	vmul.f32 $8.000000000e+00, v11;
	v23 =	vld [tilespmem:s16+$0x0]  }
0x232: {  	v17 =	vmov s31;
	s31 =	smov.u32 s17;
	v24 =	vld [tilespmem:s14+$0xFFFFFF90];
	[tilespmem:v16+s24+$0x0] =	vst.idx.msk $0xffff, v21;
	v21 =	vadd.s32 v2, v6;
	v12 =	vmul.f32 $8.000000000e+00, v12  }
0x233: {  	v27 =	vadd.s32 v3, v4;
	v4 =	vmovc v6;
	v25 =	vand.u32 $0x7E, v17;
	v16 =	vmul.f32 $8.000000000e+00, v19;
	v26 =	vld [tilespmem:s21+$0xFFFFFFA0];
	[tilespmem:v13+s24+$0x0] =	vst.idx.msk $0xffff, v11  }
.Ltmp8:
0x234: {  	v6 =	vmovc v8;
	v8 =	vmov v10;
	v17 =	vadd.s32 v0, v25;
	v13 =	vmul.f32 $8.000000000e+00, v18;
	v11 =	vld [tilespmem:s20+$0xFFFFFFB0];
	[tilespmem:v14+s24+$0x0] =	vst.idx.msk $0xffff, v12;
	(pc) =	sbr.rel @p1 .LBB2_19-.Ltmp8, $4  }
0x235: {  	s12 =	sadd.s32 $0x1, s17;
	s14 =	sadd.s32 $0x80, s14;
	[tilespmem:v20+s24+$0x0] =	vst.idx.msk $0xffff, v16;
	v16 =	vadd.s32 v1, v9;
	v14 =	vmul.f32 $8.000000000e+00, v15;
	v12 =	vld [tilespmem:s16+$0xFFFFFFC0];
	s16 =	smov.u32 s20  }
0x236: {  	v10 =	vmov s12;
	s20 =	smov.u32 s21;
	s21 =	smov.u32 s6;
	s6 =	smov.u32 s14;
	v19 =	vld [tilespmem:s14+$0xFFFFFFD0];
	[tilespmem:v22+s24+$0x0] =	vst.idx.msk $0xffff, v13;
	v13 =	vadd.s32 v2, v7;
	v23 =	vmul.f32 $8.000000000e+00, v23  }
0x237: {  	v10 =	vand.u32 $0x7F, v10;
	v22 =	vmul.f32 $8.000000000e+00, v24;
	v18 =	vld [tilespmem:s21+$0xFFFFFFE0];
	[tilespmem:v21+s24+$0x0] =	vst.idx.msk $0xffff, v14;
	v14 =	vadd.s32 v3, v5;
	v5 =	vmovc v7  }
0x238: {  	s17 =	sadd.s32 $0x2, s17;
	v20 =	vadd.s32 v0, v10;
	v7 =	vmovc v9;
	v9 =	vmov v25;
	v21 =	vmul.f32 $8.000000000e+00, v26;
	v15 =	vld [tilespmem:s20+$0xFFFFFFF0];
	[tilespmem:v27+s24+$0x0] =	vst.idx.msk $0xffff, v23  }
0x239: {  	v23 =	vmov s31;
	v24 =	vld [tilespmem:s14+$0xFFFFFF90]  }
0x23a: {  	v23 =	vand.u32 $0x7E, v23  }
0x23b: {  	v25 =	vadd.s32 v0, v23;
	_ =	sdelay $0x1  }
0x23c: {  	v19 =	vmul.f32 $8.000000000e+00, v19  }
0x23d: {  	[tilespmem:v17+s24+$0x0] =	vst.idx.msk $0xffff, v22;
	v62 =	vmul.f32 $8.000000000e+00, v24  }
0x23e: {  	v22 =	vld [tilespmem:s21+$0xFFFFFFA0];
	[tilespmem:v20+s24+$0x0] =	vst.idx.msk $0xffff, v19  }
0x23f: {  	v63 =	vadd.s32 v1, v8;
	v20 =	vld [tilespmem:s6+$0xFFFFFFE0];
	[tilespmem:v25+s24+$0x0] =	vst.idx.msk $0xffff, v62  }
0x240: {  	v28 =	vadd.s32 v1, v9;
	v29 =	vld [tilespmem:s6+$0xFFFFFFA0]  }
0x241: {  	v30 =	vadd.s32 v1, v10  }
0x242: {  	v26 =	vadd.s32 v1, v23;
	v18 =	vmul.f32 $8.000000000e+00, v18  }
0x243: {  	[tilespmem:v16+s24+$0x0] =	vst.idx.msk $0xffff, v21;
	v31 =	vmul.f32 $8.000000000e+00, v22  }
0x244: {  	v32 =	vld [tilespmem:s20+$0xFFFFFFB0];
	[tilespmem:v63+s24+$0x0] =	vst.idx.msk $0xffff, v18;
	v33 =	vmul.f32 $8.000000000e+00, v20  }
0x245: {  	v34 =	vadd.s32 v2, v6;
	v35 =	vld [tilespmem:s21+$0xFFFFFFF0];
	[tilespmem:v28+s24+$0x0] =	vst.idx.msk $0xffff, v31;
	v36 =	vmul.f32 $8.000000000e+00, v29  }
0x246: {  	v11 =	vmul.f32 $8.000000000e+00, v11;
	v37 =	vadd.s32 v2, v7;
	v38 =	vld [tilespmem:s21+$0xFFFFFFB0];
	[tilespmem:v30+s24+$0x0] =	vst.idx.msk $0xffff, v33  }
0x247: {  	v39 =	vadd.s32 v2, v8;
	v12 =	vmul.f32 $8.000000000e+00, v12;
	v40 =	vld [tilespmem:s6+$0xFFFFFFF0];
	[tilespmem:v26+s24+$0x0] =	vst.idx.msk $0xffff, v36  }
0x248: {  	v42 =	vadd.s32 v2, v9;
	[tilespmem:v13+s24+$0x0] =	vst.idx.msk $0xffff, v11;
	v41 =	vmul.f32 $8.000000000e+00, v15;
	v43 =	vld [tilespmem:s6+$0xFFFFFFB0]  }
0x249: {  	v44 =	vld [tilespmem:s16+$0x0];
	v46 =	vadd.s32 v2, v10;
	[tilespmem:v14+s24+$0x0] =	vst.idx.msk $0xffff, v12;
	v45 =	vmul.f32 $8.000000000e+00, v32  }
0x24a: {  	v49 =	vadd.s32 v2, v23;
	v47 =	vld [tilespmem:s16+$0xFFFFFFC0];
	[tilespmem:v34+s24+$0x0] =	vst.idx.msk $0xffff, v41;
	v48 =	vmul.f32 $8.000000000e+00, v35  }
0x24b: {  	v4 =	vadd.s32 v3, v4;
	[tilespmem:v37+s24+$0x0] =	vst.idx.msk $0xffff, v45;
	v20 =	vld [tilespmem:s20+$0x0];
	v50 =	vmul.f32 $8.000000000e+00, v38  }
0x24c: {  	v5 =	vadd.s32 v3, v5;
	v51 =	vld [tilespmem:s20+$0xFFFFFFC0];
	[tilespmem:v39+s24+$0x0] =	vst.idx.msk $0xffff, v48;
	v52 =	vmul.f32 $8.000000000e+00, v40  }
0x24d: {  	v53 =	vadd.s32 v3, v6;
	v54 =	vld [tilespmem:s21+$0x0];
	[tilespmem:v42+s24+$0x0] =	vst.idx.msk $0xffff, v50;
	v55 =	vmul.f32 $8.000000000e+00, v43  }
0x24e: {  	v57 =	vadd.s32 v3, v7;
	v56 =	vmul.f32 $8.000000000e+00, v44;
	v58 =	vld [tilespmem:s21+$0xFFFFFFC0];
	[tilespmem:v46+s24+$0x0] =	vst.idx.msk $0xffff, v52  }
0x24f: {  	v60 =	vadd.s32 v3, v8;
	v59 =	vmul.f32 $8.000000000e+00, v47;
	v14 =	vld [tilespmem:s6+$0x0];
	[tilespmem:v49+s24+$0x0] =	vst.idx.msk $0xffff, v55  }
0x250: {  	v61 =	vadd.s32 v3, v9;
	[tilespmem:v4+s24+$0x0] =	vst.idx.msk $0xffff, v56;
	v4 =	vmul.f32 $8.000000000e+00, v20;
	v12 =	vld [tilespmem:s6+$0xFFFFFFC0]  }
0x251: {  	v62 =	vadd.s32 v3, v10;
	[tilespmem:v5+s24+$0x0] =	vst.idx.msk $0xffff, v59;
	v5 =	vmul.f32 $8.000000000e+00, v51  }
0x252: {  	v63 =	vadd.s32 v3, v23;
	[tilespmem:v53+s24+$0x0] =	vst.idx.msk $0xffff, v4;
	v4 =	vmul.f32 $8.000000000e+00, v54  }
0x253: {  	[tilespmem:v57+s24+$0x0] =	vst.idx.msk $0xffff, v5;
	v5 =	vmul.f32 $8.000000000e+00, v58  }
0x254: {  	[tilespmem:v60+s24+$0x0] =	vst.idx.msk $0xffff, v4;
	v4 =	vmul.f32 $8.000000000e+00, v14  }
0x255: {  	s21 =	sadd.s32 s9, s1;
	[tilespmem:v61+s24+$0x0] =	vst.idx.msk $0xffff, v5;
	v5 =	vmul.f32 $8.000000000e+00, v12  }
0x256: {  	s6 =	sshrl.u32 s21, $0x3;
	[tilespmem:v62+s24+$0x0] =	vst.idx.msk $0xffff, v4  }
0x257: {  	s31 =	simm.s32 $0x12400;
	s12 =	sadd.s32 s2, s6;
	[tilespmem:v63+s24+$0x0] =	vst.idx.msk $0xffff, v5  }
0x258: {  	[hbm4b:s12+s3] =	stream.linear.scatter [tilespmem:s31], [sflag:$0x4], $0x80, $0x38;
	[tilespmem:$0x16800] =	vst v63  }
0x259: {  	s14 =	simm.s32 $0x12488;
	s16 =	sadd.s32 $0x10, s12  }
0x25a: {  	[hbm4b:s16+s3] =	stream.linear.scatter [tilespmem:s14], [sflag:$0x4], $0x80, $0x38;
	[tilespmem:$0x16800] =	vst v63  }
0x25b: {  	s17 =	simm.s32 $0x12510;
	s21 =	simm.s32 $0x12598;
	s20 =	sadd.s32 $0x20, s12  }
0x25c: {  	[hbm4b:s20+s3] =	stream.linear.scatter [tilespmem:s17], [sflag:$0x4], $0x80, $0x38;
	[tilespmem:$0x16800] =	vst v63  }
0x25d: {  	s6 =	simm.s32 $0x440;
	s31 =	sadd.s32 $0x30, s12;
	s14 =	simm.s32 $0x12620  }
0x25e: {  	[hbm4b:s31+s3] =	stream.linear.scatter [tilespmem:s21], [sflag:$0x4], $0x80, $0x38;
	[tilespmem:$0x16800] =	vst v63  }
0x25f: {  	s16 =	sadd.s32 $0x40, s12;
	s17 =	simm.s32 $0x126A8;
	s20 =	sadd.s32 $0x50, s12  }
0x260: {  	[hbm4b:s16+s3] =	stream.linear.scatter [tilespmem:s14], [sflag:$0x4], $0x80, $0x38;
	[tilespmem:$0x16800] =	vst v63  }
0x261: {  	s21 =	simm.s32 $0x12730;
	s31 =	sadd.s32 $0x60, s12;
	s16 =	simm.s32 $0x2200  }
0x262: {  	[hbm4b:s20+s3] =	stream.linear.scatter [tilespmem:s17], [sflag:$0x4], $0x80, $0x38;
	[tilespmem:$0x16800] =	vst v63  }
0x263: {  	s14 =	sadd.s32 $0x1000, s12;
	s17 =	simm.s32 $0x127B8;
	s20 =	sadd.s32 $0x70, s12  }
0x264: {  	[hbm4b:s31+s3] =	stream.linear.scatter [tilespmem:s21], [sflag:$0x4], $0x80, $0x38;
	[tilespmem:$0x16800] =	vst v63  }
.LBB2_21:
0x265: {  	[hbm4b:s20+s3] =	stream.linear.scatter [tilespmem:s17], [sflag:$0x4], $0x80, $0x38;
	[tilespmem:$0x16800] =	vst v63  }
0x266: {  	s12 =	smov.u32 s6;
	s6 =	smov.u32 s16  }
0x267: {  	s21 =	sadd.s32 $0x1100, s16;
	s6 =	sshra.s32 s6, $0x2;
	s17 =	sadd.s32 $0x12400, s12  }
0x268: {  	[hbm4b:s14+s3] =	stream.linear.scatter [tilespmem:s17], [sflag:$0x4], $0x80, $0x38;
	[tilespmem:$0x16800] =	vst v63  }
0x269: {  	p1 =	sne.s32 s16, $0x7700;
	s16 =	sadd.s32 $0x12488, s12;
	s17 =	sadd.s32 $0x10, s14  }
0x26a: {  	[hbm4b:s17+s3] =	stream.linear.scatter [tilespmem:s16], [sflag:$0x4], $0x80, $0x38;
	[tilespmem:$0x16800] =	vst v63  }
0x26b: {  	s16 =	sadd.s32 $0x12510, s12;
	s17 =	sadd.s32 $0x20, s14  }
0x26c: {  	[hbm4b:s17+s3] =	stream.linear.scatter [tilespmem:s16], [sflag:$0x4], $0x80, $0x38;
	[tilespmem:$0x16800] =	vst v63  }
0x26d: {  	s16 =	sadd.s32 $0x12598, s12;
	s17 =	sadd.s32 $0x30, s14  }
0x26e: {  	[hbm4b:s17+s3] =	stream.linear.scatter [tilespmem:s16], [sflag:$0x4], $0x80, $0x38;
	[tilespmem:$0x16800] =	vst v63  }
0x26f: {  	s16 =	sadd.s32 $0x12620, s12;
	s17 =	sadd.s32 $0x40, s14  }
0x270: {  	[hbm4b:s17+s3] =	stream.linear.scatter [tilespmem:s16], [sflag:$0x4], $0x80, $0x38;
	[tilespmem:$0x16800] =	vst v63  }
.Ltmp9:
0x271: {  	s16 =	sadd.s32 $0x126A8, s12;
	s17 =	sadd.s32 $0x50, s14;
	(pc) =	sbr.rel @p1 .LBB2_21-.Ltmp9, $4  }
0x272: {  	[hbm4b:s17+s3] =	stream.linear.scatter [tilespmem:s16], [sflag:$0x4], $0x80, $0x38;
	[tilespmem:$0x16800] =	vst v63  }
0x273: {  	s20 =	sadd.s32 $0x70, s14;
	s16 =	sadd.s32 $0x12730, s12;
	s17 =	sadd.s32 $0x60, s14  }
0x274: {  	[hbm4b:s17+s3] =	stream.linear.scatter [tilespmem:s16], [sflag:$0x4], $0x80, $0x38;
	[tilespmem:$0x16800] =	vst v63  }
0x275: {  	s14 =	sadd.s32 $0x1000, s14;
	s17 =	sadd.s32 $0x127B8, s12;
	s16 =	smov.u32 s21  }
0x276: {  	[hbm4b:s20+s3] =	stream.linear.scatter [tilespmem:s17], [sflag:$0x4], $0x80, $0x38;
	[tilespmem:$0x16800] =	vst v63  }
0x277: {  	s12 =	sadd.s32 $0x12400, s6  }
0x278: {  	[hbm4b:s14+s3] =	stream.linear.scatter [tilespmem:s12], [sflag:$0x4], $0x80, $0x38;
	[tilespmem:$0x16800] =	vst v63  }
0x279: {  	s21 =	sadd.s32 $0x12488, s6;
	s16 =	sadd.s32 $0x10, s14  }
0x27a: {  	[hbm4b:s16+s3] =	stream.linear.scatter [tilespmem:s21], [sflag:$0x4], $0x80, $0x38;
	[tilespmem:$0x16800] =	vst v63  }
0x27b: {  	s17 =	sadd.s32 $0x20, s14;
	s16 =	sadd.s32 $0x12510, s6  }
0x27c: {  	[hbm4b:s17+s3] =	stream.linear.scatter [tilespmem:s16], [sflag:$0x4], $0x80, $0x38;
	[tilespmem:$0x16800] =	vst v63  }
0x27d: {  	s20 =	sadd.s32 $0x12598, s6;
	s21 =	sadd.s32 $0x30, s14  }
0x27e: {  	[hbm4b:s21+s3] =	stream.linear.scatter [tilespmem:s20], [sflag:$0x4], $0x80, $0x38;
	[tilespmem:$0x16800] =	vst v63  }
0x27f: {  	s16 =	sadd.s32 $0x12620, s6;
	s17 =	sadd.s32 $0x40, s14  }
0x280: {  	[hbm4b:s17+s3] =	stream.linear.scatter [tilespmem:s16], [sflag:$0x4], $0x80, $0x38;
	[tilespmem:$0x16800] =	vst v63  }
0x281: {  	s20 =	sadd.s32 $0x126A8, s6;
	s21 =	sadd.s32 $0x50, s14  }
0x282: {  	[hbm4b:s21+s3] =	stream.linear.scatter [tilespmem:s20], [sflag:$0x4], $0x80, $0x38;
	[tilespmem:$0x16800] =	vst v63  }
0x283: {  	s16 =	sadd.s32 $0x12730, s6;
	s17 =	sadd.s32 $0x60, s14  }
0x284: {  	[hbm4b:s17+s3] =	stream.linear.scatter [tilespmem:s16], [sflag:$0x4], $0x80, $0x38;
	[tilespmem:$0x16800] =	vst v63  }
0x285: {  	s20 =	sadd.s32 $0x127B8, s6;
	s21 =	sadd.s32 $0x70, s14  }
0x286: {  	[hbm4b:s21+s3] =	stream.linear.scatter [tilespmem:s20], [sflag:$0x4], $0x80, $0x38;
	[tilespmem:$0x16800] =	vst v63  }
0x287: {  	_ =	swait.ge [sflag:s29], $0x2000  }
0x288: {  	[sflag:s29] =	ssyncset.done $0x0  }
0x289: {  	s6 =	simm.s32 $0x10400;
	s14 =	simm.s32 $0x1;
	[sflag:s29] =	ssyncadd.s32 $0xFFFFE000  }
0x28a: {  	v4 =	vmov s14;
	v5 =	vld [tilespmem:s6+$0x40]  }
0x28b: {  	v9 =	vand.u32 $0x7F, v4  }
0x28c: {  	v4 =	vadd.s32 v0, v9  }
0x28d: {  	s16 =	simm.s32 $0x0  }
0x28e: {  	v6 =	vmov s16;
	v7 =	vld [tilespmem:s6+$0x0]  }
0x28f: {  	v14 =	vand.u32 $0x7E, v6;
	v5 =	vmul.f32 $8.000000000e+00, v5  }
0x290: {  	s17 =	simm.s32 $0x3;
	s16 =	simm.s32 $0x10480;
	v6 =	vadd.s32 v0, v14  }
0x291: {  	v8 =	vld [tilespmem:s16+$0x40];
	[tilespmem:v4+s25+$0x0] =	vst.idx.msk $0xffff, v5;
	v4 =	vmov s17  }
0x292: {  	v4 =	vand.u32 $0x7F, v4;
	v10 =	vld [tilespmem:s6+$0x50]  }
0x293: {  	v5 =	vmul.f32 $8.000000000e+00, v7;
	v7 =	vadd.s32 v0, v4  }
0x294: {  	v11 =	vadd.s32 v1, v9;
	s20 =	simm.s32 $0x2  }
0x295: {  	v12 =	vld [tilespmem:s16+$0x0];
	[tilespmem:v6+s25+$0x0] =	vst.idx.msk $0xffff, v5;
	v5 =	vmov s20  }
0x296: {  	v6 =	vmul.f32 $8.000000000e+00, v8;
	v5 =	vand.u32 $0x7E, v5;
	v8 =	vld [tilespmem:s6+$0x10]  }
0x297: {  	s21 =	simm.s32 $0x5;
	s20 =	simm.s32 $0x10500;
	v13 =	vadd.s32 v0, v5;
	v10 =	vmul.f32 $8.000000000e+00, v10  }
0x298: {  	v15 =	vld [tilespmem:s20+$0x40];
	[tilespmem:v7+s25+$0x0] =	vst.idx.msk $0xffff, v6;
	v7 =	vadd.s32 v1, v14;
	v6 =	vmov s21  }
0x299: {  	[tilespmem:v11+s25+$0x0] =	vst.idx.msk $0xffff, v10;
	v6 =	vand.u32 $0x7F, v6;
	v10 =	vld [tilespmem:s16+$0x50]  }
0x29a: {  	v11 =	vmul.f32 $8.000000000e+00, v12;
	v12 =	vadd.s32 v0, v6;
	v16 =	vld [tilespmem:s6+$0x60]  }
0x29b: {  	s14 =	simm.s32 $0x4;
	v17 =	vadd.s32 v1, v4;
	v8 =	vmul.f32 $8.000000000e+00, v8  }
0x29c: {  	v18 =	vadd.s32 v2, v9;
	[tilespmem:v13+s25+$0x0] =	vst.idx.msk $0xffff, v11;
	v11 =	vmov s14;
	v13 =	vld [tilespmem:s20+$0x0]  }
0x29d: {  	[tilespmem:v7+s25+$0x0] =	vst.idx.msk $0xffff, v8;
	v7 =	vand.u32 $0x7E, v11;
	v8 =	vmul.f32 $8.000000000e+00, v15;
	v11 =	vld [tilespmem:s16+$0x10]  }
0x29e: {  	s17 =	simm.s32 $0x7;
	s21 =	simm.s32 $0x10580;
	v15 =	vadd.s32 v0, v7;
	v10 =	vmul.f32 $8.000000000e+00, v10;
	v19 =	vld [tilespmem:s6+$0x20]  }
0x29f: {  	v20 =	vld [tilespmem:s21+$0x40];
	[tilespmem:v12+s25+$0x0] =	vst.idx.msk $0xffff, v8;
	v12 =	vadd.s32 v1, v5;
	v16 =	vmul.f32 $8.000000000e+00, v16;
	v8 =	vmov s17  }
0x2a0: {  	[tilespmem:v17+s25+$0x0] =	vst.idx.msk $0xffff, v10;
	v10 =	vadd.s32 v2, v14;
	v8 =	vand.u32 $0x7F, v8;
	v17 =	vld [tilespmem:s20+$0x50]  }
0x2a1: {  	v13 =	vmul.f32 $8.000000000e+00, v13;
	[tilespmem:v18+s25+$0x0] =	vst.idx.msk $0xffff, v16;
	v16 =	vadd.s32 v0, v8;
	v18 =	vld [tilespmem:s16+$0x60]  }
0x2a2: {  	v21 =	vadd.s32 v1, v6;
	s14 =	simm.s32 $0x6;
	v11 =	vmul.f32 $8.000000000e+00, v11;
	v22 =	vld [tilespmem:s6+$0x70]  }
0x2a3: {  	v23 =	vadd.s32 v2, v4;
	[tilespmem:v15+s25+$0x0] =	vst.idx.msk $0xffff, v13;
	v13 =	vmul.f32 $8.000000000e+00, v19;
	v15 =	vld [tilespmem:s21+$0x0];
	v19 =	vmov s14  }
0x2a4: {  	v25 =	vadd.s32 v3, v9;
	[tilespmem:v12+s25+$0x0] =	vst.idx.msk $0xffff, v11;
	v12 =	vmul.f32 $8.000000000e+00, v20;
	v24 =	vld [tilespmem:s20+$0x10];
	v9 =	vand.u32 $0x7E, v19  }
0x2a5: {  	[tilespmem:v10+s25+$0x0] =	vst.idx.msk $0xffff, v13;
	v10 =	vmul.f32 $8.000000000e+00, v17;
	v11 =	vld [tilespmem:s16+$0x20];
	v17 =	vadd.s32 v0, v9  }
0x2a6: {  	s17 =	simm.s32 $0x9;
	s14 =	simm.s32 $0x10600;
	[tilespmem:v16+s25+$0x0] =	vst.idx.msk $0xffff, v12;
	v20 =	vmul.f32 $8.000000000e+00, v18;
	v12 =	vld [tilespmem:s6+$0x30];
	v16 =	vadd.s32 v1, v7  }
0x2a7: {  	v19 =	vld [tilespmem:s14+$0x40];
	v13 =	vadd.s32 v2, v5;
	v18 =	vmov s17;
	[tilespmem:v21+s25+$0x0] =	vst.idx.msk $0xffff, v10;
	v26 =	vmul.f32 $8.000000000e+00, v22  }
0x2a8: {  	v14 =	vadd.s32 v3, v14;
	v10 =	vand.u32 $0x7F, v18;
	v18 =	vld [tilespmem:s21+$0x50];
	v22 =	vmul.f32 $8.000000000e+00, v15;
	[tilespmem:v23+s25+$0x0] =	vst.idx.msk $0xffff, v20  }
0x2a9: {  	s31 =	simm.s32 $0x8;
	s17 =	simm.s32 $0xA;
	s6 =	simm.s32 $0x10600;
	v20 =	vadd.s32 v0, v10;
	v15 =	vld [tilespmem:s20+$0x60];
	v21 =	vmul.f32 $8.000000000e+00, v24;
	[tilespmem:v25+s25+$0x0] =	vst.idx.msk $0xffff, v26  }
.LBB2_23:
0x2aa: {  	p1 =	slt.u32 s17, $0x7E;
	[tilespmem:v17+s25+$0x0] =	vst.idx.msk $0xffff, v22;
	v22 =	vadd.s32 v1, v8;
	v11 =	vmul.f32 $8.000000000e+00, v11;
	v23 =	vld [tilespmem:s16+$0x70]  }
0x2ab: {  	v17 =	vmov s31;
	s31 =	smov.u32 s17;
	v24 =	vld [tilespmem:s14+$0x0];
	[tilespmem:v16+s25+$0x0] =	vst.idx.msk $0xffff, v21;
	v21 =	vadd.s32 v2, v6;
	v12 =	vmul.f32 $8.000000000e+00, v12  }
0x2ac: {  	v27 =	vadd.s32 v3, v4;
	v4 =	vmovc v6;
	v25 =	vand.u32 $0x7E, v17;
	v16 =	vmul.f32 $8.000000000e+00, v19;
	v26 =	vld [tilespmem:s21+$0x10];
	[tilespmem:v13+s25+$0x0] =	vst.idx.msk $0xffff, v11  }
.Ltmp10:
0x2ad: {  	v6 =	vmovc v8;
	v8 =	vmov v10;
	v17 =	vadd.s32 v0, v25;
	v13 =	vmul.f32 $8.000000000e+00, v18;
	v11 =	vld [tilespmem:s20+$0x20];
	[tilespmem:v14+s25+$0x0] =	vst.idx.msk $0xffff, v12;
	(pc) =	sbr.rel @p1 .LBB2_23-.Ltmp10, $4  }
0x2ae: {  	s12 =	sadd.s32 $0x1, s17;
	s14 =	sadd.s32 $0x80, s14;
	[tilespmem:v20+s25+$0x0] =	vst.idx.msk $0xffff, v16;
	v16 =	vadd.s32 v1, v9;
	v14 =	vmul.f32 $8.000000000e+00, v15;
	v12 =	vld [tilespmem:s16+$0x30];
	s16 =	smov.u32 s20  }
0x2af: {  	v10 =	vmov s12;
	s20 =	smov.u32 s21;
	s21 =	smov.u32 s6;
	s6 =	smov.u32 s14;
	v19 =	vld [tilespmem:s14+$0x40];
	[tilespmem:v22+s25+$0x0] =	vst.idx.msk $0xffff, v13;
	v13 =	vadd.s32 v2, v7;
	v23 =	vmul.f32 $8.000000000e+00, v23  }
0x2b0: {  	v10 =	vand.u32 $0x7F, v10;
	v22 =	vmul.f32 $8.000000000e+00, v24;
	v18 =	vld [tilespmem:s21+$0x50];
	[tilespmem:v21+s25+$0x0] =	vst.idx.msk $0xffff, v14;
	v14 =	vadd.s32 v3, v5;
	v5 =	vmovc v7  }
0x2b1: {  	s17 =	sadd.s32 $0x2, s17;
	v20 =	vadd.s32 v0, v10;
	v7 =	vmovc v9;
	v9 =	vmov v25;
	v21 =	vmul.f32 $8.000000000e+00, v26;
	v15 =	vld [tilespmem:s20+$0x60];
	[tilespmem:v27+s25+$0x0] =	vst.idx.msk $0xffff, v23  }
0x2b2: {  	v23 =	vmov s31;
	v24 =	vld [tilespmem:s14+$0x0]  }
0x2b3: {  	v23 =	vand.u32 $0x7E, v23  }
0x2b4: {  	v25 =	vadd.s32 v0, v23;
	_ =	sdelay $0x1  }
0x2b5: {  	v19 =	vmul.f32 $8.000000000e+00, v19  }
0x2b6: {  	[tilespmem:v17+s25+$0x0] =	vst.idx.msk $0xffff, v22;
	v62 =	vmul.f32 $8.000000000e+00, v24  }
0x2b7: {  	v22 =	vld [tilespmem:s21+$0x10];
	[tilespmem:v20+s25+$0x0] =	vst.idx.msk $0xffff, v19  }
0x2b8: {  	v63 =	vadd.s32 v1, v8;
	v20 =	vld [tilespmem:s6+$0x50];
	[tilespmem:v25+s25+$0x0] =	vst.idx.msk $0xffff, v62  }
0x2b9: {  	v28 =	vadd.s32 v1, v9;
	v29 =	vld [tilespmem:s6+$0x10]  }
0x2ba: {  	v30 =	vadd.s32 v1, v10  }
0x2bb: {  	v26 =	vadd.s32 v1, v23;
	v18 =	vmul.f32 $8.000000000e+00, v18  }
0x2bc: {  	[tilespmem:v16+s25+$0x0] =	vst.idx.msk $0xffff, v21;
	v31 =	vmul.f32 $8.000000000e+00, v22  }
0x2bd: {  	v32 =	vld [tilespmem:s20+$0x20];
	[tilespmem:v63+s25+$0x0] =	vst.idx.msk $0xffff, v18;
	v33 =	vmul.f32 $8.000000000e+00, v20  }
0x2be: {  	v34 =	vadd.s32 v2, v6;
	v35 =	vld [tilespmem:s21+$0x60];
	[tilespmem:v28+s25+$0x0] =	vst.idx.msk $0xffff, v31;
	v36 =	vmul.f32 $8.000000000e+00, v29  }
0x2bf: {  	v11 =	vmul.f32 $8.000000000e+00, v11;
	v37 =	vadd.s32 v2, v7;
	v38 =	vld [tilespmem:s21+$0x20];
	[tilespmem:v30+s25+$0x0] =	vst.idx.msk $0xffff, v33  }
0x2c0: {  	v39 =	vadd.s32 v2, v8;
	v12 =	vmul.f32 $8.000000000e+00, v12;
	v40 =	vld [tilespmem:s6+$0x60];
	[tilespmem:v26+s25+$0x0] =	vst.idx.msk $0xffff, v36  }
0x2c1: {  	v42 =	vadd.s32 v2, v9;
	[tilespmem:v13+s25+$0x0] =	vst.idx.msk $0xffff, v11;
	v41 =	vmul.f32 $8.000000000e+00, v15;
	v43 =	vld [tilespmem:s6+$0x20]  }
0x2c2: {  	v44 =	vld [tilespmem:s16+$0x70];
	v46 =	vadd.s32 v2, v10;
	[tilespmem:v14+s25+$0x0] =	vst.idx.msk $0xffff, v12;
	v45 =	vmul.f32 $8.000000000e+00, v32  }
0x2c3: {  	v49 =	vadd.s32 v2, v23;
	v47 =	vld [tilespmem:s16+$0x30];
	[tilespmem:v34+s25+$0x0] =	vst.idx.msk $0xffff, v41;
	v48 =	vmul.f32 $8.000000000e+00, v35  }
0x2c4: {  	v4 =	vadd.s32 v3, v4;
	[tilespmem:v37+s25+$0x0] =	vst.idx.msk $0xffff, v45;
	v20 =	vld [tilespmem:s20+$0x70];
	v50 =	vmul.f32 $8.000000000e+00, v38  }
0x2c5: {  	v5 =	vadd.s32 v3, v5;
	v51 =	vld [tilespmem:s20+$0x30];
	[tilespmem:v39+s25+$0x0] =	vst.idx.msk $0xffff, v48;
	v52 =	vmul.f32 $8.000000000e+00, v40  }
0x2c6: {  	v53 =	vadd.s32 v3, v6;
	v54 =	vld [tilespmem:s21+$0x70];
	[tilespmem:v42+s25+$0x0] =	vst.idx.msk $0xffff, v50;
	v55 =	vmul.f32 $8.000000000e+00, v43  }
0x2c7: {  	v57 =	vadd.s32 v3, v7;
	v56 =	vmul.f32 $8.000000000e+00, v44;
	v58 =	vld [tilespmem:s21+$0x30];
	[tilespmem:v46+s25+$0x0] =	vst.idx.msk $0xffff, v52  }
0x2c8: {  	v60 =	vadd.s32 v3, v8;
	v59 =	vmul.f32 $8.000000000e+00, v47;
	v14 =	vld [tilespmem:s6+$0x70];
	[tilespmem:v49+s25+$0x0] =	vst.idx.msk $0xffff, v55  }
0x2c9: {  	v61 =	vadd.s32 v3, v9;
	[tilespmem:v4+s25+$0x0] =	vst.idx.msk $0xffff, v56;
	v4 =	vmul.f32 $8.000000000e+00, v20;
	v12 =	vld [tilespmem:s6+$0x30]  }
0x2ca: {  	v62 =	vadd.s32 v3, v10;
	[tilespmem:v5+s25+$0x0] =	vst.idx.msk $0xffff, v59;
	v5 =	vmul.f32 $8.000000000e+00, v51  }
0x2cb: {  	v63 =	vadd.s32 v3, v23;
	[tilespmem:v53+s25+$0x0] =	vst.idx.msk $0xffff, v4;
	v4 =	vmul.f32 $8.000000000e+00, v54  }
0x2cc: {  	[tilespmem:v57+s25+$0x0] =	vst.idx.msk $0xffff, v5;
	v5 =	vmul.f32 $8.000000000e+00, v58  }
0x2cd: {  	[tilespmem:v60+s25+$0x0] =	vst.idx.msk $0xffff, v4;
	v4 =	vmul.f32 $8.000000000e+00, v14  }
0x2ce: {  	s1 =	sadd.s32 s10, s1;
	[tilespmem:v61+s25+$0x0] =	vst.idx.msk $0xffff, v5;
	v5 =	vmul.f32 $8.000000000e+00, v12  }
0x2cf: {  	s1 =	sshrl.u32 s1, $0x3;
	[tilespmem:v62+s25+$0x0] =	vst.idx.msk $0xffff, v4  }
0x2d0: {  	s14 =	simm.s32 $0x14600;
	s6 =	sadd.s32 s2, s1;
	[tilespmem:v63+s25+$0x0] =	vst.idx.msk $0xffff, v5  }
0x2d1: {  	[hbm4b:s6+s3] =	stream.linear.scatter [tilespmem:s14], [sflag:$0x5], $0x80, $0x38;
	[tilespmem:$0x16800] =	vst v63  }
0x2d2: {  	s16 =	simm.s32 $0x14688;
	s12 =	sadd.s32 $0x10, s6  }
0x2d3: {  	[hbm4b:s12+s3] =	stream.linear.scatter [tilespmem:s16], [sflag:$0x5], $0x80, $0x38;
	[tilespmem:$0x16800] =	vst v63  }
0x2d4: {  	s17 =	simm.s32 $0x14710;
	s21 =	simm.s32 $0x14798;
	s20 =	sadd.s32 $0x20, s6  }
0x2d5: {  	[hbm4b:s20+s3] =	stream.linear.scatter [tilespmem:s17], [sflag:$0x5], $0x80, $0x38;
	[tilespmem:$0x16800] =	vst v63  }
0x2d6: {  	s1 =	simm.s32 $0x440;
	s31 =	sadd.s32 $0x30, s6;
	s14 =	simm.s32 $0x14820  }
0x2d7: {  	[hbm4b:s31+s3] =	stream.linear.scatter [tilespmem:s21], [sflag:$0x5], $0x80, $0x38;
	[tilespmem:$0x16800] =	vst v63  }
0x2d8: {  	s16 =	sadd.s32 $0x40, s6;
	s17 =	simm.s32 $0x148A8;
	s20 =	sadd.s32 $0x50, s6  }
0x2d9: {  	[hbm4b:s16+s3] =	stream.linear.scatter [tilespmem:s14], [sflag:$0x5], $0x80, $0x38;
	[tilespmem:$0x16800] =	vst v63  }
0x2da: {  	s21 =	simm.s32 $0x14930;
	s31 =	sadd.s32 $0x60, s6;
	s14 =	simm.s32 $0x2200  }
0x2db: {  	[hbm4b:s20+s3] =	stream.linear.scatter [tilespmem:s17], [sflag:$0x5], $0x80, $0x38;
	[tilespmem:$0x16800] =	vst v63  }
0x2dc: {  	s16 =	simm.s32 $0x149B8;
	s17 =	sadd.s32 $0x70, s6;
	s6 =	sadd.s32 $0x1000, s6  }
0x2dd: {  	[hbm4b:s31+s3] =	stream.linear.scatter [tilespmem:s21], [sflag:$0x5], $0x80, $0x38;
	[tilespmem:$0x16800] =	vst v63  }
.LBB2_25:
0x2de: {  	[hbm4b:s17+s3] =	stream.linear.scatter [tilespmem:s16], [sflag:$0x5], $0x80, $0x38;
	[tilespmem:$0x16800] =	vst v63  }
0x2df: {  	s12 =	smov.u32 s1;
	s1 =	smov.u32 s14  }
0x2e0: {  	s20 =	sadd.s32 $0x1100, s14;
	s1 =	sshra.s32 s1, $0x2;
	s16 =	sadd.s32 $0x14600, s12  }
0x2e1: {  	[hbm4b:s6+s3] =	stream.linear.scatter [tilespmem:s16], [sflag:$0x5], $0x80, $0x38;
	[tilespmem:$0x16800] =	vst v63  }
0x2e2: {  	p1 =	sne.s32 s14, $0x7700;
	s14 =	sadd.s32 $0x14688, s12;
	s16 =	sadd.s32 $0x10, s6  }
0x2e3: {  	[hbm4b:s16+s3] =	stream.linear.scatter [tilespmem:s14], [sflag:$0x5], $0x80, $0x38;
	[tilespmem:$0x16800] =	vst v63  }
0x2e4: {  	s14 =	sadd.s32 $0x14710, s12;
	s16 =	sadd.s32 $0x20, s6  }
0x2e5: {  	[hbm4b:s16+s3] =	stream.linear.scatter [tilespmem:s14], [sflag:$0x5], $0x80, $0x38;
	[tilespmem:$0x16800] =	vst v63  }
0x2e6: {  	s14 =	sadd.s32 $0x14798, s12;
	s16 =	sadd.s32 $0x30, s6  }
0x2e7: {  	[hbm4b:s16+s3] =	stream.linear.scatter [tilespmem:s14], [sflag:$0x5], $0x80, $0x38;
	[tilespmem:$0x16800] =	vst v63  }
0x2e8: {  	s14 =	sadd.s32 $0x14820, s12;
	s16 =	sadd.s32 $0x40, s6  }
0x2e9: {  	[hbm4b:s16+s3] =	stream.linear.scatter [tilespmem:s14], [sflag:$0x5], $0x80, $0x38;
	[tilespmem:$0x16800] =	vst v63  }
.Ltmp11:
0x2ea: {  	s14 =	sadd.s32 $0x148A8, s12;
	s16 =	sadd.s32 $0x50, s6;
	(pc) =	sbr.rel @p1 .LBB2_25-.Ltmp11, $4  }
0x2eb: {  	[hbm4b:s16+s3] =	stream.linear.scatter [tilespmem:s14], [sflag:$0x5], $0x80, $0x38;
	[tilespmem:$0x16800] =	vst v63  }
0x2ec: {  	s17 =	sadd.s32 $0x70, s6;
	s14 =	sadd.s32 $0x14930, s12;
	s16 =	sadd.s32 $0x60, s6  }
0x2ed: {  	[hbm4b:s16+s3] =	stream.linear.scatter [tilespmem:s14], [sflag:$0x5], $0x80, $0x38;
	[tilespmem:$0x16800] =	vst v63  }
0x2ee: {  	s6 =	sadd.s32 $0x1000, s6;
	s16 =	sadd.s32 $0x149B8, s12;
	s14 =	smov.u32 s20  }
0x2ef: {  	[hbm4b:s17+s3] =	stream.linear.scatter [tilespmem:s16], [sflag:$0x5], $0x80, $0x38;
	[tilespmem:$0x16800] =	vst v63  }
0x2f0: {  	s12 =	sadd.s32 $0x14600, s1  }
0x2f1: {  	[hbm4b:s6+s3] =	stream.linear.scatter [tilespmem:s12], [sflag:$0x5], $0x80, $0x38;
	[tilespmem:$0x16800] =	vst v63  }
0x2f2: {  	s31 =	sadd.s32 $0x14688, s1;
	s14 =	sadd.s32 $0x10, s6  }
0x2f3: {  	[hbm4b:s14+s3] =	stream.linear.scatter [tilespmem:s31], [sflag:$0x5], $0x80, $0x38;
	[tilespmem:$0x16800] =	vst v63  }
0x2f4: {  	s16 =	sadd.s32 $0x20, s6;
	s14 =	sadd.s32 $0x14710, s1  }
0x2f5: {  	[hbm4b:s16+s3] =	stream.linear.scatter [tilespmem:s14], [sflag:$0x5], $0x80, $0x38;
	[tilespmem:$0x16800] =	vst v63  }
0x2f6: {  	s17 =	sadd.s32 $0x14798, s1;
	s20 =	sadd.s32 $0x30, s6  }
0x2f7: {  	[hbm4b:s20+s3] =	stream.linear.scatter [tilespmem:s17], [sflag:$0x5], $0x80, $0x38;
	[tilespmem:$0x16800] =	vst v63  }
0x2f8: {  	s21 =	sadd.s32 $0x14820, s1;
	s31 =	sadd.s32 $0x40, s6  }
0x2f9: {  	[hbm4b:s31+s3] =	stream.linear.scatter [tilespmem:s21], [sflag:$0x5], $0x80, $0x38;
	[tilespmem:$0x16800] =	vst v63  }
0x2fa: {  	s14 =	sadd.s32 $0x148A8, s1;
	s16 =	sadd.s32 $0x50, s6  }
0x2fb: {  	[hbm4b:s16+s3] =	stream.linear.scatter [tilespmem:s14], [sflag:$0x5], $0x80, $0x38;
	[tilespmem:$0x16800] =	vst v63  }
.Ltmp12:
0x2fc: {  	_ = 	snop;
	(pc) =	sbr.rel @p0 .LBB2_28-.Ltmp12, $4  }
0x2fd: {  	s17 =	sadd.s32 $0x14930, s1;
	s20 =	sadd.s32 $0x60, s6  }
0x2fe: {  	[hbm4b:s20+s3] =	stream.linear.scatter [tilespmem:s17], [sflag:$0x5], $0x80, $0x38;
	[tilespmem:$0x16800] =	vst v63  }
0x2ff: {  	s21 =	sadd.s32 $0x149B8, s1;
	s31 =	sadd.s32 $0x70, s6  }
0x300: {  	[hbm4b:s31+s3] =	stream.linear.scatter [tilespmem:s21], [sflag:$0x5], $0x80, $0x38;
	[tilespmem:$0x16800] =	vst v63  }
.Ltmp13:
0x301: {  	(pc) =	sbr.rel .LBB2_2-.Ltmp13, $4  }
0x302: {  	s1 =	sadd.s32 $0x1400, s15  }
0x303: {  	s1 =	sand.u32 $0x7FC00, s1  }
0x304: {  	s0 =	sadd.s32 $0x1, s0;
	s1 =	sshrl.u32 s1, $0x2  }
0x305: {  	[tilespmem:s22], [sflag:$0x3] =	stream.indirect.gather [hbm4b:s5+s18], $0x40, s1, s18, $0xb8;
	[tilespmem:$0x16800] =	vst v63  }
.LBB2_28:
0x306: {  	_ =	swait.ge [sflag:s23], $0x4000  }
0x307: {  	[sflag:s23] =	ssyncset.done $0x0  }
0x308: {  	[sflag:s23] =	ssyncadd.s32 $0xFFFFC000  }
0x309: {  	_ =	swait.ge [sflag:s28], $0x2000  }
0x30a: {  	[sflag:s28] =	ssyncset.done $0x0  }
0x30b: {  	s6 =	simm.s32 $0x6440;
	s0 =	simm.s32 $0x1;
	[sflag:s28] =	ssyncadd.s32 $0xFFFFE000  }
0x30c: {  	v4 =	vmov s0;
	v5 =	vld [tilespmem:s6+$0x0]  }
0x30d: {  	v9 =	vand.u32 $0x7F, v4  }
0x30e: {  	v4 =	vadd.s32 v0, v9  }
0x30f: {  	s15 =	simm.s32 $0x0  }
0x310: {  	v6 =	vmov s15;
	v7 =	vld [tilespmem:s6+$0xFFFFFFC0]  }
0x311: {  	v14 =	vand.u32 $0x7E, v6;
	v5 =	vmul.f32 $8.000000000e+00, v5  }
0x312: {  	s1 =	simm.s32 $0x3;
	s0 =	simm.s32 $0x64C0;
	v6 =	vadd.s32 v0, v14  }
0x313: {  	v8 =	vld [tilespmem:s0+$0x0];
	[tilespmem:v4+s24+$0x0] =	vst.idx.msk $0xffff, v5;
	v4 =	vmov s1  }
0x314: {  	v4 =	vand.u32 $0x7F, v4;
	v10 =	vld [tilespmem:s6+$0x10]  }
0x315: {  	v5 =	vmul.f32 $8.000000000e+00, v7;
	v7 =	vadd.s32 v0, v4  }
0x316: {  	s16 =	simm.s32 $0x2;
	v11 =	vadd.s32 v1, v9  }
0x317: {  	v12 =	vld [tilespmem:s0+$0xFFFFFFC0];
	[tilespmem:v6+s24+$0x0] =	vst.idx.msk $0xffff, v5;
	v5 =	vmov s16  }
0x318: {  	v6 =	vmul.f32 $8.000000000e+00, v8;
	v5 =	vand.u32 $0x7E, v5;
	v8 =	vld [tilespmem:s6+$0xFFFFFFD0]  }
0x319: {  	s12 =	simm.s32 $0x5;
	s1 =	simm.s32 $0x6540;
	v13 =	vadd.s32 v0, v5;
	v10 =	vmul.f32 $8.000000000e+00, v10  }
0x31a: {  	v15 =	vld [tilespmem:s1+$0x0];
	[tilespmem:v7+s24+$0x0] =	vst.idx.msk $0xffff, v6;
	v7 =	vadd.s32 v1, v14;
	v6 =	vmov s12  }
0x31b: {  	[tilespmem:v11+s24+$0x0] =	vst.idx.msk $0xffff, v10;
	v6 =	vand.u32 $0x7F, v6;
	v10 =	vld [tilespmem:s0+$0x10]  }
0x31c: {  	v11 =	vmul.f32 $8.000000000e+00, v12;
	v12 =	vadd.s32 v0, v6;
	v16 =	vld [tilespmem:s6+$0x20]  }
0x31d: {  	s17 =	simm.s32 $0x4;
	v17 =	vadd.s32 v1, v4;
	v8 =	vmul.f32 $8.000000000e+00, v8  }
0x31e: {  	v18 =	vadd.s32 v2, v9;
	[tilespmem:v13+s24+$0x0] =	vst.idx.msk $0xffff, v11;
	v11 =	vmov s17;
	v13 =	vld [tilespmem:s1+$0xFFFFFFC0]  }
0x31f: {  	[tilespmem:v7+s24+$0x0] =	vst.idx.msk $0xffff, v8;
	v7 =	vand.u32 $0x7E, v11;
	v8 =	vmul.f32 $8.000000000e+00, v15;
	v11 =	vld [tilespmem:s0+$0xFFFFFFD0]  }
0x320: {  	s20 =	simm.s32 $0x7;
	s15 =	simm.s32 $0x65C0;
	v15 =	vadd.s32 v0, v7;
	v10 =	vmul.f32 $8.000000000e+00, v10;
	v19 =	vld [tilespmem:s6+$0xFFFFFFE0]  }
0x321: {  	v20 =	vld [tilespmem:s15+$0x0];
	[tilespmem:v12+s24+$0x0] =	vst.idx.msk $0xffff, v8;
	v12 =	vadd.s32 v1, v5;
	v16 =	vmul.f32 $8.000000000e+00, v16;
	v8 =	vmov s20  }
0x322: {  	[tilespmem:v17+s24+$0x0] =	vst.idx.msk $0xffff, v10;
	v10 =	vadd.s32 v2, v14;
	v8 =	vand.u32 $0x7F, v8;
	v17 =	vld [tilespmem:s1+$0x10]  }
0x323: {  	v13 =	vmul.f32 $8.000000000e+00, v13;
	[tilespmem:v18+s24+$0x0] =	vst.idx.msk $0xffff, v16;
	v16 =	vadd.s32 v0, v8;
	v18 =	vld [tilespmem:s0+$0x20]  }
0x324: {  	s21 =	simm.s32 $0x6;
	v21 =	vadd.s32 v1, v6;
	v11 =	vmul.f32 $8.000000000e+00, v11;
	v22 =	vld [tilespmem:s6+$0x30]  }
0x325: {  	v23 =	vadd.s32 v2, v4;
	[tilespmem:v15+s24+$0x0] =	vst.idx.msk $0xffff, v13;
	v13 =	vmul.f32 $8.000000000e+00, v19;
	v15 =	vld [tilespmem:s15+$0xFFFFFFC0];
	v19 =	vmov s21  }
0x326: {  	v25 =	vadd.s32 v3, v9;
	[tilespmem:v12+s24+$0x0] =	vst.idx.msk $0xffff, v11;
	v12 =	vmul.f32 $8.000000000e+00, v20;
	v24 =	vld [tilespmem:s1+$0xFFFFFFD0];
	v9 =	vand.u32 $0x7E, v19  }
0x327: {  	[tilespmem:v10+s24+$0x0] =	vst.idx.msk $0xffff, v13;
	v10 =	vmul.f32 $8.000000000e+00, v17;
	v11 =	vld [tilespmem:s0+$0xFFFFFFE0];
	v17 =	vadd.s32 v0, v9  }
0x328: {  	s31 =	simm.s32 $0x9;
	s14 =	simm.s32 $0x6640;
	[tilespmem:v16+s24+$0x0] =	vst.idx.msk $0xffff, v12;
	v20 =	vmul.f32 $8.000000000e+00, v18;
	v12 =	vld [tilespmem:s6+$0xFFFFFFF0];
	v16 =	vadd.s32 v1, v7  }
0x329: {  	v19 =	vld [tilespmem:s14+$0x0];
	v13 =	vadd.s32 v2, v5;
	v18 =	vmov s31;
	[tilespmem:v21+s24+$0x0] =	vst.idx.msk $0xffff, v10;
	v26 =	vmul.f32 $8.000000000e+00, v22  }
0x32a: {  	v14 =	vadd.s32 v3, v14;
	v10 =	vand.u32 $0x7F, v18;
	v18 =	vld [tilespmem:s15+$0x10];
	v22 =	vmul.f32 $8.000000000e+00, v15;
	[tilespmem:v23+s24+$0x0] =	vst.idx.msk $0xffff, v20  }
0x32b: {  	s16 =	simm.s32 $0xA;
	s17 =	simm.s32 $0x8;
	s6 =	simm.s32 $0x6640;
	v20 =	vadd.s32 v0, v10;
	v15 =	vld [tilespmem:s1+$0x20];
	v21 =	vmul.f32 $8.000000000e+00, v24;
	[tilespmem:v25+s24+$0x0] =	vst.idx.msk $0xffff, v26  }
.LBB2_29:
0x32c: {  	p0 =	slt.u32 s16, $0x7E;
	[tilespmem:v17+s24+$0x0] =	vst.idx.msk $0xffff, v22;
	v22 =	vadd.s32 v1, v8;
	v11 =	vmul.f32 $8.000000000e+00, v11;
	v23 =	vld [tilespmem:s0+$0x30]  }
0x32d: {  	v17 =	vmov s17;
	s17 =	smov.u32 s16;
	v24 =	vld [tilespmem:s14+$0xFFFFFFC0];
	[tilespmem:v16+s24+$0x0] =	vst.idx.msk $0xffff, v21;
	v21 =	vadd.s32 v2, v6;
	v12 =	vmul.f32 $8.000000000e+00, v12  }
0x32e: {  	v27 =	vadd.s32 v3, v4;
	v4 =	vmovc v6;
	v25 =	vand.u32 $0x7E, v17;
	v16 =	vmul.f32 $8.000000000e+00, v19;
	v26 =	vld [tilespmem:s15+$0xFFFFFFD0];
	[tilespmem:v13+s24+$0x0] =	vst.idx.msk $0xffff, v11  }
.Ltmp14:
0x32f: {  	v6 =	vmovc v8;
	v8 =	vmov v10;
	v17 =	vadd.s32 v0, v25;
	v13 =	vmul.f32 $8.000000000e+00, v18;
	v11 =	vld [tilespmem:s1+$0xFFFFFFE0];
	[tilespmem:v14+s24+$0x0] =	vst.idx.msk $0xffff, v12;
	(pc) =	sbr.rel @p0 .LBB2_29-.Ltmp14, $4  }
0x330: {  	s12 =	sadd.s32 $0x1, s16;
	s14 =	sadd.s32 $0x80, s14;
	[tilespmem:v20+s24+$0x0] =	vst.idx.msk $0xffff, v16;
	v16 =	vadd.s32 v1, v9;
	v14 =	vmul.f32 $8.000000000e+00, v15;
	v12 =	vld [tilespmem:s0+$0xFFFFFFF0];
	s0 =	smov.u32 s1  }
0x331: {  	v10 =	vmov s12;
	s1 =	smov.u32 s15;
	s15 =	smov.u32 s6;
	s6 =	smov.u32 s14;
	v19 =	vld [tilespmem:s14+$0x0];
	[tilespmem:v22+s24+$0x0] =	vst.idx.msk $0xffff, v13;
	v13 =	vadd.s32 v2, v7;
	v23 =	vmul.f32 $8.000000000e+00, v23  }
0x332: {  	v10 =	vand.u32 $0x7F, v10;
	v22 =	vmul.f32 $8.000000000e+00, v24;
	v18 =	vld [tilespmem:s15+$0x10];
	[tilespmem:v21+s24+$0x0] =	vst.idx.msk $0xffff, v14;
	v14 =	vadd.s32 v3, v5;
	v5 =	vmovc v7  }
0x333: {  	s16 =	sadd.s32 $0x2, s16;
	v20 =	vadd.s32 v0, v10;
	v7 =	vmovc v9;
	v9 =	vmov v25;
	v21 =	vmul.f32 $8.000000000e+00, v26;
	v15 =	vld [tilespmem:s1+$0x20];
	[tilespmem:v27+s24+$0x0] =	vst.idx.msk $0xffff, v23  }
0x334: {  	v23 =	vmov s17;
	v24 =	vld [tilespmem:s14+$0xFFFFFFC0]  }
0x335: {  	v23 =	vand.u32 $0x7E, v23  }
0x336: {  	v25 =	vadd.s32 v0, v23;
	_ =	sdelay $0x1  }
0x337: {  	v19 =	vmul.f32 $8.000000000e+00, v19  }
0x338: {  	[tilespmem:v17+s24+$0x0] =	vst.idx.msk $0xffff, v22;
	v62 =	vmul.f32 $8.000000000e+00, v24  }
0x339: {  	v22 =	vld [tilespmem:s15+$0xFFFFFFD0];
	[tilespmem:v20+s24+$0x0] =	vst.idx.msk $0xffff, v19  }
0x33a: {  	v63 =	vadd.s32 v1, v8;
	v20 =	vld [tilespmem:s6+$0x10];
	[tilespmem:v25+s24+$0x0] =	vst.idx.msk $0xffff, v62  }
0x33b: {  	v28 =	vadd.s32 v1, v9;
	v29 =	vld [tilespmem:s6+$0xFFFFFFD0]  }
0x33c: {  	v30 =	vadd.s32 v1, v10  }
0x33d: {  	v26 =	vadd.s32 v1, v23;
	v18 =	vmul.f32 $8.000000000e+00, v18  }
0x33e: {  	[tilespmem:v16+s24+$0x0] =	vst.idx.msk $0xffff, v21;
	v31 =	vmul.f32 $8.000000000e+00, v22  }
0x33f: {  	v32 =	vld [tilespmem:s1+$0xFFFFFFE0];
	[tilespmem:v63+s24+$0x0] =	vst.idx.msk $0xffff, v18;
	v33 =	vmul.f32 $8.000000000e+00, v20  }
0x340: {  	v34 =	vadd.s32 v2, v6;
	v35 =	vld [tilespmem:s15+$0x20];
	[tilespmem:v28+s24+$0x0] =	vst.idx.msk $0xffff, v31;
	v36 =	vmul.f32 $8.000000000e+00, v29  }
0x341: {  	v11 =	vmul.f32 $8.000000000e+00, v11;
	v37 =	vadd.s32 v2, v7;
	v38 =	vld [tilespmem:s15+$0xFFFFFFE0];
	[tilespmem:v30+s24+$0x0] =	vst.idx.msk $0xffff, v33  }
0x342: {  	v39 =	vadd.s32 v2, v8;
	v12 =	vmul.f32 $8.000000000e+00, v12;
	v40 =	vld [tilespmem:s6+$0x20];
	[tilespmem:v26+s24+$0x0] =	vst.idx.msk $0xffff, v36  }
0x343: {  	v42 =	vadd.s32 v2, v9;
	[tilespmem:v13+s24+$0x0] =	vst.idx.msk $0xffff, v11;
	v41 =	vmul.f32 $8.000000000e+00, v15;
	v43 =	vld [tilespmem:s6+$0xFFFFFFE0]  }
0x344: {  	v44 =	vld [tilespmem:s0+$0x30];
	v46 =	vadd.s32 v2, v10;
	[tilespmem:v14+s24+$0x0] =	vst.idx.msk $0xffff, v12;
	v45 =	vmul.f32 $8.000000000e+00, v32  }
0x345: {  	v49 =	vadd.s32 v2, v23;
	v47 =	vld [tilespmem:s0+$0xFFFFFFF0];
	[tilespmem:v34+s24+$0x0] =	vst.idx.msk $0xffff, v41;
	v48 =	vmul.f32 $8.000000000e+00, v35  }
0x346: {  	v4 =	vadd.s32 v3, v4;
	[tilespmem:v37+s24+$0x0] =	vst.idx.msk $0xffff, v45;
	v20 =	vld [tilespmem:s1+$0x30];
	v50 =	vmul.f32 $8.000000000e+00, v38  }
0x347: {  	v5 =	vadd.s32 v3, v5;
	v51 =	vld [tilespmem:s1+$0xFFFFFFF0];
	[tilespmem:v39+s24+$0x0] =	vst.idx.msk $0xffff, v48;
	v52 =	vmul.f32 $8.000000000e+00, v40  }
0x348: {  	v53 =	vadd.s32 v3, v6;
	v54 =	vld [tilespmem:s15+$0x30];
	[tilespmem:v42+s24+$0x0] =	vst.idx.msk $0xffff, v50;
	v55 =	vmul.f32 $8.000000000e+00, v43  }
0x349: {  	v57 =	vadd.s32 v3, v7;
	v56 =	vmul.f32 $8.000000000e+00, v44;
	v58 =	vld [tilespmem:s15+$0xFFFFFFF0];
	[tilespmem:v46+s24+$0x0] =	vst.idx.msk $0xffff, v52  }
0x34a: {  	v60 =	vadd.s32 v3, v8;
	v59 =	vmul.f32 $8.000000000e+00, v47;
	v14 =	vld [tilespmem:s6+$0x30];
	[tilespmem:v49+s24+$0x0] =	vst.idx.msk $0xffff, v55  }
0x34b: {  	v61 =	vadd.s32 v3, v9;
	[tilespmem:v4+s24+$0x0] =	vst.idx.msk $0xffff, v56;
	v4 =	vmul.f32 $8.000000000e+00, v20;
	v12 =	vld [tilespmem:s6+$0xFFFFFFF0]  }
0x34c: {  	v62 =	vadd.s32 v3, v10;
	[tilespmem:v5+s24+$0x0] =	vst.idx.msk $0xffff, v59;
	v5 =	vmul.f32 $8.000000000e+00, v51  }
0x34d: {  	v63 =	vadd.s32 v3, v23;
	[tilespmem:v53+s24+$0x0] =	vst.idx.msk $0xffff, v4;
	v4 =	vmul.f32 $8.000000000e+00, v54  }
0x34e: {  	[tilespmem:v57+s24+$0x0] =	vst.idx.msk $0xffff, v5;
	v5 =	vmul.f32 $8.000000000e+00, v58  }
0x34f: {  	[tilespmem:v60+s24+$0x0] =	vst.idx.msk $0xffff, v4;
	v4 =	vmul.f32 $8.000000000e+00, v14  }
0x350: {  	[tilespmem:v61+s24+$0x0] =	vst.idx.msk $0xffff, v5;
	v5 =	vmul.f32 $8.000000000e+00, v12  }
0x351: {  	[tilespmem:v62+s24+$0x0] =	vst.idx.msk $0xffff, v4  }
0x352: {  	[tilespmem:v63+s24+$0x0] =	vst.idx.msk $0xffff, v5  }
0x353: {  	s16 =	simm.s32 $0x12400;
	s12 =	rddreg [dreg:$0x5]  }
0x354: {  	[hbm4b:s12+s3] =	stream.linear.scatter [tilespmem:s16], [sflag:$0x4], $0x80, $0x38;
	[tilespmem:$0x16800] =	vst v63  }
0x355: {  	s17 =	simm.s32 $0x12488;
	s20 =	sadd.s32 $0x10, s12  }
0x356: {  	[hbm4b:s20+s3] =	stream.linear.scatter [tilespmem:s17], [sflag:$0x4], $0x80, $0x38;
	[tilespmem:$0x16800] =	vst v63  }
0x357: {  	s21 =	simm.s32 $0x12510;
	s0 =	simm.s32 $0x440;
	s31 =	sadd.s32 $0x20, s12  }
0x358: {  	[hbm4b:s31+s3] =	stream.linear.scatter [tilespmem:s21], [sflag:$0x4], $0x80, $0x38;
	[tilespmem:$0x16800] =	vst v63  }
0x359: {  	s15 =	simm.s32 $0x12620;
	s6 =	simm.s32 $0x12598;
	s14 =	sadd.s32 $0x30, s12  }
0x35a: {  	[hbm4b:s14+s3] =	stream.linear.scatter [tilespmem:s6], [sflag:$0x4], $0x80, $0x38;
	[tilespmem:$0x16800] =	vst v63  }
0x35b: {  	s16 =	sadd.s32 $0x40, s12;
	s1 =	sadd.s32 $0x1000, s12;
	s17 =	simm.s32 $0x126A8  }
0x35c: {  	[hbm4b:s16+s3] =	stream.linear.scatter [tilespmem:s15], [sflag:$0x4], $0x80, $0x38;
	[tilespmem:$0x16800] =	vst v63  }
0x35d: {  	s20 =	sadd.s32 $0x50, s12;
	s21 =	simm.s32 $0x12730;
	s31 =	sadd.s32 $0x60, s12  }
0x35e: {  	[hbm4b:s20+s3] =	stream.linear.scatter [tilespmem:s17], [sflag:$0x4], $0x80, $0x38;
	[tilespmem:$0x16800] =	vst v63  }
0x35f: {  	s6 =	simm.s32 $0x2200;
	s14 =	simm.s32 $0x127B8;
	s15 =	sadd.s32 $0x70, s12  }
0x360: {  	[hbm4b:s31+s3] =	stream.linear.scatter [tilespmem:s21], [sflag:$0x4], $0x80, $0x38;
	[tilespmem:$0x16800] =	vst v63  }
.LBB2_31:
0x361: {  	[hbm4b:s15+s3] =	stream.linear.scatter [tilespmem:s14], [sflag:$0x4], $0x80, $0x38;
	[tilespmem:$0x16800] =	vst v63  }
0x362: {  	s12 =	smov.u32 s0;
	s0 =	smov.u32 s6  }
0x363: {  	s16 =	sadd.s32 $0x1100, s6;
	s0 =	sshra.s32 s0, $0x2;
	s14 =	sadd.s32 $0x12400, s12  }
0x364: {  	[hbm4b:s1+s3] =	stream.linear.scatter [tilespmem:s14], [sflag:$0x4], $0x80, $0x38;
	[tilespmem:$0x16800] =	vst v63  }
0x365: {  	p0 =	sne.s32 s6, $0x7700;
	s6 =	sadd.s32 $0x12488, s12;
	s14 =	sadd.s32 $0x10, s1  }
0x366: {  	[hbm4b:s14+s3] =	stream.linear.scatter [tilespmem:s6], [sflag:$0x4], $0x80, $0x38;
	[tilespmem:$0x16800] =	vst v63  }
0x367: {  	s6 =	sadd.s32 $0x12510, s12;
	s14 =	sadd.s32 $0x20, s1  }
0x368: {  	[hbm4b:s14+s3] =	stream.linear.scatter [tilespmem:s6], [sflag:$0x4], $0x80, $0x38;
	[tilespmem:$0x16800] =	vst v63  }
0x369: {  	s6 =	sadd.s32 $0x12598, s12;
	s14 =	sadd.s32 $0x30, s1  }
0x36a: {  	[hbm4b:s14+s3] =	stream.linear.scatter [tilespmem:s6], [sflag:$0x4], $0x80, $0x38;
	[tilespmem:$0x16800] =	vst v63  }
0x36b: {  	s6 =	sadd.s32 $0x12620, s12;
	s14 =	sadd.s32 $0x40, s1  }
0x36c: {  	[hbm4b:s14+s3] =	stream.linear.scatter [tilespmem:s6], [sflag:$0x4], $0x80, $0x38;
	[tilespmem:$0x16800] =	vst v63  }
.Ltmp15:
0x36d: {  	s6 =	sadd.s32 $0x126A8, s12;
	s14 =	sadd.s32 $0x50, s1;
	(pc) =	sbr.rel @p0 .LBB2_31-.Ltmp15, $4  }
0x36e: {  	[hbm4b:s14+s3] =	stream.linear.scatter [tilespmem:s6], [sflag:$0x4], $0x80, $0x38;
	[tilespmem:$0x16800] =	vst v63  }
0x36f: {  	s15 =	sadd.s32 $0x70, s1;
	s6 =	sadd.s32 $0x12730, s12;
	s14 =	sadd.s32 $0x60, s1  }
0x370: {  	[hbm4b:s14+s3] =	stream.linear.scatter [tilespmem:s6], [sflag:$0x4], $0x80, $0x38;
	[tilespmem:$0x16800] =	vst v63  }
0x371: {  	s1 =	sadd.s32 $0x1000, s1;
	s14 =	sadd.s32 $0x127B8, s12;
	s6 =	smov.u32 s16  }
0x372: {  	[hbm4b:s15+s3] =	stream.linear.scatter [tilespmem:s14], [sflag:$0x4], $0x80, $0x38;
	[tilespmem:$0x16800] =	vst v63  }
0x373: {  	s6 =	sadd.s32 $0x12400, s0  }
0x374: {  	[hbm4b:s1+s3] =	stream.linear.scatter [tilespmem:s6], [sflag:$0x4], $0x80, $0x38;
	[tilespmem:$0x16800] =	vst v63  }
0x375: {  	s16 =	sadd.s32 $0x12488, s0;
	s12 =	sadd.s32 $0x10, s1  }
0x376: {  	[hbm4b:s12+s3] =	stream.linear.scatter [tilespmem:s16], [sflag:$0x4], $0x80, $0x38;
	[tilespmem:$0x16800] =	vst v63  }
0x377: {  	s17 =	sadd.s32 $0x12510, s0;
	s20 =	sadd.s32 $0x20, s1  }
0x378: {  	[hbm4b:s20+s3] =	stream.linear.scatter [tilespmem:s17], [sflag:$0x4], $0x80, $0x38;
	[tilespmem:$0x16800] =	vst v63  }
0x379: {  	s21 =	sadd.s32 $0x12598, s0;
	s31 =	sadd.s32 $0x30, s1  }
0x37a: {  	[hbm4b:s31+s3] =	stream.linear.scatter [tilespmem:s21], [sflag:$0x4], $0x80, $0x38;
	[tilespmem:$0x16800] =	vst v63  }
0x37b: {  	s14 =	sadd.s32 $0x40, s1;
	s12 =	sadd.s32 $0x12620, s0  }
0x37c: {  	[hbm4b:s14+s3] =	stream.linear.scatter [tilespmem:s12], [sflag:$0x4], $0x80, $0x38;
	[tilespmem:$0x16800] =	vst v63  }
0x37d: {  	s15 =	sadd.s32 $0x126A8, s0;
	s16 =	sadd.s32 $0x50, s1  }
0x37e: {  	[hbm4b:s16+s3] =	stream.linear.scatter [tilespmem:s15], [sflag:$0x4], $0x80, $0x38;
	[tilespmem:$0x16800] =	vst v63  }
0x37f: {  	s17 =	sadd.s32 $0x12730, s0;
	s20 =	sadd.s32 $0x60, s1  }
0x380: {  	[hbm4b:s20+s3] =	stream.linear.scatter [tilespmem:s17], [sflag:$0x4], $0x80, $0x38;
	[tilespmem:$0x16800] =	vst v63  }
0x381: {  	s21 =	sadd.s32 $0x127B8, s0;
	s31 =	sadd.s32 $0x70, s1  }
0x382: {  	[hbm4b:s31+s3] =	stream.linear.scatter [tilespmem:s21], [sflag:$0x4], $0x80, $0x38;
	[tilespmem:$0x16800] =	vst v63  }
0x383: {  	_ =	swait.ge [sflag:s29], $0x2000  }
0x384: {  	[sflag:s29] =	ssyncset.done $0x0  }
0x385: {  	s6 =	simm.s32 $0x8470;
	s1 =	simm.s32 $0x1;
	[sflag:s29] =	ssyncadd.s32 $0xFFFFE000  }
0x386: {  	v4 =	vmov s1;
	v5 =	vld [tilespmem:s6+$0xFFFFFFD0]  }
0x387: {  	v9 =	vand.u32 $0x7F, v4  }
0x388: {  	v4 =	vadd.s32 v0, v9  }
0x389: {  	s12 =	simm.s32 $0x0  }
0x38a: {  	v6 =	vmov s12;
	v7 =	vld [tilespmem:s6+$0xFFFFFF90]  }
0x38b: {  	v14 =	vand.u32 $0x7E, v6;
	v5 =	vmul.f32 $8.000000000e+00, v5  }
0x38c: {  	s0 =	simm.s32 $0x84F0;
	s14 =	simm.s32 $0x3;
	v6 =	vadd.s32 v0, v14  }
0x38d: {  	v8 =	vld [tilespmem:s0+$0xFFFFFFD0];
	[tilespmem:v4+s25+$0x0] =	vst.idx.msk $0xffff, v5;
	v4 =	vmov s14  }
0x38e: {  	v4 =	vand.u32 $0x7F, v4;
	v10 =	vld [tilespmem:s6+$0xFFFFFFE0]  }
0x38f: {  	v5 =	vmul.f32 $8.000000000e+00, v7;
	v7 =	vadd.s32 v0, v4  }
0x390: {  	v11 =	vadd.s32 v1, v9;
	s15 =	simm.s32 $0x2  }
0x391: {  	v12 =	vld [tilespmem:s0+$0xFFFFFF90];
	[tilespmem:v6+s25+$0x0] =	vst.idx.msk $0xffff, v5;
	v5 =	vmov s15  }
0x392: {  	v6 =	vmul.f32 $8.000000000e+00, v8;
	v5 =	vand.u32 $0x7E, v5;
	v8 =	vld [tilespmem:s6+$0xFFFFFFA0]  }
0x393: {  	s1 =	simm.s32 $0x8570;
	s16 =	simm.s32 $0x5;
	v13 =	vadd.s32 v0, v5;
	v10 =	vmul.f32 $8.000000000e+00, v10  }
0x394: {  	v15 =	vld [tilespmem:s1+$0xFFFFFFD0];
	[tilespmem:v7+s25+$0x0] =	vst.idx.msk $0xffff, v6;
	v7 =	vadd.s32 v1, v14;
	v6 =	vmov s16  }
0x395: {  	[tilespmem:v11+s25+$0x0] =	vst.idx.msk $0xffff, v10;
	v6 =	vand.u32 $0x7F, v6;
	v10 =	vld [tilespmem:s0+$0xFFFFFFE0]  }
0x396: {  	v11 =	vmul.f32 $8.000000000e+00, v12;
	v12 =	vadd.s32 v0, v6;
	v16 =	vld [tilespmem:s6+$0xFFFFFFF0]  }
0x397: {  	s17 =	simm.s32 $0x4;
	v17 =	vadd.s32 v1, v4;
	v8 =	vmul.f32 $8.000000000e+00, v8  }
0x398: {  	v18 =	vadd.s32 v2, v9;
	[tilespmem:v13+s25+$0x0] =	vst.idx.msk $0xffff, v11;
	v11 =	vmov s17;
	v13 =	vld [tilespmem:s1+$0xFFFFFF90]  }
0x399: {  	[tilespmem:v7+s25+$0x0] =	vst.idx.msk $0xffff, v8;
	v7 =	vand.u32 $0x7E, v11;
	v8 =	vmul.f32 $8.000000000e+00, v15;
	v11 =	vld [tilespmem:s0+$0xFFFFFFA0]  }
0x39a: {  	s20 =	simm.s32 $0x7;
	s15 =	simm.s32 $0x85F0;
	v15 =	vadd.s32 v0, v7;
	v10 =	vmul.f32 $8.000000000e+00, v10;
	v19 =	vld [tilespmem:s6+$0xFFFFFFB0]  }
0x39b: {  	v20 =	vld [tilespmem:s15+$0xFFFFFFD0];
	[tilespmem:v12+s25+$0x0] =	vst.idx.msk $0xffff, v8;
	v12 =	vadd.s32 v1, v5;
	v16 =	vmul.f32 $8.000000000e+00, v16;
	v8 =	vmov s20  }
0x39c: {  	[tilespmem:v17+s25+$0x0] =	vst.idx.msk $0xffff, v10;
	v10 =	vadd.s32 v2, v14;
	v8 =	vand.u32 $0x7F, v8;
	v17 =	vld [tilespmem:s1+$0xFFFFFFE0]  }
0x39d: {  	v13 =	vmul.f32 $8.000000000e+00, v13;
	[tilespmem:v18+s25+$0x0] =	vst.idx.msk $0xffff, v16;
	v16 =	vadd.s32 v0, v8;
	v18 =	vld [tilespmem:s0+$0xFFFFFFF0]  }
0x39e: {  	s21 =	simm.s32 $0x6;
	v21 =	vadd.s32 v1, v6;
	v11 =	vmul.f32 $8.000000000e+00, v11;
	v22 =	vld [tilespmem:s6+$0x0]  }
0x39f: {  	v23 =	vadd.s32 v2, v4;
	[tilespmem:v15+s25+$0x0] =	vst.idx.msk $0xffff, v13;
	v13 =	vmul.f32 $8.000000000e+00, v19;
	v15 =	vld [tilespmem:s15+$0xFFFFFF90];
	v19 =	vmov s21  }
0x3a0: {  	v25 =	vadd.s32 v3, v9;
	[tilespmem:v12+s25+$0x0] =	vst.idx.msk $0xffff, v11;
	v12 =	vmul.f32 $8.000000000e+00, v20;
	v24 =	vld [tilespmem:s1+$0xFFFFFFA0];
	v9 =	vand.u32 $0x7E, v19  }
0x3a1: {  	[tilespmem:v10+s25+$0x0] =	vst.idx.msk $0xffff, v13;
	v10 =	vmul.f32 $8.000000000e+00, v17;
	v11 =	vld [tilespmem:s0+$0xFFFFFFB0];
	v17 =	vadd.s32 v0, v9  }
0x3a2: {  	s31 =	simm.s32 $0x9;
	s14 =	simm.s32 $0x8670;
	[tilespmem:v16+s25+$0x0] =	vst.idx.msk $0xffff, v12;
	v20 =	vmul.f32 $8.000000000e+00, v18;
	v12 =	vld [tilespmem:s6+$0xFFFFFFC0];
	v16 =	vadd.s32 v1, v7  }
0x3a3: {  	v19 =	vld [tilespmem:s14+$0xFFFFFFD0];
	v13 =	vadd.s32 v2, v5;
	v18 =	vmov s31;
	[tilespmem:v21+s25+$0x0] =	vst.idx.msk $0xffff, v10;
	v26 =	vmul.f32 $8.000000000e+00, v22  }
0x3a4: {  	v14 =	vadd.s32 v3, v14;
	v10 =	vand.u32 $0x7F, v18;
	v18 =	vld [tilespmem:s15+$0xFFFFFFE0];
	v22 =	vmul.f32 $8.000000000e+00, v15;
	[tilespmem:v23+s25+$0x0] =	vst.idx.msk $0xffff, v20  }
0x3a5: {  	s16 =	simm.s32 $0xA;
	s17 =	simm.s32 $0x8;
	s6 =	simm.s32 $0x8670;
	v20 =	vadd.s32 v0, v10;
	v15 =	vld [tilespmem:s1+$0xFFFFFFF0];
	v21 =	vmul.f32 $8.000000000e+00, v24;
	[tilespmem:v25+s25+$0x0] =	vst.idx.msk $0xffff, v26  }
.LBB2_33:
0x3a6: {  	p0 =	slt.u32 s16, $0x7E;
	[tilespmem:v17+s25+$0x0] =	vst.idx.msk $0xffff, v22;
	v22 =	vadd.s32 v1, v8;
	v11 =	vmul.f32 $8.000000000e+00, v11;
	v23 =	vld [tilespmem:s0+$0x0]  }
0x3a7: {  	v17 =	vmov s17;
	s17 =	smov.u32 s16;
	v24 =	vld [tilespmem:s14+$0xFFFFFF90];
	[tilespmem:v16+s25+$0x0] =	vst.idx.msk $0xffff, v21;
	v21 =	vadd.s32 v2, v6;
	v12 =	vmul.f32 $8.000000000e+00, v12  }
0x3a8: {  	v27 =	vadd.s32 v3, v4;
	v4 =	vmovc v6;
	v25 =	vand.u32 $0x7E, v17;
	v16 =	vmul.f32 $8.000000000e+00, v19;
	v26 =	vld [tilespmem:s15+$0xFFFFFFA0];
	[tilespmem:v13+s25+$0x0] =	vst.idx.msk $0xffff, v11  }
.Ltmp16:
0x3a9: {  	v6 =	vmovc v8;
	v8 =	vmov v10;
	v17 =	vadd.s32 v0, v25;
	v13 =	vmul.f32 $8.000000000e+00, v18;
	v11 =	vld [tilespmem:s1+$0xFFFFFFB0];
	[tilespmem:v14+s25+$0x0] =	vst.idx.msk $0xffff, v12;
	(pc) =	sbr.rel @p0 .LBB2_33-.Ltmp16, $4  }
0x3aa: {  	s12 =	sadd.s32 $0x1, s16;
	s14 =	sadd.s32 $0x80, s14;
	[tilespmem:v20+s25+$0x0] =	vst.idx.msk $0xffff, v16;
	v16 =	vadd.s32 v1, v9;
	v14 =	vmul.f32 $8.000000000e+00, v15;
	v12 =	vld [tilespmem:s0+$0xFFFFFFC0];
	s0 =	smov.u32 s1  }
0x3ab: {  	v10 =	vmov s12;
	s1 =	smov.u32 s15;
	s15 =	smov.u32 s6;
	s6 =	smov.u32 s14;
	v19 =	vld [tilespmem:s14+$0xFFFFFFD0];
	[tilespmem:v22+s25+$0x0] =	vst.idx.msk $0xffff, v13;
	v13 =	vadd.s32 v2, v7;
	v23 =	vmul.f32 $8.000000000e+00, v23  }
0x3ac: {  	v10 =	vand.u32 $0x7F, v10;
	v22 =	vmul.f32 $8.000000000e+00, v24;
	v18 =	vld [tilespmem:s15+$0xFFFFFFE0];
	[tilespmem:v21+s25+$0x0] =	vst.idx.msk $0xffff, v14;
	v14 =	vadd.s32 v3, v5;
	v5 =	vmovc v7  }
0x3ad: {  	s16 =	sadd.s32 $0x2, s16;
	v20 =	vadd.s32 v0, v10;
	v7 =	vmovc v9;
	v9 =	vmov v25;
	v21 =	vmul.f32 $8.000000000e+00, v26;
	v15 =	vld [tilespmem:s1+$0xFFFFFFF0];
	[tilespmem:v27+s25+$0x0] =	vst.idx.msk $0xffff, v23  }
0x3ae: {  	v23 =	vmov s17;
	v24 =	vld [tilespmem:s14+$0xFFFFFF90]  }
0x3af: {  	v23 =	vand.u32 $0x7E, v23  }
0x3b0: {  	v25 =	vadd.s32 v0, v23;
	_ =	sdelay $0x1  }
0x3b1: {  	v19 =	vmul.f32 $8.000000000e+00, v19  }
0x3b2: {  	[tilespmem:v17+s25+$0x0] =	vst.idx.msk $0xffff, v22;
	v62 =	vmul.f32 $8.000000000e+00, v24  }
0x3b3: {  	v22 =	vld [tilespmem:s15+$0xFFFFFFA0];
	[tilespmem:v20+s25+$0x0] =	vst.idx.msk $0xffff, v19  }
0x3b4: {  	v63 =	vadd.s32 v1, v8;
	v20 =	vld [tilespmem:s6+$0xFFFFFFE0];
	[tilespmem:v25+s25+$0x0] =	vst.idx.msk $0xffff, v62  }
0x3b5: {  	v28 =	vadd.s32 v1, v9;
	v29 =	vld [tilespmem:s6+$0xFFFFFFA0]  }
0x3b6: {  	v30 =	vadd.s32 v1, v10  }
0x3b7: {  	v26 =	vadd.s32 v1, v23;
	v18 =	vmul.f32 $8.000000000e+00, v18  }
0x3b8: {  	[tilespmem:v16+s25+$0x0] =	vst.idx.msk $0xffff, v21;
	v31 =	vmul.f32 $8.000000000e+00, v22  }
0x3b9: {  	v32 =	vld [tilespmem:s1+$0xFFFFFFB0];
	[tilespmem:v63+s25+$0x0] =	vst.idx.msk $0xffff, v18;
	v33 =	vmul.f32 $8.000000000e+00, v20  }
0x3ba: {  	v34 =	vadd.s32 v2, v6;
	v35 =	vld [tilespmem:s15+$0xFFFFFFF0];
	[tilespmem:v28+s25+$0x0] =	vst.idx.msk $0xffff, v31;
	v36 =	vmul.f32 $8.000000000e+00, v29  }
0x3bb: {  	v11 =	vmul.f32 $8.000000000e+00, v11;
	v37 =	vadd.s32 v2, v7;
	v38 =	vld [tilespmem:s15+$0xFFFFFFB0];
	[tilespmem:v30+s25+$0x0] =	vst.idx.msk $0xffff, v33  }
0x3bc: {  	v39 =	vadd.s32 v2, v8;
	v12 =	vmul.f32 $8.000000000e+00, v12;
	v40 =	vld [tilespmem:s6+$0xFFFFFFF0];
	[tilespmem:v26+s25+$0x0] =	vst.idx.msk $0xffff, v36  }
0x3bd: {  	v42 =	vadd.s32 v2, v9;
	[tilespmem:v13+s25+$0x0] =	vst.idx.msk $0xffff, v11;
	v41 =	vmul.f32 $8.000000000e+00, v15;
	v43 =	vld [tilespmem:s6+$0xFFFFFFB0]  }
0x3be: {  	v44 =	vld [tilespmem:s0+$0x0];
	v46 =	vadd.s32 v2, v10;
	[tilespmem:v14+s25+$0x0] =	vst.idx.msk $0xffff, v12;
	v45 =	vmul.f32 $8.000000000e+00, v32  }
0x3bf: {  	v49 =	vadd.s32 v2, v23;
	v47 =	vld [tilespmem:s0+$0xFFFFFFC0];
	[tilespmem:v34+s25+$0x0] =	vst.idx.msk $0xffff, v41;
	v48 =	vmul.f32 $8.000000000e+00, v35  }
0x3c0: {  	v4 =	vadd.s32 v3, v4;
	[tilespmem:v37+s25+$0x0] =	vst.idx.msk $0xffff, v45;
	v20 =	vld [tilespmem:s1+$0x0];
	v50 =	vmul.f32 $8.000000000e+00, v38  }
0x3c1: {  	v5 =	vadd.s32 v3, v5;
	v51 =	vld [tilespmem:s1+$0xFFFFFFC0];
	[tilespmem:v39+s25+$0x0] =	vst.idx.msk $0xffff, v48;
	v52 =	vmul.f32 $8.000000000e+00, v40  }
0x3c2: {  	v53 =	vadd.s32 v3, v6;
	v54 =	vld [tilespmem:s15+$0x0];
	[tilespmem:v42+s25+$0x0] =	vst.idx.msk $0xffff, v50;
	v55 =	vmul.f32 $8.000000000e+00, v43  }
0x3c3: {  	v57 =	vadd.s32 v3, v7;
	v56 =	vmul.f32 $8.000000000e+00, v44;
	v58 =	vld [tilespmem:s15+$0xFFFFFFC0];
	[tilespmem:v46+s25+$0x0] =	vst.idx.msk $0xffff, v52  }
0x3c4: {  	v60 =	vadd.s32 v3, v8;
	v59 =	vmul.f32 $8.000000000e+00, v47;
	v14 =	vld [tilespmem:s6+$0x0];
	[tilespmem:v49+s25+$0x0] =	vst.idx.msk $0xffff, v55  }
0x3c5: {  	v61 =	vadd.s32 v3, v9;
	[tilespmem:v4+s25+$0x0] =	vst.idx.msk $0xffff, v56;
	v4 =	vmul.f32 $8.000000000e+00, v20;
	v12 =	vld [tilespmem:s6+$0xFFFFFFC0]  }
0x3c6: {  	v62 =	vadd.s32 v3, v10;
	[tilespmem:v5+s25+$0x0] =	vst.idx.msk $0xffff, v59;
	v5 =	vmul.f32 $8.000000000e+00, v51  }
0x3c7: {  	v63 =	vadd.s32 v3, v23;
	[tilespmem:v53+s25+$0x0] =	vst.idx.msk $0xffff, v4;
	v4 =	vmul.f32 $8.000000000e+00, v54  }
0x3c8: {  	[tilespmem:v57+s25+$0x0] =	vst.idx.msk $0xffff, v5;
	v5 =	vmul.f32 $8.000000000e+00, v58  }
0x3c9: {  	[tilespmem:v60+s25+$0x0] =	vst.idx.msk $0xffff, v4;
	v4 =	vmul.f32 $8.000000000e+00, v14  }
0x3ca: {  	[tilespmem:v61+s25+$0x0] =	vst.idx.msk $0xffff, v5;
	v5 =	vmul.f32 $8.000000000e+00, v12  }
0x3cb: {  	[tilespmem:v62+s25+$0x0] =	vst.idx.msk $0xffff, v4  }
0x3cc: {  	s20 =	simm.s32 $0x14600;
	[tilespmem:v63+s25+$0x0] =	vst.idx.msk $0xffff, v5  }
0x3cd: {  	[hbm4b:s13+s3] =	stream.linear.scatter [tilespmem:s20], [sflag:$0x5], $0x80, $0x38;
	[tilespmem:$0x16800] =	vst v63  }
0x3ce: {  	s21 =	simm.s32 $0x14688;
	s31 =	sadd.s32 $0x10, s13  }
0x3cf: {  	[hbm4b:s31+s3] =	stream.linear.scatter [tilespmem:s21], [sflag:$0x5], $0x80, $0x38;
	[tilespmem:$0x16800] =	vst v63  }
0x3d0: {  	s12 =	simm.s32 $0x14798;
	s1 =	simm.s32 $0x14710;
	s6 =	sadd.s32 $0x20, s13  }
0x3d1: {  	[hbm4b:s6+s3] =	stream.linear.scatter [tilespmem:s1], [sflag:$0x5], $0x80, $0x38;
	[tilespmem:$0x16800] =	vst v63  }
0x3d2: {  	s14 =	sadd.s32 $0x30, s13;
	s16 =	sadd.s32 $0x40, s13;
	s17 =	simm.s32 $0x148A8  }
0x3d3: {  	[hbm4b:s14+s3] =	stream.linear.scatter [tilespmem:s12], [sflag:$0x5], $0x80, $0x38;
	[tilespmem:$0x16800] =	vst v63  }
0x3d4: {  	s0 =	simm.s32 $0x440;
	s15 =	simm.s32 $0x14820;
	s20 =	sadd.s32 $0x50, s13  }
0x3d5: {  	[hbm4b:s16+s3] =	stream.linear.scatter [tilespmem:s15], [sflag:$0x5], $0x80, $0x38;
	[tilespmem:$0x16800] =	vst v63  }
0x3d6: {  	s21 =	simm.s32 $0x14930;
	s31 =	sadd.s32 $0x60, s13;
	s6 =	simm.s32 $0x2200  }
0x3d7: {  	[hbm4b:s20+s3] =	stream.linear.scatter [tilespmem:s17], [sflag:$0x5], $0x80, $0x38;
	[tilespmem:$0x16800] =	vst v63  }
0x3d8: {  	s1 =	sadd.s32 $0x1000, s13;
	s14 =	simm.s32 $0x149B8;
	s15 =	sadd.s32 $0x70, s13  }
0x3d9: {  	[hbm4b:s31+s3] =	stream.linear.scatter [tilespmem:s21], [sflag:$0x5], $0x80, $0x38;
	[tilespmem:$0x16800] =	vst v63  }
.LBB2_35:
0x3da: {  	[hbm4b:s15+s3] =	stream.linear.scatter [tilespmem:s14], [sflag:$0x5], $0x80, $0x38;
	[tilespmem:$0x16800] =	vst v63  }
0x3db: {  	s12 =	smov.u32 s0;
	s0 =	smov.u32 s6  }
0x3dc: {  	s16 =	sadd.s32 $0x1100, s6;
	s0 =	sshra.s32 s0, $0x2;
	s14 =	sadd.s32 $0x14600, s12  }
0x3dd: {  	[hbm4b:s1+s3] =	stream.linear.scatter [tilespmem:s14], [sflag:$0x5], $0x80, $0x38;
	[tilespmem:$0x16800] =	vst v63  }
0x3de: {  	p0 =	sne.s32 s6, $0x7700;
	s6 =	sadd.s32 $0x14688, s12;
	s14 =	sadd.s32 $0x10, s1  }
0x3df: {  	[hbm4b:s14+s3] =	stream.linear.scatter [tilespmem:s6], [sflag:$0x5], $0x80, $0x38;
	[tilespmem:$0x16800] =	vst v63  }
0x3e0: {  	s6 =	sadd.s32 $0x14710, s12;
	s14 =	sadd.s32 $0x20, s1  }
0x3e1: {  	[hbm4b:s14+s3] =	stream.linear.scatter [tilespmem:s6], [sflag:$0x5], $0x80, $0x38;
	[tilespmem:$0x16800] =	vst v63  }
0x3e2: {  	s6 =	sadd.s32 $0x14798, s12;
	s14 =	sadd.s32 $0x30, s1  }
0x3e3: {  	[hbm4b:s14+s3] =	stream.linear.scatter [tilespmem:s6], [sflag:$0x5], $0x80, $0x38;
	[tilespmem:$0x16800] =	vst v63  }
0x3e4: {  	s6 =	sadd.s32 $0x14820, s12;
	s14 =	sadd.s32 $0x40, s1  }
0x3e5: {  	[hbm4b:s14+s3] =	stream.linear.scatter [tilespmem:s6], [sflag:$0x5], $0x80, $0x38;
	[tilespmem:$0x16800] =	vst v63  }
.Ltmp17:
0x3e6: {  	s6 =	sadd.s32 $0x148A8, s12;
	s14 =	sadd.s32 $0x50, s1;
	(pc) =	sbr.rel @p0 .LBB2_35-.Ltmp17, $4  }
0x3e7: {  	[hbm4b:s14+s3] =	stream.linear.scatter [tilespmem:s6], [sflag:$0x5], $0x80, $0x38;
	[tilespmem:$0x16800] =	vst v63  }
0x3e8: {  	s15 =	sadd.s32 $0x70, s1;
	s6 =	sadd.s32 $0x14930, s12;
	s14 =	sadd.s32 $0x60, s1  }
0x3e9: {  	[hbm4b:s14+s3] =	stream.linear.scatter [tilespmem:s6], [sflag:$0x5], $0x80, $0x38;
	[tilespmem:$0x16800] =	vst v63  }
0x3ea: {  	s1 =	sadd.s32 $0x1000, s1;
	s14 =	sadd.s32 $0x149B8, s12;
	s6 =	smov.u32 s16  }
0x3eb: {  	[hbm4b:s15+s3] =	stream.linear.scatter [tilespmem:s14], [sflag:$0x5], $0x80, $0x38;
	[tilespmem:$0x16800] =	vst v63  }
0x3ec: {  	s6 =	sadd.s32 $0x14600, s0  }
0x3ed: {  	[hbm4b:s1+s3] =	stream.linear.scatter [tilespmem:s6], [sflag:$0x5], $0x80, $0x38;
	[tilespmem:$0x16800] =	vst v63  }
0x3ee: {  	s14 =	sadd.s32 $0x14688, s0;
	s12 =	sadd.s32 $0x10, s1  }
0x3ef: {  	[hbm4b:s12+s3] =	stream.linear.scatter [tilespmem:s14], [sflag:$0x5], $0x80, $0x38;
	[tilespmem:$0x16800] =	vst v63  }
0x3f0: {  	s15 =	sadd.s32 $0x14710, s0;
	s16 =	sadd.s32 $0x20, s1  }
0x3f1: {  	[hbm4b:s16+s3] =	stream.linear.scatter [tilespmem:s15], [sflag:$0x5], $0x80, $0x38;
	[tilespmem:$0x16800] =	vst v63  }
0x3f2: {  	s17 =	sadd.s32 $0x14798, s0;
	s20 =	sadd.s32 $0x30, s1  }
0x3f3: {  	[hbm4b:s20+s3] =	stream.linear.scatter [tilespmem:s17], [sflag:$0x5], $0x80, $0x38;
	[tilespmem:$0x16800] =	vst v63  }
0x3f4: {  	s21 =	sadd.s32 $0x14820, s0;
	s31 =	sadd.s32 $0x40, s1  }
0x3f5: {  	[hbm4b:s31+s3] =	stream.linear.scatter [tilespmem:s21], [sflag:$0x5], $0x80, $0x38;
	[tilespmem:$0x16800] =	vst v63  }
0x3f6: {  	s12 =	sadd.s32 $0x148A8, s0;
	s14 =	sadd.s32 $0x50, s1  }
0x3f7: {  	[hbm4b:s14+s3] =	stream.linear.scatter [tilespmem:s12], [sflag:$0x5], $0x80, $0x38;
	[tilespmem:$0x16800] =	vst v63  }
0x3f8: {  	s15 =	sadd.s32 $0x14930, s0;
	s16 =	sadd.s32 $0x60, s1  }
0x3f9: {  	[hbm4b:s16+s3] =	stream.linear.scatter [tilespmem:s15], [sflag:$0x5], $0x80, $0x38;
	[tilespmem:$0x16800] =	vst v63  }
0x3fa: {  	s17 =	sadd.s32 $0x149B8, s0;
	s20 =	sadd.s32 $0x70, s1  }
0x3fb: {  	[hbm4b:s20+s3] =	stream.linear.scatter [tilespmem:s17], [sflag:$0x5], $0x80, $0x38;
	[tilespmem:$0x16800] =	vst v63  }
0x3fc: {  	_ =	swait.ge [sflag:s28], $0x2000  }
0x3fd: {  	[sflag:s28] =	ssyncset.done $0x0  }
0x3fe: {  	[sflag:s28] =	ssyncadd.s32 $0xFFFFE000  }
0x3ff: {  	_ =	swait.ge [sflag:s29], $0x2000  }
0x400: {  	s21 =	rddreg [dreg:$0x7]  }
0x401: {  	s31 =	rddreg [dreg:$0x6];
	s1 =	sadd.s32 $0x1, s21  }
0x402: {  	p0 =	sne.s32 s1, s31  }
.Ltmp18:
0x403: {  	_ = 	snop;
	(pc) =	sbr.rel @p0 .LBB2_1-.Ltmp18, $3  }
0x404: {  	_ =	sdelay $0x1  }
0x405: {  	[sflag:s29] =	ssyncset.done $0x0  }
0x406: {  	[sflag:s29] =	ssyncadd.s32 $0xFFFFE000  }
0x407: {  	_ =	sfence.sel $0x180000  }
0x408: {  	[bflag:$0x0] =	sbarrier.arrive $0xFFFF  }
0x409: {  	_ =	strace $0x90000047  }
0x40a: {  	s0 =	stileid.u32;
	[bflag:$0x2] =	sbarrier.arrive $0xFFFF  }
0x40b: {  	p0 =	sne.s32 s0, $0x0;
	s0 =	rddreg [dreg:$0x3]  }
0x40c: {  	s0 =	sadd.s32 @!p0 $0x100000, s0  }
0x40d: {  	[sflag:s0] =	ssyncadd.tile.s32 @!p0 $0x1;
	_ =	shalt  }
.Lfunc_end2:
_tile_overlayer_lowered:
.L_overlay_start_2:
0x40e: {  	(tag) =	ssettag $0x2  }
0x40f: {  	s0 =	rddreg [dreg:$0x0];
	s2 =	stileid.u32  }
0x410: {  	s1 =	rddreg [dreg:$0x1];
	p0 =	sne.s32 s2, $0x0  }
0x411: {  	s3 =	rddreg [dreg:$0x2];
	[bflag:$0x3] =	sbarrier.arrive $0xFFFF;
	s2 =	simm.s32 @!p0 $0x1C06  }
0x412: {  	[timem:s3], [sflag:s2] =	dma.local @!p0 [hbm:s0], s1  }
0x413: {  	s0 =	simm.s32 @!p0 $0x6  }
0x414: {  	_ =	swait.ge @!p0 [sflag:s0], s1  }
0x415: {  	s1 =	ssub.s32 @!p0 $0x0, s1;
	[sflag:s0] =	ssyncset.done @!p0 $0x0  }
0x416: {  	[sflag:s0] =	ssyncadd.s32 @!p0 s1  }
0x417: {  	[bflag:$0x3] =	sbarrier.arrive $0xFFFF  }
0x418: {  	_ =	shalt  }

</sc_bundles>
